<compile_context>
chip_gen: v7x
topology: tpu7x:2x2x1
jax: 0.10.2.dev20260603
libtpu: 0.0.44.dev20260713+nightly
codegen_flags: <defaults>
</compile_context>

<pallas_src>
import functools
import jax
import jax.numpy as jnp
import numpy as np
from jax import lax
from jax.experimental import pallas as pl
from jax.experimental.pallas import tpu as pltpu
from jax.experimental.pallas import tpu_sc as plsc

B, LSEQ, HID, KNN, NL, NH = 4, 1024, 128, 30, 3, 4
DH = HID // NH
KP = 32
NE = B * LSEQ * KP
RK = 128
RL = 256
EB = 4096
_SC = 1.0 / np.sqrt(DH)


def _ln(x, s, b):
    mu = jnp.mean(x, axis=-1, keepdims=True)
    v = jnp.mean((x - mu) ** 2, axis=-1, keepdims=True)
    return (x - mu) * jax.lax.rsqrt(v + 1e-5) * s + b


def _dot(a, b):
    return jax.lax.dot_general(a, b, (((1,), (0,)), ((), ())),
                               preferred_element_type=jnp.float32)


def _knn_body(xrow_ref, xcol_ref, d2_ref, off_ref, idx_ref):
    b = pl.program_id(0)
    i0 = pl.program_id(1) * RK
    xr = xrow_ref[0]
    xc = xcol_ref[0]
    d2 = ((xr[:, 0:1] - xc[0:1, :]) ** 2
          + (xr[:, 1:2] - xc[1:2, :]) ** 2
          + (xr[:, 2:3] - xc[2:3, :]) ** 2)
    iota = jax.lax.broadcasted_iota(jnp.int32, (RK, LSEQ), 1)
    row_i = i0 + jax.lax.broadcasted_iota(jnp.int32, (RK, 1), 0)
    d2w = d2
    d2s, offs, idxs = [], [], []
    for _ in range(KNN):
        m = jnp.min(d2w, axis=1, keepdims=True)
        eq = d2w == m
        idx = jnp.min(jnp.where(eq, iota, LSEQ + 1), axis=1, keepdims=True)
        d2s.append(m)
        offs.append(row_i - idx)
        idxs.append(idx)
        d2w = jnp.where(iota == idx, jnp.inf, d2w)
    for _ in range(KP - KNN):
        d2s.append(jnp.zeros((RK, 1), jnp.float32))
        offs.append(jnp.zeros((RK, 1), jnp.int32))
        idxs.append(row_i)
    d2_ref[0] = jnp.concatenate(d2s, axis=1)
    off_ref[0] = jnp.concatenate(offs, axis=1)
    idx_ref[0] = jnp.concatenate(idxs, axis=1) + b * LSEQ


def _run_knn(Xca, XcaT):
    grid = (B, LSEQ // RK)
    return pl.pallas_call(
        _knn_body,
        grid=grid,
        in_specs=[
            pl.BlockSpec((1, RK, 3), lambda b, i: (b, i, 0)),
            pl.BlockSpec((1, 3, LSEQ), lambda b, i: (b, 0, 0)),
        ],
        out_specs=[
            pl.BlockSpec((1, RK, KP), lambda b, i: (b, i, 0)),
            pl.BlockSpec((1, RK, KP), lambda b, i: (b, i, 0)),
            pl.BlockSpec((1, RK, KP), lambda b, i: (b, i, 0)),
        ],
        out_shape=[
            jax.ShapeDtypeStruct((B, LSEQ, KP), jnp.float32),
            jax.ShapeDtypeStruct((B, LSEQ, KP), jnp.int32),
            jax.ShapeDtypeStruct((B, LSEQ, KP), jnp.int32),
        ],
    )(Xca, XcaT)


def _edge_body(d2_ref, off_ref, wpe_ref, wrb_ref, bcomb_ref,
               lns_ref, lnb_ref, wee_ref, bee_ref, out_ref):
    d2 = d2_ref[...]
    off = off_ref[...]
    Dn = jnp.sqrt(d2 + 1e-6)
    mu = 2.0 + (20.0 / 15.0) * jax.lax.broadcasted_iota(
        jnp.int32, (1, 16), 1).astype(jnp.float32)
    sigma = 20.0 / 16.0
    rbf = jnp.exp(-(((Dn - mu) / sigma) ** 2))
    dclip = jnp.clip(off + 32, 0, 64)
    iota65 = jax.lax.broadcasted_iota(jnp.int32, (EB, 65), 1)
    oh = (iota65 == dclip).astype(jnp.float32)
    e = _dot(oh, wpe_ref[...]) + _dot(rbf, wrb_ref[...]) + bcomb_ref[...]
    e = _ln(e, lns_ref[...], lnb_ref[...])
    out_ref[...] = _dot(e, wee_ref[...]) + bee_ref[...]


def _run_edges(d2col, offcol, W_pos, b_pos, W_edge, b_edge, lns, lnb, We, be):
    W_pe = W_pos @ W_edge[:16]
    b_comb = (b_pos @ W_edge[:16] + b_edge).reshape(1, HID)
    full = lambda shape: pl.BlockSpec(shape, lambda i: tuple(0 for _ in shape))
    return pl.pallas_call(
        _edge_body,
        grid=(NE // EB,),
        in_specs=[
            pl.BlockSpec((EB, 1), lambda i: (i, 0)),
            pl.BlockSpec((EB, 1), lambda i: (i, 0)),
            full((65, HID)), full((16, HID)), full((1, HID)),
            full((1, HID)), full((1, HID)), full((HID, HID)), full((1, HID)),
        ],
        out_specs=pl.BlockSpec((EB, HID), lambda i: (i, 0)),
        out_shape=jax.ShapeDtypeStruct((NE, HID), jnp.float32),
    )(d2col, offcol, W_pe, W_edge[16:], b_comb,
      lns.reshape(1, HID), lnb.reshape(1, HID), We, be.reshape(1, HID))


def _unit(v):
    n = jnp.sqrt(jnp.sum(v * v, axis=1, keepdims=True))
    return v / (n + 1e-8)


def _cross(u, v):
    return jnp.concatenate([
        u[:, 1:2] * v[:, 2:3] - u[:, 2:3] * v[:, 1:2],
        u[:, 2:3] * v[:, 0:1] - u[:, 0:1] * v[:, 2:3],
        u[:, 0:1] * v[:, 1:2] - u[:, 1:2] * v[:, 0:1],
    ], axis=1)


def _dih(u2, u1, u0):
    n2 = _unit(_cross(u2, u1))
    n1 = _unit(_cross(u1, u0))
    c = jnp.clip(jnp.sum(n2 * n1, axis=1, keepdims=True), -1.0 + 1e-7, 1.0 - 1e-7)
    s = jnp.sign(jnp.sum(u2 * n1, axis=1, keepdims=True)) * jnp.sqrt(1.0 - c * c)
    return c, s


def _node_body(a0_ref, a1_ref, a2_ref, wn_ref, bn_ref, lns_ref, lnb_ref,
               wv_ref, bv_ref, out_ref):
    a0 = a0_ref[0]; a1 = a1_ref[0]; a2 = a2_ref[0]
    ua = _unit(a1 - a0)
    ub = _unit(a2 - a1)
    a0n = jnp.concatenate([a0[1:, :], a0[-1:, :]], axis=0)
    uc = _unit(a0n - a2)
    ucm = jnp.concatenate([uc[:1, :], uc[:-1, :]], axis=0)
    uap = jnp.concatenate([ua[1:, :], ua[-1:, :]], axis=0)
    c0, s0 = _dih(ucm, ua, ub)
    c1, s1 = _dih(ua, ub, uc)
    c2, s2 = _dih(ub, uc, uap)
    ii = jax.lax.broadcasted_iota(jnp.int32, (LSEQ, 1), 0)
    v0 = ii >= 1
    v12 = ii <= LSEQ - 2
    one = jnp.float32(1.0); zero = jnp.float32(0.0)
    feats = jnp.concatenate([
        jnp.where(v0, c0, one), jnp.where(v12, c1, one), jnp.where(v12, c2, one),
        jnp.where(v0, s0, zero), jnp.where(v12, s1, zero), jnp.where(v12, s2, zero),
        jnp.zeros((LSEQ, 2), jnp.float32),
    ], axis=1)
    v = _dot(feats, wn_ref[...]) + bn_ref[...]
    v = _ln(v, lns_ref[...], lnb_ref[...])
    out_ref[0] = _dot(v, wv_ref[...]) + bv_ref[...]


def _run_nodes(A0, A1, A2, W_node8, b_node, lns, lnb, Wv, bv):
    full = lambda shape: pl.BlockSpec(shape, lambda b: tuple(0 for _ in shape))
    return pl.pallas_call(
        _node_body,
        grid=(B,),
        in_specs=[
            pl.BlockSpec((1, LSEQ, 3), lambda b: (b, 0, 0)),
            pl.BlockSpec((1, LSEQ, 3), lambda b: (b, 0, 0)),
            pl.BlockSpec((1, LSEQ, 3), lambda b: (b, 0, 0)),
            full((8, HID)), full((1, HID)), full((1, HID)), full((1, HID)),
            full((HID, HID)), full((1, HID)),
        ],
        out_specs=pl.BlockSpec((1, LSEQ, HID), lambda b: (b, 0, 0)),
        out_shape=jax.ShapeDtypeStruct((B, LSEQ, HID), jnp.float32),
    )(A0, A1, A2, W_node8, b_node.reshape(1, HID), lns.reshape(1, HID),
      lnb.reshape(1, HID), Wv, bv.reshape(1, HID))


_SC_CHUNK = 128


def _sc_gather(table, idx):
    info = plsc.get_sparse_core_info()
    nw = info.num_cores * info.num_subcores
    b_per_w = NE // nw
    n_chunks = b_per_w // _SC_CHUNK
    mesh = plsc.VectorSubcoreMesh(core_axis_name="c", subcore_axis_name="s")
    idx3 = idx.reshape(nw, n_chunks, _SC_CHUNK)

    @functools.partial(
        pl.kernel, mesh=mesh,
        out_type=jax.ShapeDtypeStruct((NE, HID), jnp.float32),
        scratch_types=[
            pltpu.VMEM((n_chunks, _SC_CHUNK), jnp.int32),
            pltpu.VMEM((_SC_CHUNK, HID), jnp.float32),
            pltpu.VMEM((_SC_CHUNK, HID), jnp.float32),
            pltpu.SemaphoreType.DMA,
            pltpu.SemaphoreType.DMA,
        ],
    )
    def k(table_hbm, idx_hbm, out_hbm, idx_v, rows_a, rows_b, sem_a, sem_b):
        wid = lax.axis_index("s") * info.num_cores + lax.axis_index("c")
        base = wid * b_per_w
        rows = (rows_a, rows_b)
        sems = (sem_a, sem_b)
        pltpu.sync_copy(idx_hbm.at[wid], idx_v)
        pltpu.async_copy(table_hbm.at[idx_v.at[0]], rows_a, sem_a)

        def outer(o, _):
            for b2 in range(2):
                c = 2 * o + b2
                nxt = c + 1

                @pl.when(nxt < n_chunks)
                def _start():
                    pltpu.async_copy(table_hbm.at[idx_v.at[nxt]],
                                     rows[1 - b2], sems[1 - b2])

                pltpu.make_async_copy(table_hbm.at[idx_v.at[c]],
                                      rows[b2], sems[b2]).wait()
                pltpu.sync_copy(rows[b2],
                                out_hbm.at[pl.ds(base + c * _SC_CHUNK, _SC_CHUNK)])
            return _

        lax.fori_loop(0, n_chunks // 2, outer, None)

    return k(table, idx3)


def _attention(hv, G, hEe, wq, bq, wke, wkv, bk, wve, wvv, bva):
    Q = _dot(hv, wq) + bq
    Kt3 = (_dot(hEe, wke) + _dot(G, wkv)).reshape(RL, KP, HID)
    V3 = (_dot(hEe, wve) + _dot(G, wvv)).reshape(RL, KP, HID)
    kmask = jax.lax.broadcasted_iota(jnp.int32, (RL, KP), 1) < KNN
    hU = []
    for h in range(NH):
        sl = slice(h * DH, (h + 1) * DH)
        Qh = Q[:, sl]
        bKh = jnp.sum(Qh * bk[:, sl], axis=1, keepdims=True)
        lg = jnp.sum(Kt3[:, :, sl] * Qh[:, None, :], axis=2)
        logits = jnp.where(kmask, (lg + bKh) * _SC, -1e9)
        mx = jnp.max(logits, axis=1, keepdims=True)
        ex = jnp.exp(logits - mx)
        att = ex / jnp.sum(ex, axis=1, keepdims=True)
        hUh = jnp.sum(V3[:, :, sl] * att[:, :, None], axis=1)
        hU.append(hUh + bva[:, sl])
    return jnp.concatenate(hU, axis=1)


def _layer_body(hv_ref, g_ref, he_ref,
                wq_ref, bq_ref, wke_ref, wkv_ref, bk_ref,
                wve_ref, wvv_ref, bva_ref, wo_ref, bo_ref,
                l1s_ref, l1b_ref, l2s_ref, l2b_ref,
                wf1_ref, bf1_ref, wf2_ref, bf2_ref, out_ref):
    hv = hv_ref[0]
    G = g_ref[0]
    hU = _attention(hv, G, he_ref[0], wq_ref[...], bq_ref[...], wke_ref[...],
                    wkv_ref[...], bk_ref[...], wve_ref[...], wvv_ref[...],
                    bva_ref[...])
    x = _ln(hv + _dot(hU, wo_ref[...]) + bo_ref[...], l1s_ref[...], l1b_ref[...])
    ff = _dot(jnp.maximum(_dot(x, wf1_ref[...]) + bf1_ref[...], 0.0),
              wf2_ref[...]) + bf2_ref[...]
    out_ref[0] = _ln(x + ff, l2s_ref[...], l2b_ref[...])


def _run_layer(hV, G3, hE3, wq, bq, wke, wkv, bk, wve, wvv, bva,
               wo, bo, l1s, l1b, l2s, l2b, wf1, bf1, wf2, bf2):
    full = lambda shape: pl.BlockSpec(shape, lambda b, i: tuple(0 for _ in shape))
    r = lambda w: w.reshape(1, -1)
    return pl.pallas_call(
        _layer_body,
        grid=(B, LSEQ // RL),
        in_specs=[
            pl.BlockSpec((1, RL, HID), lambda b, i: (b, i, 0)),
            pl.BlockSpec((1, RL * KP, HID), lambda b, i: (b, i, 0)),
            pl.BlockSpec((1, RL * KP, HID), lambda b, i: (b, i, 0)),
            full((HID, HID)), full((1, HID)), full((HID, HID)),
            full((HID, HID)), full((1, HID)),
            full((HID, HID)), full((HID, HID)), full((1, HID)),
            full((HID, HID)), full((1, HID)),
            full((1, HID)), full((1, HID)), full((1, HID)), full((1, HID)),
            full((HID, 4 * HID)), full((1, 4 * HID)),
            full((4 * HID, HID)), full((1, HID)),
        ],
        out_specs=pl.BlockSpec((1, RL, HID), lambda b, i: (b, i, 0)),
        out_shape=jax.ShapeDtypeStruct((B, LSEQ, HID), jnp.float32),
    )(hV, G3, hE3, wq, r(bq), wke, wkv, r(bk), wve, wvv, r(bva),
      wo, r(bo), r(l1s), r(l1b), r(l2s), r(l2b), wf1, r(bf1), wf2, r(bf2))


def kernel(X, L, mask, single_res_rel, W_node, b_node, ln_node_s, ln_node_b,
           W_pos, b_pos, W_edge, b_edge, ln_edge_s, ln_edge_b, Wv, bv, We, be,
           WQ, bQ, WK, bK, WVa, bVa, WO, bO, ln1_s, ln1_b, ln2_s, ln2_b,
           Wff1, bff1, Wff2, bff2):
    Xca = X[:, :, 1, :]
    XcaT = jnp.transpose(Xca, (0, 2, 1))
    d2sel, offsel, flatidx = _run_knn(Xca, XcaT)

    hE = _run_edges(d2sel.reshape(NE, 1), offsel.reshape(NE, 1),
                    W_pos, b_pos, W_edge, b_edge, ln_edge_s, ln_edge_b, We, be)
    hE3 = hE.reshape(B, LSEQ * KP, HID)

    W_node8 = jnp.concatenate([W_node, jnp.zeros((2, HID), jnp.float32)], axis=0)
    hV = _run_nodes(X[:, :, 0, :], Xca, X[:, :, 2, :],
                    W_node8, b_node, ln_node_s, ln_node_b, Wv, bv)

    idxflat = flatidx.reshape(NE)
    hidden = []
    for l in range(NL):
        G = _sc_gather(hV.reshape(B * LSEQ, HID), idxflat)
        G3 = G.reshape(B, LSEQ * KP, HID)
        hV = _run_layer(hV, G3, hE3,
                        WQ[l], bQ[l], WK[l][:HID], WK[l][HID:], bK[l],
                        WVa[l][:HID], WVa[l][HID:], bVa[l], WO[l], bO[l],
                        ln1_s[l], ln1_b[l], ln2_s[l], ln2_b[l],
                        Wff1[l], bff1[l], Wff2[l], bff2[l])
        hidden.append(hV)
    return hV, jnp.stack(hidden)

# --- scband reference (transcript-rebuilt; emitter-appended) ---
"""Pipeline reference for scband-structure-transformer-23476291240035 (READ-ONLY COPY).

The authoritative reference and input builder live on the scoring server;
editing this copy changes nothing except your own understanding.
"""

import jax, jax.numpy as jnp
import numpy as np

B, LSEQ, HID, NODE_F, EDGE_F, KNN, NLAYERS, NHEADS = 4, 1024, 128, 128, 128, 30, 3, 4
DH = HID // NHEADS


def _ln(x, s, b):
    mu = jnp.mean(x, axis=-1, keepdims=True)
    v = jnp.mean((x - mu) ** 2, axis=-1, keepdims=True)
    return (x - mu) / jnp.sqrt(v + 1e-5) * s + b


def _unit(v):
    return v / (jnp.linalg.norm(v, axis=-1, keepdims=True) + 1e-8)


def _gather_nodes(nodes, E_idx):
    Bn, Ln, C = nodes.shape
    K = E_idx.shape[-1]
    idx = E_idx.reshape(Bn, Ln * K, 1)
    g = jnp.take_along_axis(nodes, jnp.broadcast_to(idx, (Bn, Ln * K, C)), axis=1)
    return g.reshape(Bn, Ln, K, C)


def _dihedrals(X):
    Bn, Ln = X.shape[0], X.shape[1]
    Xb = X[:, :, :3, :].reshape(Bn, 3 * Ln, 3)
    dX = Xb[:, 1:] - Xb[:, :-1]
    U = _unit(dX)
    u2, u1, u0 = U[:, :-2], U[:, 1:-1], U[:, 2:]
    n2 = _unit(jnp.cross(u2, u1))
    n1 = _unit(jnp.cross(u1, u0))
    cosD = jnp.clip(jnp.sum(n2 * n1, -1), -1.0 + 1e-7, 1.0 - 1e-7)
    D = jnp.sign(jnp.sum(u2 * n1, -1)) * jnp.arccos(cosD)
    D = jnp.pad(D, ((0, 0), (1, 2)))
    D = D.reshape(Bn, Ln, 3)
    return jnp.concatenate([jnp.cos(D), jnp.sin(D)], -1)


def setup_inputs(seed: int = 0) -> dict:
    key = jax.random.key(seed)
    ks = jax.random.split(key, 24)
    def lin(k, fi, fo):
        return (jax.random.normal(k, (fi, fo), dtype=jnp.float32) / np.sqrt(fi)).astype(jnp.float32)
    inp = {}
    inp['X'] = jax.random.normal(ks[0], (B, LSEQ, 4, 3), dtype=jnp.float32) * 3.0
    inp['L'] = jax.random.randint(ks[1], (B,), 0, LSEQ)
    inp['mask'] = jnp.ones((B, LSEQ), dtype=jnp.float32)
    inp['single_res_rel'] = jnp.arange(B * LSEQ, dtype=jnp.int32).reshape(B, LSEQ)
    inp['W_node'] = lin(ks[2], 6, NODE_F); inp['b_node'] = jnp.zeros((NODE_F,), jnp.float32)
    inp['ln_node_s'] = jnp.ones((NODE_F,), jnp.float32); inp['ln_node_b'] = jnp.zeros((NODE_F,), jnp.float32)
    inp['W_pos'] = lin(ks[3], 65, 16); inp['b_pos'] = jnp.zeros((16,), jnp.float32)
    inp['W_edge'] = lin(ks[4], 32, EDGE_F); inp['b_edge'] = jnp.zeros((EDGE_F,), jnp.float32)
    inp['ln_edge_s'] = jnp.ones((EDGE_F,), jnp.float32); inp['ln_edge_b'] = jnp.zeros((EDGE_F,), jnp.float32)
    inp['Wv'] = lin(ks[5], NODE_F, HID); inp['bv'] = jnp.zeros((HID,), jnp.float32)
    inp['We'] = lin(ks[6], EDGE_F, HID); inp['be'] = jnp.zeros((HID,), jnp.float32)
    inp['WQ'] = jax.random.normal(ks[7], (NLAYERS, HID, HID), jnp.float32) / np.sqrt(HID)
    inp['bQ'] = jnp.zeros((NLAYERS, HID), jnp.float32)
    inp['WK'] = jax.random.normal(ks[8], (NLAYERS, 2 * HID, HID), jnp.float32) / np.sqrt(2 * HID)
    inp['bK'] = jnp.zeros((NLAYERS, HID), jnp.float32)
    inp['WVa'] = jax.random.normal(ks[9], (NLAYERS, 2 * HID, HID), jnp.float32) / np.sqrt(2 * HID)
    inp['bVa'] = jnp.zeros((NLAYERS, HID), jnp.float32)
    inp['WO'] = jax.random.normal(ks[10], (NLAYERS, HID, HID), jnp.float32) / np.sqrt(HID)
    inp['bO'] = jnp.zeros((NLAYERS, HID), jnp.float32)
    inp['ln1_s'] = jnp.ones((NLAYERS, HID), jnp.float32); inp['ln1_b'] = jnp.zeros((NLAYERS, HID), jnp.float32)
    inp['ln2_s'] = jnp.ones((NLAYERS, HID), jnp.float32); inp['ln2_b'] = jnp.zeros((NLAYERS, HID), jnp.float32)
    inp['Wff1'] = jax.random.normal(ks[11], (NLAYERS, HID, 4 * HID), jnp.float32) / np.sqrt(HID)
    inp['bff1'] = jnp.zeros((NLAYERS, 4 * HID), jnp.float32)
    inp['Wff2'] = jax.random.normal(ks[12], (NLAYERS, 4 * HID, HID), jnp.float32) / np.sqrt(4 * HID)
    inp['bff2'] = jnp.zeros((NLAYERS, HID), jnp.float32)
    return inp


def reference(X, L, mask, single_res_rel, W_node, b_node, ln_node_s, ln_node_b, W_pos, b_pos, W_edge, b_edge, ln_edge_s, ln_edge_b, Wv, bv, We, be, WQ, bQ, WK, bK, WVa, bVa, WO, bO, ln1_s, ln1_b, ln2_s, ln2_b, Wff1, bff1, Wff2, bff2):
    mask = mask.astype(jnp.float32)
    # ---- ProteinMPNNFeatures ----
    Xca = X[:, :, 1, :]
    mask2 = mask[:, :, None] * mask[:, None, :]
    dX = Xca[:, :, None, :] - Xca[:, None, :, :]
    D = jnp.sqrt(jnp.sum(dX ** 2, -1) + 1e-6)
    D = mask2 * D
    Dmax = jnp.max(D, axis=(1, 2), keepdims=True)
    Dadj = D + (1.0 - mask2) * Dmax
    negv, E_idx = jax.lax.top_k(-Dadj, KNN)
    Dn = -negv
    mu = jnp.linspace(2.0, 22.0, 16)
    sigma = (22.0 - 2.0) / 16.0
    RBF = jnp.exp(-(((Dn[..., None] - mu) / sigma) ** 2))
    offset_full = single_res_rel[:, :, None] - single_res_rel[:, None, :]
    off = jnp.take_along_axis(offset_full, E_idx, axis=2)
    dclip = jnp.clip(off + 32, 0, 64)
    oh = jax.nn.one_hot(dclip, 65, dtype=jnp.float32)
    Epos = oh @ W_pos + b_pos
    E = jnp.concatenate([Epos, RBF], -1) @ W_edge + b_edge
    E = _ln(E, ln_edge_s, ln_edge_b)
    V = _dihedrals(X) @ W_node + b_node
    V = _ln(V, ln_node_s, ln_node_b)
    # ---- encoder ----
    hV = V @ Wv + bv
    hE = E @ We + be
    mA = _gather_nodes(mask[..., None], E_idx)[..., 0]
    mA = mask[..., None] * mA
    hidden = []
    for l in range(NLAYERS):
        hEV = jnp.concatenate([hE, _gather_nodes(hV, E_idx)], -1)
        Q = (hV @ WQ[l] + bQ[l]).reshape(B, LSEQ, NHEADS, DH)
        Kt = (hEV @ WK[l] + bK[l]).reshape(B, LSEQ, KNN, NHEADS, DH)
        Vt = (hEV @ WVa[l] + bVa[l]).reshape(B, LSEQ, KNN, NHEADS, DH)
        logits = jnp.einsum('blhd,blkhd->blhk', Q, Kt) / np.sqrt(DH)
        m = mA[:, :, None, :]
        logits = jnp.where(m > 0, logits, -1e9)
        att = jax.nn.softmax(logits, axis=-1) * m
        hU = jnp.einsum('blhk,blkhd->blhd', att, Vt).reshape(B, LSEQ, HID)
        dh = hU @ WO[l] + bO[l]
        hV = _ln(hV + dh, ln1_s[l], ln1_b[l])
        dh = jax.nn.relu(hV @ Wff1[l] + bff1[l]) @ Wff2[l] + bff2[l]
        hV = _ln(hV + dh, ln2_s[l], ln2_b[l])
        hidden.append(hV)
    return hV, jnp.stack(hidden)

if __name__ == "__main__":
    import jax
    _d = setup_inputs()
    print(jax.jit(kernel)(*tuple(_d.values())))

</pallas_src>

<mosaic_0001>
#map = affine_map<(d0, d1) -> (0, 0)>
#map1 = affine_map<(d0, d1) -> (0, 0, 0)>
module attributes {stable_mosaic.version = 14 : i64} {
  func.func @k(%arg0: i32, %arg1: i32, %arg2: memref<4096x128xf32, #tpu.memory_space<hbm>>, %arg3: memref<32x32x128xi32, #tpu.memory_space<hbm>>, %arg4: memref<131072x128xf32, #tpu.memory_space<hbm>>, %arg5: memref<32x128xi32, #tpu.memory_space<vmem>>, %arg6: memref<128x128xf32, #tpu.memory_space<vmem>>, %arg7: memref<128x128xf32, #tpu.memory_space<vmem>>, %arg8: memref<!tpu.dma_semaphore, #tpu.memory_space<semaphore_mem>>, %arg9: memref<!tpu.dma_semaphore, #tpu.memory_space<semaphore_mem>>) attributes {dimension_semantics = [#tpu.dimension_semantics<core_parallel>, #tpu.dimension_semantics<subcore_parallel>], iteration_bounds = array<i64: 2, 16>, scalar_prefetch = 0 : i64, scratch_operands = 5 : i64, tpu.core_type = #tpu.core_type<sc_vector_subcore>, window_params = [{transform_indices = #map}, {transform_indices = #map1}, {transform_indices = #map}]} {
    %mul3A = arith.constant 2 : i32
    %mul3A_0 = arith.muli %arg1, %mul3A : i32
    %add3A = arith.addi %mul3A_0, %arg0 : i32
    %mul3A_1 = arith.constant 4096 : i32
    %mul3A_2 = arith.muli %add3A, %mul3A_1 : i32
    "tpu.region"() ({
      %run_scoped3A = tpu.sem_alloc : memref<!tpu.dma_semaphore, #tpu.memory_space<semaphore_mem>>
      %dma_start3A_13 = arith.constant 0 : i32
      %dma_start3A_14 = arith.constant 0 : i32
      %dma_start3A_15 = tpu.memref_slice %arg3[%add3A, %dma_start3A_13, %dma_start3A_14] : memref<32x32x128xi32, #tpu.memory_space<hbm>> -> memref<1x32x128xi32, #tpu.memory_space<hbm>>
      %dma_start3A_16 = tpu.memref_squeeze %dma_start3A_15 : memref<1x32x128xi32, #tpu.memory_space<hbm>> -> memref<32x128xi32, #tpu.memory_space<hbm>>
      %dma_start3A_17 = arith.constant 0 : i32
      %dma_start3A_18 = arith.constant 0 : i32
      %dma_start3A_19 = tpu.memref_slice %arg3[%add3A, %dma_start3A_17, %dma_start3A_18] : memref<32x32x128xi32, #tpu.memory_space<hbm>> -> memref<1x32x128xi32, #tpu.memory_space<hbm>>
      %dma_start3A_20 = tpu.memref_squeeze %dma_start3A_19 : memref<1x32x128xi32, #tpu.memory_space<hbm>> -> memref<32x128xi32, #tpu.memory_space<hbm>>
      tpu.enqueue_dma source(%dma_start3A_20 : memref<32x128xi32, #tpu.memory_space<hbm>>) target(%arg5 : memref<32x128xi32, #tpu.memory_space<vmem>>) target_semaphore(%run_scoped3A : memref<!tpu.dma_semaphore, #tpu.memory_space<semaphore_mem>>)
      %dma_wait3A = arith.constant 0 : i32
      %dma_wait3A_21 = arith.constant 0 : i32
      %dma_wait3A_22 = tpu.memref_slice %arg3[%add3A, %dma_wait3A, %dma_wait3A_21] : memref<32x32x128xi32, #tpu.memory_space<hbm>> -> memref<1x32x128xi32, #tpu.memory_space<hbm>>
      %dma_wait3A_23 = tpu.memref_squeeze %dma_wait3A_22 : memref<1x32x128xi32, #tpu.memory_space<hbm>> -> memref<32x128xi32, #tpu.memory_space<hbm>>
      %dma_wait3A_24 = arith.constant 0 : i32
      %dma_wait3A_25 = arith.constant 0 : i32
      %dma_wait3A_26 = tpu.memref_slice %arg3[%add3A, %dma_wait3A_24, %dma_wait3A_25] : memref<32x32x128xi32, #tpu.memory_space<hbm>> -> memref<1x32x128xi32, #tpu.memory_space<hbm>>
      %dma_wait3A_27 = tpu.memref_squeeze %dma_wait3A_26 : memref<1x32x128xi32, #tpu.memory_space<hbm>> -> memref<32x128xi32, #tpu.memory_space<hbm>>
      tpu.wait_dma2 semaphore(%run_scoped3A : memref<!tpu.dma_semaphore, #tpu.memory_space<semaphore_mem>>) src(%dma_wait3A_27 : memref<32x128xi32, #tpu.memory_space<hbm>>) dst(%arg5 : memref<32x128xi32, #tpu.memory_space<vmem>>)
      tpu.yield
    }) : () -> ()
    %dma_start3A = arith.constant 0 : i32
    %dma_start3A_3 = arith.constant 0 : i32
    %dma_start3A_4 = tpu.memref_slice %arg5[%dma_start3A, %dma_start3A_3] : memref<32x128xi32, #tpu.memory_space<vmem>> -> memref<1x128xi32, #tpu.memory_space<vmem>>
    %dma_start3A_5 = tpu.memref_squeeze %dma_start3A_4 : memref<1x128xi32, #tpu.memory_space<vmem>> -> memref<128xi32, #tpu.memory_space<vmem>>
    %dma_start3A_6 = arith.constant 0 : i32
    %dma_start3A_7 = arith.constant 0 : i32
    %dma_start3A_8 = tpu.memref_slice %arg2[%dma_start3A_6, %dma_start3A_7] : memref<4096x128xf32, #tpu.memory_space<hbm>> -> memref<4096x128xf32, #tpu.memory_space<hbm>>
    tpu.enqueue_indirect_dma source(%dma_start3A_8 : memref<4096x128xf32, #tpu.memory_space<hbm>>) target(%arg6 : memref<128x128xf32, #tpu.memory_space<vmem>>) offsets(%dma_start3A_5 : memref<128xi32, #tpu.memory_space<vmem>>) semaphore(%arg8 : memref<!tpu.dma_semaphore, #tpu.memory_space<semaphore_mem>>)
    %scan3A = arith.constant 0 : i32
    %scan3A_9 = arith.constant 16 : i32
    %scan3A_10 = arith.addi %scan3A, %scan3A_9 : i32
    %scan3A_11 = arith.constant 1 : i32
    scf.for %scan3A_13 = %scan3A to %scan3A_10 step %scan3A_11  : i32 {
      %mul3A_14 = arith.constant 2 : i32
      %mul3A_15 = arith.muli %mul3A_14, %scan3A_13 : i32
      %add3A_16 = arith.constant 0 : i32
      %add3A_17 = arith.addi %mul3A_15, %add3A_16 : i32
      %add3A_18 = arith.constant 1 : i32
      %add3A_19 = arith.addi %add3A_17, %add3A_18 : i32
      %lt3A = arith.constant 32 : i32
      %lt3A_20 = arith.cmpi slt, %add3A_19, %lt3A : i32
      %convert_element_type3A = arith.extui %lt3A_20 : i1 to i32
      %cond3A = arith.constant 0 : i32
      %cond3A_21 = arith.cmpi ne, %convert_element_type3A, %cond3A : i32
      scf.if %cond3A_21 {
        %dma_start3A_50 = arith.constant 0 : i32
        %dma_start3A_51 = tpu.memref_slice %arg5[%add3A_19, %dma_start3A_50] : memref<32x128xi32, #tpu.memory_space<vmem>> -> memref<1x128xi32, #tpu.memory_space<vmem>>
        %dma_start3A_52 = tpu.memref_squeeze %dma_start3A_51 : memref<1x128xi32, #tpu.memory_space<vmem>> -> memref<128xi32, #tpu.memory_space<vmem>>
        %dma_start3A_53 = arith.constant 0 : i32
        %dma_start3A_54 = arith.constant 0 : i32
        %dma_start3A_55 = tpu.memref_slice %arg2[%dma_start3A_53, %dma_start3A_54] : memref<4096x128xf32, #tpu.memory_space<hbm>> -> memref<4096x128xf32, #tpu.memory_space<hbm>>
        tpu.enqueue_indirect_dma source(%dma_start3A_55 : memref<4096x128xf32, #tpu.memory_space<hbm>>) target(%arg7 : memref<128x128xf32, #tpu.memory_space<vmem>>) offsets(%dma_start3A_52 : memref<128xi32, #tpu.memory_space<vmem>>) semaphore(%arg9 : memref<!tpu.dma_semaphore, #tpu.memory_space<semaphore_mem>>)
      } else {
      }
      %dma_wait3A = arith.constant 0 : i32
      %dma_wait3A_22 = tpu.memref_slice %arg5[%add3A_17, %dma_wait3A] : memref<32x128xi32, #tpu.memory_space<vmem>> -> memref<1x128xi32, #tpu.memory_space<vmem>>
      %dma_wait3A_23 = tpu.memref_squeeze %dma_wait3A_22 : memref<1x128xi32, #tpu.memory_space<vmem>> -> memref<128xi32, #tpu.memory_space<vmem>>
      %dma_wait3A_24 = arith.constant 0 : i32
      %dma_wait3A_25 = arith.constant 0 : i32
      %dma_wait3A_26 = tpu.memref_slice %arg2[%dma_wait3A_24, %dma_wait3A_25] : memref<4096x128xf32, #tpu.memory_space<hbm>> -> memref<4096x128xf32, #tpu.memory_space<hbm>>
      tpu.wait_indirect_dma semaphore(%arg8 : memref<!tpu.dma_semaphore, #tpu.memory_space<semaphore_mem>>) src(%dma_wait3A_26 : memref<4096x128xf32, #tpu.memory_space<hbm>>) dst(%arg6 : memref<128x128xf32, #tpu.memory_space<vmem>>)
      %mul3A_27 = arith.constant 128 : i32
      %mul3A_28 = arith.muli %add3A_17, %mul3A_27 : i32
      %add3A_29 = arith.addi %mul3A_2, %mul3A_28 : i32
      "tpu.region"() ({
        %run_scoped3A = tpu.sem_alloc : memref<!tpu.dma_semaphore, #tpu.memory_space<semaphore_mem>>
        %dma_start3A_50 = arith.constant 0 : i32
        %dma_start3A_51 = tpu.memref_slice %arg4[%add3A_29, %dma_start3A_50] : memref<131072x128xf32, #tpu.memory_space<hbm>> -> memref<128x128xf32, #tpu.memory_space<hbm>>
        %dma_start3A_52 = arith.constant 0 : i32
        %dma_start3A_53 = tpu.memref_slice %arg4[%add3A_29, %dma_start3A_52] : memref<131072x128xf32, #tpu.memory_space<hbm>> -> memref<128x128xf32, #tpu.memory_space<hbm>>
        tpu.enqueue_dma source(%arg6 : memref<128x128xf32, #tpu.memory_space<vmem>>) target(%dma_start3A_53 : memref<128x128xf32, #tpu.memory_space<hbm>>) target_semaphore(%run_scoped3A : memref<!tpu.dma_semaphore, #tpu.memory_space<semaphore_mem>>)
        %dma_wait3A_54 = arith.constant 0 : i32
        %dma_wait3A_55 = tpu.memref_slice %arg4[%add3A_29, %dma_wait3A_54] : memref<131072x128xf32, #tpu.memory_space<hbm>> -> memref<128x128xf32, #tpu.memory_space<hbm>>
        %dma_wait3A_56 = arith.constant 0 : i32
        %dma_wait3A_57 = tpu.memref_slice %arg4[%add3A_29, %dma_wait3A_56] : memref<131072x128xf32, #tpu.memory_space<hbm>> -> memref<128x128xf32, #tpu.memory_space<hbm>>
        tpu.wait_dma2 semaphore(%run_scoped3A : memref<!tpu.dma_semaphore, #tpu.memory_space<semaphore_mem>>) src(%arg6 : memref<128x128xf32, #tpu.memory_space<vmem>>) dst(%dma_wait3A_57 : memref<128x128xf32, #tpu.memory_space<hbm>>)
        tpu.yield
      }) : () -> ()
      %mul3A_30 = arith.constant 2 : i32
      %mul3A_31 = arith.muli %mul3A_30, %scan3A_13 : i32
      %add3A_32 = arith.constant 1 : i32
      %add3A_33 = arith.addi %mul3A_31, %add3A_32 : i32
      %add3A_34 = arith.constant 1 : i32
      %add3A_35 = arith.addi %add3A_33, %add3A_34 : i32
      %lt3A_36 = arith.constant 32 : i32
      %lt3A_37 = arith.cmpi slt, %add3A_35, %lt3A_36 : i32
      %convert_element_type3A_38 = arith.extui %lt3A_37 : i1 to i32
      %cond3A_39 = arith.constant 0 : i32
      %cond3A_40 = arith.cmpi ne, %convert_element_type3A_38, %cond3A_39 : i32
      scf.if %cond3A_40 {
        %dma_start3A_50 = arith.constant 0 : i32
        %dma_start3A_51 = tpu.memref_slice %arg5[%add3A_35, %dma_start3A_50] : memref<32x128xi32, #tpu.memory_space<vmem>> -> memref<1x128xi32, #tpu.memory_space<vmem>>
        %dma_start3A_52 = tpu.memref_squeeze %dma_start3A_51 : memref<1x128xi32, #tpu.memory_space<vmem>> -> memref<128xi32, #tpu.memory_space<vmem>>
        %dma_start3A_53 = arith.constant 0 : i32
        %dma_start3A_54 = arith.constant 0 : i32
        %dma_start3A_55 = tpu.memref_slice %arg2[%dma_start3A_53, %dma_start3A_54] : memref<4096x128xf32, #tpu.memory_space<hbm>> -> memref<4096x128xf32, #tpu.memory_space<hbm>>
        tpu.enqueue_indirect_dma source(%dma_start3A_55 : memref<4096x128xf32, #tpu.memory_space<hbm>>) target(%arg6 : memref<128x128xf32, #tpu.memory_space<vmem>>) offsets(%dma_start3A_52 : memref<128xi32, #tpu.memory_space<vmem>>) semaphore(%arg8 : memref<!tpu.dma_semaphore, #tpu.memory_space<semaphore_mem>>)
      } else {
      }
      %dma_wait3A_41 = arith.constant 0 : i32
      %dma_wait3A_42 = tpu.memref_slice %arg5[%add3A_33, %dma_wait3A_41] : memref<32x128xi32, #tpu.memory_space<vmem>> -> memref<1x128xi32, #tpu.memory_space<vmem>>
      %dma_wait3A_43 = tpu.memref_squeeze %dma_wait3A_42 : memref<1x128xi32, #tpu.memory_space<vmem>> -> memref<128xi32, #tpu.memory_space<vmem>>
      %dma_wait3A_44 = arith.constant 0 : i32
      %dma_wait3A_45 = arith.constant 0 : i32
      %dma_wait3A_46 = tpu.memref_slice %arg2[%dma_wait3A_44, %dma_wait3A_45] : memref<4096x128xf32, #tpu.memory_space<hbm>> -> memref<4096x128xf32, #tpu.memory_space<hbm>>
      tpu.wait_indirect_dma semaphore(%arg9 : memref<!tpu.dma_semaphore, #tpu.memory_space<semaphore_mem>>) src(%dma_wait3A_46 : memref<4096x128xf32, #tpu.memory_space<hbm>>) dst(%arg7 : memref<128x128xf32, #tpu.memory_space<vmem>>)
      %mul3A_47 = arith.constant 128 : i32
      %mul3A_48 = arith.muli %add3A_33, %mul3A_47 : i32
      %add3A_49 = arith.addi %mul3A_2, %mul3A_48 : i32
      "tpu.region"() ({
        %run_scoped3A = tpu.sem_alloc : memref<!tpu.dma_semaphore, #tpu.memory_space<semaphore_mem>>
        %dma_start3A_50 = arith.constant 0 : i32
        %dma_start3A_51 = tpu.memref_slice %arg4[%add3A_49, %dma_start3A_50] : memref<131072x128xf32, #tpu.memory_space<hbm>> -> memref<128x128xf32, #tpu.memory_space<hbm>>
        %dma_start3A_52 = arith.constant 0 : i32
        %dma_start3A_53 = tpu.memref_slice %arg4[%add3A_49, %dma_start3A_52] : memref<131072x128xf32, #tpu.memory_space<hbm>> -> memref<128x128xf32, #tpu.memory_space<hbm>>
        tpu.enqueue_dma source(%arg7 : memref<128x128xf32, #tpu.memory_space<vmem>>) target(%dma_start3A_53 : memref<128x128xf32, #tpu.memory_space<hbm>>) target_semaphore(%run_scoped3A : memref<!tpu.dma_semaphore, #tpu.memory_space<semaphore_mem>>)
        %dma_wait3A_54 = arith.constant 0 : i32
        %dma_wait3A_55 = tpu.memref_slice %arg4[%add3A_49, %dma_wait3A_54] : memref<131072x128xf32, #tpu.memory_space<hbm>> -> memref<128x128xf32, #tpu.memory_space<hbm>>
        %dma_wait3A_56 = arith.constant 0 : i32
        %dma_wait3A_57 = tpu.memref_slice %arg4[%add3A_49, %dma_wait3A_56] : memref<131072x128xf32, #tpu.memory_space<hbm>> -> memref<128x128xf32, #tpu.memory_space<hbm>>
        tpu.wait_dma2 semaphore(%run_scoped3A : memref<!tpu.dma_semaphore, #tpu.memory_space<semaphore_mem>>) src(%arg7 : memref<128x128xf32, #tpu.memory_space<vmem>>) dst(%dma_wait3A_57 : memref<128x128xf32, #tpu.memory_space<hbm>>)
        tpu.yield
      }) : () -> ()
    }
    %scan3A_12 = arith.constant 16 : i32
    return
  }
}

#map = affine_map<(d0, d1) -> (0, 0)>
#map1 = affine_map<(d0, d1) -> (0, 0, 0)>
module attributes {stable_mosaic.version = 14 : i64} {
  func.func @k(%arg0: i32, %arg1: i32, %arg2: memref<4096x128xf32, #tpu.memory_space<hbm>>, %arg3: memref<32x32x128xi32, #tpu.memory_space<hbm>>, %arg4: memref<131072x128xf32, #tpu.memory_space<hbm>>, %arg5: memref<32x128xi32, #tpu.memory_space<vmem>>, %arg6: memref<128x128xf32, #tpu.memory_space<vmem>>, %arg7: memref<128x128xf32, #tpu.memory_space<vmem>>, %arg8: memref<!tpu.dma_semaphore, #tpu.memory_space<semaphore_mem>>, %arg9: memref<!tpu.dma_semaphore, #tpu.memory_space<semaphore_mem>>) attributes {dimension_semantics = [#tpu.dimension_semantics<core_parallel>, #tpu.dimension_semantics<subcore_parallel>], iteration_bounds = array<i64: 2, 16>, scalar_prefetch = 0 : i64, scratch_operands = 5 : i64, tpu.core_type = #tpu.core_type<sc_vector_subcore>, window_params = [{transform_indices = #map}, {transform_indices = #map1}, {transform_indices = #map}]} {
    %mul3A = arith.constant 2 : i32
    %mul3A_0 = arith.muli %arg1, %mul3A : i32
    %add3A = arith.addi %mul3A_0, %arg0 : i32
    %mul3A_1 = arith.constant 4096 : i32
    %mul3A_2 = arith.muli %add3A, %mul3A_1 : i32
    "tpu.region"() ({
      %run_scoped3A = tpu.sem_alloc : memref<!tpu.dma_semaphore, #tpu.memory_space<semaphore_mem>>
      %dma_start3A_13 = arith.constant 0 : i32
      %dma_start3A_14 = arith.constant 0 : i32
      %dma_start3A_15 = tpu.memref_slice %arg3[%add3A, %dma_start3A_13, %dma_start3A_14] : memref<32x32x128xi32, #tpu.memory_space<hbm>> -> memref<1x32x128xi32, #tpu.memory_space<hbm>>
      %dma_start3A_16 = tpu.memref_squeeze %dma_start3A_15 : memref<1x32x128xi32, #tpu.memory_space<hbm>> -> memref<32x128xi32, #tpu.memory_space<hbm>>
      %dma_start3A_17 = arith.constant 0 : i32
      %dma_start3A_18 = arith.constant 0 : i32
      %dma_start3A_19 = tpu.memref_slice %arg3[%add3A, %dma_start3A_17, %dma_start3A_18] : memref<32x32x128xi32, #tpu.memory_space<hbm>> -> memref<1x32x128xi32, #tpu.memory_space<hbm>>
      %dma_start3A_20 = tpu.memref_squeeze %dma_start3A_19 : memref<1x32x128xi32, #tpu.memory_space<hbm>> -> memref<32x128xi32, #tpu.memory_space<hbm>>
      tpu.enqueue_dma source(%dma_start3A_20 : memref<32x128xi32, #tpu.memory_space<hbm>>) target(%arg5 : memref<32x128xi32, #tpu.memory_space<vmem>>) target_semaphore(%run_scoped3A : memref<!tpu.dma_semaphore, #tpu.memory_space<semaphore_mem>>)
      %dma_wait3A = arith.constant 0 : i32
      %dma_wait3A_21 = arith.constant 0 : i32
      %dma_wait3A_22 = tpu.memref_slice %arg3[%add3A, %dma_wait3A, %dma_wait3A_21] : memref<32x32x128xi32, #tpu.memory_space<hbm>> -> memref<1x32x128xi32, #tpu.memory_space<hbm>>
      %dma_wait3A_23 = tpu.memref_squeeze %dma_wait3A_22 : memref<1x32x128xi32, #tpu.memory_space<hbm>> -> memref<32x128xi32, #tpu.memory_space<hbm>>
      %dma_wait3A_24 = arith.constant 0 : i32
      %dma_wait3A_25 = arith.constant 0 : i32
      %dma_wait3A_26 = tpu.memref_slice %arg3[%add3A, %dma_wait3A_24, %dma_wait3A_25] : memref<32x32x128xi32, #tpu.memory_space<hbm>> -> memref<1x32x128xi32, #tpu.memory_space<hbm>>
      %dma_wait3A_27 = tpu.memref_squeeze %dma_wait3A_26 : memref<1x32x128xi32, #tpu.memory_space<hbm>> -> memref<32x128xi32, #tpu.memory_space<hbm>>
      tpu.wait_dma2 semaphore(%run_scoped3A : memref<!tpu.dma_semaphore, #tpu.memory_space<semaphore_mem>>) src(%dma_wait3A_27 : memref<32x128xi32, #tpu.memory_space<hbm>>) dst(%arg5 : memref<32x128xi32, #tpu.memory_space<vmem>>)
      tpu.yield
    }) : () -> ()
    %dma_start3A = arith.constant 0 : i32
    %dma_start3A_3 = arith.constant 0 : i32
    %dma_start3A_4 = tpu.memref_slice %arg5[%dma_start3A, %dma_start3A_3] : memref<32x128xi32, #tpu.memory_space<vmem>> -> memref<1x128xi32, #tpu.memory_space<vmem>>
    %dma_start3A_5 = tpu.memref_squeeze %dma_start3A_4 : memref<1x128xi32, #tpu.memory_space<vmem>> -> memref<128xi32, #tpu.memory_space<vmem>>
    %dma_start3A_6 = arith.constant 0 : i32
    %dma_start3A_7 = arith.constant 0 : i32
    %dma_start3A_8 = tpu.memref_slice %arg2[%dma_start3A_6, %dma_start3A_7] : memref<4096x128xf32, #tpu.memory_space<hbm>> -> memref<4096x128xf32, #tpu.memory_space<hbm>>
    tpu.enqueue_indirect_dma source(%dma_start3A_8 : memref<4096x128xf32, #tpu.memory_space<hbm>>) target(%arg6 : memref<128x128xf32, #tpu.memory_space<vmem>>) offsets(%dma_start3A_5 : memref<128xi32, #tpu.memory_space<vmem>>) semaphore(%arg8 : memref<!tpu.dma_semaphore, #tpu.memory_space<semaphore_mem>>)
    %scan3A = arith.constant 0 : i32
    %scan3A_9 = arith.constant 16 : i32
    %scan3A_10 = arith.addi %scan3A, %scan3A_9 : i32
    %scan3A_11 = arith.constant 1 : i32
    scf.for %scan3A_13 = %scan3A to %scan3A_10 step %scan3A_11  : i32 {
      %mul3A_14 = arith.constant 2 : i32
      %mul3A_15 = arith.muli %mul3A_14, %scan3A_13 : i32
      %add3A_16 = arith.constant 0 : i32
      %add3A_17 = arith.addi %mul3A_15, %add3A_16 : i32
      %add3A_18 = arith.constant 1 : i32
      %add3A_19 = arith.addi %add3A_17, %add3A_18 : i32
      %lt3A = arith.constant 32 : i32
      %lt3A_20 = arith.cmpi slt, %add3A_19, %lt3A : i32
      %convert_element_type3A = arith.extui %lt3A_20 : i1 to i32
      %cond3A = arith.constant 0 : i32
      %cond3A_21 = arith.cmpi ne, %convert_element_type3A, %cond3A : i32
      scf.if %cond3A_21 {
        %dma_start3A_50 = arith.constant 0 : i32
        %dma_start3A_51 = tpu.memref_slice %arg5[%add3A_19, %dma_start3A_50] : memref<32x128xi32, #tpu.memory_space<vmem>> -> memref<1x128xi32, #tpu.memory_space<vmem>>
        %dma_start3A_52 = tpu.memref_squeeze %dma_start3A_51 : memref<1x128xi32, #tpu.memory_space<vmem>> -> memref<128xi32, #tpu.memory_space<vmem>>
        %dma_start3A_53 = arith.constant 0 : i32
        %dma_start3A_54 = arith.constant 0 : i32
        %dma_start3A_55 = tpu.memref_slice %arg2[%dma_start3A_53, %dma_start3A_54] : memref<4096x128xf32, #tpu.memory_space<hbm>> -> memref<4096x128xf32, #tpu.memory_space<hbm>>
        tpu.enqueue_indirect_dma source(%dma_start3A_55 : memref<4096x128xf32, #tpu.memory_space<hbm>>) target(%arg7 : memref<128x128xf32, #tpu.memory_space<vmem>>) offsets(%dma_start3A_52 : memref<128xi32, #tpu.memory_space<vmem>>) semaphore(%arg9 : memref<!tpu.dma_semaphore, #tpu.memory_space<semaphore_mem>>)
      } else {
      }
      %dma_wait3A = arith.constant 0 : i32
      %dma_wait3A_22 = tpu.memref_slice %arg5[%add3A_17, %dma_wait3A] : memref<32x128xi32, #tpu.memory_space<vmem>> -> memref<1x128xi32, #tpu.memory_space<vmem>>
      %dma_wait3A_23 = tpu.memref_squeeze %dma_wait3A_22 : memref<1x128xi32, #tpu.memory_space<vmem>> -> memref<128xi32, #tpu.memory_space<vmem>>
      %dma_wait3A_24 = arith.constant 0 : i32
      %dma_wait3A_25 = arith.constant 0 : i32
      %dma_wait3A_26 = tpu.memref_slice %arg2[%dma_wait3A_24, %dma_wait3A_25] : memref<4096x128xf32, #tpu.memory_space<hbm>> -> memref<4096x128xf32, #tpu.memory_space<hbm>>
      tpu.wait_indirect_dma semaphore(%arg8 : memref<!tpu.dma_semaphore, #tpu.memory_space<semaphore_mem>>) src(%dma_wait3A_26 : memref<4096x128xf32, #tpu.memory_space<hbm>>) dst(%arg6 : memref<128x128xf32, #tpu.memory_space<vmem>>)
      %mul3A_27 = arith.constant 128 : i32
      %mul3A_28 = arith.muli %add3A_17, %mul3A_27 : i32
      %add3A_29 = arith.addi %mul3A_2, %mul3A_28 : i32
      "tpu.region"() ({
        %run_scoped3A = tpu.sem_alloc : memref<!tpu.dma_semaphore, #tpu.memory_space<semaphore_mem>>
        %dma_start3A_50 = arith.constant 0 : i32
        %dma_start3A_51 = tpu.memref_slice %arg4[%add3A_29, %dma_start3A_50] : memref<131072x128xf32, #tpu.memory_space<hbm>> -> memref<128x128xf32, #tpu.memory_space<hbm>>
        %dma_start3A_52 = arith.constant 0 : i32
        %dma_start3A_53 = tpu.memref_slice %arg4[%add3A_29, %dma_start3A_52] : memref<131072x128xf32, #tpu.memory_space<hbm>> -> memref<128x128xf32, #tpu.memory_space<hbm>>
        tpu.enqueue_dma source(%arg6 : memref<128x128xf32, #tpu.memory_space<vmem>>) target(%dma_start3A_53 : memref<128x128xf32, #tpu.memory_space<hbm>>) target_semaphore(%run_scoped3A : memref<!tpu.dma_semaphore, #tpu.memory_space<semaphore_mem>>)
        %dma_wait3A_54 = arith.constant 0 : i32
        %dma_wait3A_55 = tpu.memref_slice %arg4[%add3A_29, %dma_wait3A_54] : memref<131072x128xf32, #tpu.memory_space<hbm>> -> memref<128x128xf32, #tpu.memory_space<hbm>>
        %dma_wait3A_56 = arith.constant 0 : i32
        %dma_wait3A_57 = tpu.memref_slice %arg4[%add3A_29, %dma_wait3A_56] : memref<131072x128xf32, #tpu.memory_space<hbm>> -> memref<128x128xf32, #tpu.memory_space<hbm>>
        tpu.wait_dma2 semaphore(%run_scoped3A : memref<!tpu.dma_semaphore, #tpu.memory_space<semaphore_mem>>) src(%arg6 : memref<128x128xf32, #tpu.memory_space<vmem>>) dst(%dma_wait3A_57 : memref<128x128xf32, #tpu.memory_space<hbm>>)
        tpu.yield
      }) : () -> ()
      %mul3A_30 = arith.constant 2 : i32
      %mul3A_31 = arith.muli %mul3A_30, %scan3A_13 : i32
      %add3A_32 = arith.constant 1 : i32
      %add3A_33 = arith.addi %mul3A_31, %add3A_32 : i32
      %add3A_34 = arith.constant 1 : i32
      %add3A_35 = arith.addi %add3A_33, %add3A_34 : i32
      %lt3A_36 = arith.constant 32 : i32
      %lt3A_37 = arith.cmpi slt, %add3A_35, %lt3A_36 : i32
      %convert_element_type3A_38 = arith.extui %lt3A_37 : i1 to i32
      %cond3A_39 = arith.constant 0 : i32
      %cond3A_40 = arith.cmpi ne, %convert_element_type3A_38, %cond3A_39 : i32
      scf.if %cond3A_40 {
        %dma_start3A_50 = arith.constant 0 : i32
        %dma_start3A_51 = tpu.memref_slice %arg5[%add3A_35, %dma_start3A_50] : memref<32x128xi32, #tpu.memory_space<vmem>> -> memref<1x128xi32, #tpu.memory_space<vmem>>
        %dma_start3A_52 = tpu.memref_squeeze %dma_start3A_51 : memref<1x128xi32, #tpu.memory_space<vmem>> -> memref<128xi32, #tpu.memory_space<vmem>>
        %dma_start3A_53 = arith.constant 0 : i32
        %dma_start3A_54 = arith.constant 0 : i32
        %dma_start3A_55 = tpu.memref_slice %arg2[%dma_start3A_53, %dma_start3A_54] : memref<4096x128xf32, #tpu.memory_space<hbm>> -> memref<4096x128xf32, #tpu.memory_space<hbm>>
        tpu.enqueue_indirect_dma source(%dma_start3A_55 : memref<4096x128xf32, #tpu.memory_space<hbm>>) target(%arg6 : memref<128x128xf32, #tpu.memory_space<vmem>>) offsets(%dma_start3A_52 : memref<128xi32, #tpu.memory_space<vmem>>) semaphore(%arg8 : memref<!tpu.dma_semaphore, #tpu.memory_space<semaphore_mem>>)
      } else {
      }
      %dma_wait3A_41 = arith.constant 0 : i32
      %dma_wait3A_42 = tpu.memref_slice %arg5[%add3A_33, %dma_wait3A_41] : memref<32x128xi32, #tpu.memory_space<vmem>> -> memref<1x128xi32, #tpu.memory_space<vmem>>
      %dma_wait3A_43 = tpu.memref_squeeze %dma_wait3A_42 : memref<1x128xi32, #tpu.memory_space<vmem>> -> memref<128xi32, #tpu.memory_space<vmem>>
      %dma_wait3A_44 = arith.constant 0 : i32
      %dma_wait3A_45 = arith.constant 0 : i32
      %dma_wait3A_46 = tpu.memref_slice %arg2[%dma_wait3A_44, %dma_wait3A_45] : memref<4096x128xf32, #tpu.memory_space<hbm>> -> memref<4096x128xf32, #tpu.memory_space<hbm>>
      tpu.wait_indirect_dma semaphore(%arg9 : memref<!tpu.dma_semaphore, #tpu.memory_space<semaphore_mem>>) src(%dma_wait3A_46 : memref<4096x128xf32, #tpu.memory_space<hbm>>) dst(%arg7 : memref<128x128xf32, #tpu.memory_space<vmem>>)
      %mul3A_47 = arith.constant 128 : i32
      %mul3A_48 = arith.muli %add3A_33, %mul3A_47 : i32
      %add3A_49 = arith.addi %mul3A_2, %mul3A_48 : i32
      "tpu.region"() ({
        %run_scoped3A = tpu.sem_alloc : memref<!tpu.dma_semaphore, #tpu.memory_space<semaphore_mem>>
        %dma_start3A_50 = arith.constant 0 : i32
        %dma_start3A_51 = tpu.memref_slice %arg4[%add3A_49, %dma_start3A_50] : memref<131072x128xf32, #tpu.memory_space<hbm>> -> memref<128x128xf32, #tpu.memory_space<hbm>>
        %dma_start3A_52 = arith.constant 0 : i32
        %dma_start3A_53 = tpu.memref_slice %arg4[%add3A_49, %dma_start3A_52] : memref<131072x128xf32, #tpu.memory_space<hbm>> -> memref<128x128xf32, #tpu.memory_space<hbm>>
        tpu.enqueue_dma source(%arg7 : memref<128x128xf32, #tpu.memory_space<vmem>>) target(%dma_start3A_53 : memref<128x128xf32, #tpu.memory_space<hbm>>) target_semaphore(%run_scoped3A : memref<!tpu.dma_semaphore, #tpu.memory_space<semaphore_mem>>)
        %dma_wait3A_54 = arith.constant 0 : i32
        %dma_wait3A_55 = tpu.memref_slice %arg4[%add3A_49, %dma_wait3A_54] : memref<131072x128xf32, #tpu.memory_space<hbm>> -> memref<128x128xf32, #tpu.memory_space<hbm>>
        %dma_wait3A_56 = arith.constant 0 : i32
        %dma_wait3A_57 = tpu.memref_slice %arg4[%add3A_49, %dma_wait3A_56] : memref<131072x128xf32, #tpu.memory_space<hbm>> -> memref<128x128xf32, #tpu.memory_space<hbm>>
        tpu.wait_dma2 semaphore(%run_scoped3A : memref<!tpu.dma_semaphore, #tpu.memory_space<semaphore_mem>>) src(%arg7 : memref<128x128xf32, #tpu.memory_space<vmem>>) dst(%dma_wait3A_57 : memref<128x128xf32, #tpu.memory_space<hbm>>)
        tpu.yield
      }) : () -> ()
    }
    %scan3A_12 = arith.constant 16 : i32
    return
  }
}

#map = affine_map<(d0, d1) -> (0, 0)>
#map1 = affine_map<(d0, d1) -> (0, 0, 0)>
module attributes {stable_mosaic.version = 14 : i64} {
  func.func @k(%arg0: i32, %arg1: i32, %arg2: memref<4096x128xf32, #tpu.memory_space<hbm>>, %arg3: memref<32x32x128xi32, #tpu.memory_space<hbm>>, %arg4: memref<131072x128xf32, #tpu.memory_space<hbm>>, %arg5: memref<32x128xi32, #tpu.memory_space<vmem>>, %arg6: memref<128x128xf32, #tpu.memory_space<vmem>>, %arg7: memref<128x128xf32, #tpu.memory_space<vmem>>, %arg8: memref<!tpu.dma_semaphore, #tpu.memory_space<semaphore_mem>>, %arg9: memref<!tpu.dma_semaphore, #tpu.memory_space<semaphore_mem>>) attributes {dimension_semantics = [#tpu.dimension_semantics<core_parallel>, #tpu.dimension_semantics<subcore_parallel>], iteration_bounds = array<i64: 2, 16>, scalar_prefetch = 0 : i64, scratch_operands = 5 : i64, tpu.core_type = #tpu.core_type<sc_vector_subcore>, window_params = [{transform_indices = #map}, {transform_indices = #map1}, {transform_indices = #map}]} {
    %mul3A = arith.constant 2 : i32
    %mul3A_0 = arith.muli %arg1, %mul3A : i32
    %add3A = arith.addi %mul3A_0, %arg0 : i32
    %mul3A_1 = arith.constant 4096 : i32
    %mul3A_2 = arith.muli %add3A, %mul3A_1 : i32
    "tpu.region"() ({
      %run_scoped3A = tpu.sem_alloc : memref<!tpu.dma_semaphore, #tpu.memory_space<semaphore_mem>>
      %dma_start3A_13 = arith.constant 0 : i32
      %dma_start3A_14 = arith.constant 0 : i32
      %dma_start3A_15 = tpu.memref_slice %arg3[%add3A, %dma_start3A_13, %dma_start3A_14] : memref<32x32x128xi32, #tpu.memory_space<hbm>> -> memref<1x32x128xi32, #tpu.memory_space<hbm>>
      %dma_start3A_16 = tpu.memref_squeeze %dma_start3A_15 : memref<1x32x128xi32, #tpu.memory_space<hbm>> -> memref<32x128xi32, #tpu.memory_space<hbm>>
      %dma_start3A_17 = arith.constant 0 : i32
      %dma_start3A_18 = arith.constant 0 : i32
      %dma_start3A_19 = tpu.memref_slice %arg3[%add3A, %dma_start3A_17, %dma_start3A_18] : memref<32x32x128xi32, #tpu.memory_space<hbm>> -> memref<1x32x128xi32, #tpu.memory_space<hbm>>
      %dma_start3A_20 = tpu.memref_squeeze %dma_start3A_19 : memref<1x32x128xi32, #tpu.memory_space<hbm>> -> memref<32x128xi32, #tpu.memory_space<hbm>>
      tpu.enqueue_dma source(%dma_start3A_20 : memref<32x128xi32, #tpu.memory_space<hbm>>) target(%arg5 : memref<32x128xi32, #tpu.memory_space<vmem>>) target_semaphore(%run_scoped3A : memref<!tpu.dma_semaphore, #tpu.memory_space<semaphore_mem>>)
      %dma_wait3A = arith.constant 0 : i32
      %dma_wait3A_21 = arith.constant 0 : i32
      %dma_wait3A_22 = tpu.memref_slice %arg3[%add3A, %dma_wait3A, %dma_wait3A_21] : memref<32x32x128xi32, #tpu.memory_space<hbm>> -> memref<1x32x128xi32, #tpu.memory_space<hbm>>
      %dma_wait3A_23 = tpu.memref_squeeze %dma_wait3A_22 : memref<1x32x128xi32, #tpu.memory_space<hbm>> -> memref<32x128xi32, #tpu.memory_space<hbm>>
      %dma_wait3A_24 = arith.constant 0 : i32
      %dma_wait3A_25 = arith.constant 0 : i32
      %dma_wait3A_26 = tpu.memref_slice %arg3[%add3A, %dma_wait3A_24, %dma_wait3A_25] : memref<32x32x128xi32, #tpu.memory_space<hbm>> -> memref<1x32x128xi32, #tpu.memory_space<hbm>>
      %dma_wait3A_27 = tpu.memref_squeeze %dma_wait3A_26 : memref<1x32x128xi32, #tpu.memory_space<hbm>> -> memref<32x128xi32, #tpu.memory_space<hbm>>
      tpu.wait_dma2 semaphore(%run_scoped3A : memref<!tpu.dma_semaphore, #tpu.memory_space<semaphore_mem>>) src(%dma_wait3A_27 : memref<32x128xi32, #tpu.memory_space<hbm>>) dst(%arg5 : memref<32x128xi32, #tpu.memory_space<vmem>>)
      tpu.yield
    }) : () -> ()
    %dma_start3A = arith.constant 0 : i32
    %dma_start3A_3 = arith.constant 0 : i32
    %dma_start3A_4 = tpu.memref_slice %arg5[%dma_start3A, %dma_start3A_3] : memref<32x128xi32, #tpu.memory_space<vmem>> -> memref<1x128xi32, #tpu.memory_space<vmem>>
    %dma_start3A_5 = tpu.memref_squeeze %dma_start3A_4 : memref<1x128xi32, #tpu.memory_space<vmem>> -> memref<128xi32, #tpu.memory_space<vmem>>
    %dma_start3A_6 = arith.constant 0 : i32
    %dma_start3A_7 = arith.constant 0 : i32
    %dma_start3A_8 = tpu.memref_slice %arg2[%dma_start3A_6, %dma_start3A_7] : memref<4096x128xf32, #tpu.memory_space<hbm>> -> memref<4096x128xf32, #tpu.memory_space<hbm>>
    tpu.enqueue_indirect_dma source(%dma_start3A_8 : memref<4096x128xf32, #tpu.memory_space<hbm>>) target(%arg6 : memref<128x128xf32, #tpu.memory_space<vmem>>) offsets(%dma_start3A_5 : memref<128xi32, #tpu.memory_space<vmem>>) semaphore(%arg8 : memref<!tpu.dma_semaphore, #tpu.memory_space<semaphore_mem>>)
    %scan3A = arith.constant 0 : i32
    %scan3A_9 = arith.constant 16 : i32
    %scan3A_10 = arith.addi %scan3A, %scan3A_9 : i32
    %scan3A_11 = arith.constant 1 : i32
    scf.for %scan3A_13 = %scan3A to %scan3A_10 step %scan3A_11  : i32 {
      %mul3A_14 = arith.constant 2 : i32
      %mul3A_15 = arith.muli %mul3A_14, %scan3A_13 : i32
      %add3A_16 = arith.constant 0 : i32
      %add3A_17 = arith.addi %mul3A_15, %add3A_16 : i32
      %add3A_18 = arith.constant 1 : i32
      %add3A_19 = arith.addi %add3A_17, %add3A_18 : i32
      %lt3A = arith.constant 32 : i32
      %lt3A_20 = arith.cmpi slt, %add3A_19, %lt3A : i32
      %convert_element_type3A = arith.extui %lt3A_20 : i1 to i32
      %cond3A = arith.constant 0 : i32
      %cond3A_21 = arith.cmpi ne, %convert_element_type3A, %cond3A : i32
      scf.if %cond3A_21 {
        %dma_start3A_50 = arith.constant 0 : i32
        %dma_start3A_51 = tpu.memref_slice %arg5[%add3A_19, %dma_start3A_50] : memref<32x128xi32, #tpu.memory_space<vmem>> -> memref<1x128xi32, #tpu.memory_space<vmem>>
        %dma_start3A_52 = tpu.memref_squeeze %dma_start3A_51 : memref<1x128xi32, #tpu.memory_space<vmem>> -> memref<128xi32, #tpu.memory_space<vmem>>
        %dma_start3A_53 = arith.constant 0 : i32
        %dma_start3A_54 = arith.constant 0 : i32
        %dma_start3A_55 = tpu.memref_slice %arg2[%dma_start3A_53, %dma_start3A_54] : memref<4096x128xf32, #tpu.memory_space<hbm>> -> memref<4096x128xf32, #tpu.memory_space<hbm>>
        tpu.enqueue_indirect_dma source(%dma_start3A_55 : memref<4096x128xf32, #tpu.memory_space<hbm>>) target(%arg7 : memref<128x128xf32, #tpu.memory_space<vmem>>) offsets(%dma_start3A_52 : memref<128xi32, #tpu.memory_space<vmem>>) semaphore(%arg9 : memref<!tpu.dma_semaphore, #tpu.memory_space<semaphore_mem>>)
      } else {
      }
      %dma_wait3A = arith.constant 0 : i32
      %dma_wait3A_22 = tpu.memref_slice %arg5[%add3A_17, %dma_wait3A] : memref<32x128xi32, #tpu.memory_space<vmem>> -> memref<1x128xi32, #tpu.memory_space<vmem>>
      %dma_wait3A_23 = tpu.memref_squeeze %dma_wait3A_22 : memref<1x128xi32, #tpu.memory_space<vmem>> -> memref<128xi32, #tpu.memory_space<vmem>>
      %dma_wait3A_24 = arith.constant 0 : i32
      %dma_wait3A_25 = arith.constant 0 : i32
      %dma_wait3A_26 = tpu.memref_slice %arg2[%dma_wait3A_24, %dma_wait3A_25] : memref<4096x128xf32, #tpu.memory_space<hbm>> -> memref<4096x128xf32, #tpu.memory_space<hbm>>
      tpu.wait_indirect_dma semaphore(%arg8 : memref<!tpu.dma_semaphore, #tpu.memory_space<semaphore_mem>>) src(%dma_wait3A_26 : memref<4096x128xf32, #tpu.memory_space<hbm>>) dst(%arg6 : memref<128x128xf32, #tpu.memory_space<vmem>>)
      %mul3A_27 = arith.constant 128 : i32
      %mul3A_28 = arith.muli %add3A_17, %mul3A_27 : i32
      %add3A_29 = arith.addi %mul3A_2, %mul3A_28 : i32
      "tpu.region"() ({
        %run_scoped3A = tpu.sem_alloc : memref<!tpu.dma_semaphore, #tpu.memory_space<semaphore_mem>>
        %dma_start3A_50 = arith.constant 0 : i32
        %dma_start3A_51 = tpu.memref_slice %arg4[%add3A_29, %dma_start3A_50] : memref<131072x128xf32, #tpu.memory_space<hbm>> -> memref<128x128xf32, #tpu.memory_space<hbm>>
        %dma_start3A_52 = arith.constant 0 : i32
        %dma_start3A_53 = tpu.memref_slice %arg4[%add3A_29, %dma_start3A_52] : memref<131072x128xf32, #tpu.memory_space<hbm>> -> memref<128x128xf32, #tpu.memory_space<hbm>>
        tpu.enqueue_dma source(%arg6 : memref<128x128xf32, #tpu.memory_space<vmem>>) target(%dma_start3A_53 : memref<128x128xf32, #tpu.memory_space<hbm>>) target_semaphore(%run_scoped3A : memref<!tpu.dma_semaphore, #tpu.memory_space<semaphore_mem>>)
        %dma_wait3A_54 = arith.constant 0 : i32
        %dma_wait3A_55 = tpu.memref_slice %arg4[%add3A_29, %dma_wait3A_54] : memref<131072x128xf32, #tpu.memory_space<hbm>> -> memref<128x128xf32, #tpu.memory_space<hbm>>
        %dma_wait3A_56 = arith.constant 0 : i32
        %dma_wait3A_57 = tpu.memref_slice %arg4[%add3A_29, %dma_wait3A_56] : memref<131072x128xf32, #tpu.memory_space<hbm>> -> memref<128x128xf32, #tpu.memory_space<hbm>>
        tpu.wait_dma2 semaphore(%run_scoped3A : memref<!tpu.dma_semaphore, #tpu.memory_space<semaphore_mem>>) src(%arg6 : memref<128x128xf32, #tpu.memory_space<vmem>>) dst(%dma_wait3A_57 : memref<128x128xf32, #tpu.memory_space<hbm>>)
        tpu.yield
      }) : () -> ()
      %mul3A_30 = arith.constant 2 : i32
      %mul3A_31 = arith.muli %mul3A_30, %scan3A_13 : i32
      %add3A_32 = arith.constant 1 : i32
      %add3A_33 = arith.addi %mul3A_31, %add3A_32 : i32
      %add3A_34 = arith.constant 1 : i32
      %add3A_35 = arith.addi %add3A_33, %add3A_34 : i32
      %lt3A_36 = arith.constant 32 : i32
      %lt3A_37 = arith.cmpi slt, %add3A_35, %lt3A_36 : i32
      %convert_element_type3A_38 = arith.extui %lt3A_37 : i1 to i32
      %cond3A_39 = arith.constant 0 : i32
      %cond3A_40 = arith.cmpi ne, %convert_element_type3A_38, %cond3A_39 : i32
      scf.if %cond3A_40 {
        %dma_start3A_50 = arith.constant 0 : i32
        %dma_start3A_51 = tpu.memref_slice %arg5[%add3A_35, %dma_start3A_50] : memref<32x128xi32, #tpu.memory_space<vmem>> -> memref<1x128xi32, #tpu.memory_space<vmem>>
        %dma_start3A_52 = tpu.memref_squeeze %dma_start3A_51 : memref<1x128xi32, #tpu.memory_space<vmem>> -> memref<128xi32, #tpu.memory_space<vmem>>
        %dma_start3A_53 = arith.constant 0 : i32
        %dma_start3A_54 = arith.constant 0 : i32
        %dma_start3A_55 = tpu.memref_slice %arg2[%dma_start3A_53, %dma_start3A_54] : memref<4096x128xf32, #tpu.memory_space<hbm>> -> memref<4096x128xf32, #tpu.memory_space<hbm>>
        tpu.enqueue_indirect_dma source(%dma_start3A_55 : memref<4096x128xf32, #tpu.memory_space<hbm>>) target(%arg6 : memref<128x128xf32, #tpu.memory_space<vmem>>) offsets(%dma_start3A_52 : memref<128xi32, #tpu.memory_space<vmem>>) semaphore(%arg8 : memref<!tpu.dma_semaphore, #tpu.memory_space<semaphore_mem>>)
      } else {
      }
      %dma_wait3A_41 = arith.constant 0 : i32
      %dma_wait3A_42 = tpu.memref_slice %arg5[%add3A_33, %dma_wait3A_41] : memref<32x128xi32, #tpu.memory_space<vmem>> -> memref<1x128xi32, #tpu.memory_space<vmem>>
      %dma_wait3A_43 = tpu.memref_squeeze %dma_wait3A_42 : memref<1x128xi32, #tpu.memory_space<vmem>> -> memref<128xi32, #tpu.memory_space<vmem>>
      %dma_wait3A_44 = arith.constant 0 : i32
      %dma_wait3A_45 = arith.constant 0 : i32
      %dma_wait3A_46 = tpu.memref_slice %arg2[%dma_wait3A_44, %dma_wait3A_45] : memref<4096x128xf32, #tpu.memory_space<hbm>> -> memref<4096x128xf32, #tpu.memory_space<hbm>>
      tpu.wait_indirect_dma semaphore(%arg9 : memref<!tpu.dma_semaphore, #tpu.memory_space<semaphore_mem>>) src(%dma_wait3A_46 : memref<4096x128xf32, #tpu.memory_space<hbm>>) dst(%arg7 : memref<128x128xf32, #tpu.memory_space<vmem>>)
      %mul3A_47 = arith.constant 128 : i32
      %mul3A_48 = arith.muli %add3A_33, %mul3A_47 : i32
      %add3A_49 = arith.addi %mul3A_2, %mul3A_48 : i32
      "tpu.region"() ({
        %run_scoped3A = tpu.sem_alloc : memref<!tpu.dma_semaphore, #tpu.memory_space<semaphore_mem>>
        %dma_start3A_50 = arith.constant 0 : i32
        %dma_start3A_51 = tpu.memref_slice %arg4[%add3A_49, %dma_start3A_50] : memref<131072x128xf32, #tpu.memory_space<hbm>> -> memref<128x128xf32, #tpu.memory_space<hbm>>
        %dma_start3A_52 = arith.constant 0 : i32
        %dma_start3A_53 = tpu.memref_slice %arg4[%add3A_49, %dma_start3A_52] : memref<131072x128xf32, #tpu.memory_space<hbm>> -> memref<128x128xf32, #tpu.memory_space<hbm>>
        tpu.enqueue_dma source(%arg7 : memref<128x128xf32, #tpu.memory_space<vmem>>) target(%dma_start3A_53 : memref<128x128xf32, #tpu.memory_space<hbm>>) target_semaphore(%run_scoped3A : memref<!tpu.dma_semaphore, #tpu.memory_space<semaphore_mem>>)
        %dma_wait3A_54 = arith.constant 0 : i32
        %dma_wait3A_55 = tpu.memref_slice %arg4[%add3A_49, %dma_wait3A_54] : memref<131072x128xf32, #tpu.memory_space<hbm>> -> memref<128x128xf32, #tpu.memory_space<hbm>>
        %dma_wait3A_56 = arith.constant 0 : i32
        %dma_wait3A_57 = tpu.memref_slice %arg4[%add3A_49, %dma_wait3A_56] : memref<131072x128xf32, #tpu.memory_space<hbm>> -> memref<128x128xf32, #tpu.memory_space<hbm>>
        tpu.wait_dma2 semaphore(%run_scoped3A : memref<!tpu.dma_semaphore, #tpu.memory_space<semaphore_mem>>) src(%arg7 : memref<128x128xf32, #tpu.memory_space<vmem>>) dst(%dma_wait3A_57 : memref<128x128xf32, #tpu.memory_space<hbm>>)
        tpu.yield
      }) : () -> ()
    }
    %scan3A_12 = arith.constant 16 : i32
    return
  }
}

module attributes {stable_mosaic.version = 14 : i64} {
  func.func @_knn_body(%arg0: i32, %arg1: i32, %arg2: memref<1x128x3xf32, #tpu.memory_space<vmem>>, %arg3: memref<1x3x1024xf32, #tpu.memory_space<vmem>>, %arg4: memref<1x128x32xf32, #tpu.memory_space<vmem>>, %arg5: memref<1x128x32xi32, #tpu.memory_space<vmem>>, %arg6: memref<1x128x32xi32, #tpu.memory_space<vmem>>) attributes {dimension_semantics = [#tpu.dimension_semantics<arbitrary>, #tpu.dimension_semantics<arbitrary>], iteration_bounds = array<i64: 4, 8>, scalar_prefetch = 0 : i64, scratch_operands = 0 : i64, tpu.core_type = #tpu.core_type<tc>, window_params = [{transform_indices = @transform_0, window_bounds = array<i64: 1, 128, 3>}, {transform_indices = @transform_1, window_bounds = array<i64: 1, 3, 1024>}, {transform_indices = @transform_2, window_bounds = array<i64: 1, 128, 32>}, {transform_indices = @transform_3, window_bounds = array<i64: 1, 128, 32>}, {transform_indices = @transform_4, window_bounds = array<i64: 1, 128, 32>}]} {
    %mul3A = arith.constant 128 : i32
    %mul3A_0 = arith.muli %arg1, %mul3A : i32
    %get3A = arith.constant 0 : index
    %get3A_1 = arith.constant 0 : index
    %get3A_2 = arith.constant 0 : index
    %get3A_3 = vector.load %arg2[%get3A, %get3A_1, %get3A_2] : memref<1x128x3xf32, #tpu.memory_space<vmem>>, vector<1x128x3xf32>
    %get3A_4 = vector.shape_cast %get3A_3 : vector<1x128x3xf32> to vector<128x3xf32>
    %get3A_5 = arith.constant 0 : index
    %get3A_6 = arith.constant 0 : index
    %get3A_7 = arith.constant 0 : index
    %get3A_8 = vector.load %arg3[%get3A_5, %get3A_6, %get3A_7] : memref<1x3x1024xf32, #tpu.memory_space<vmem>>, vector<1x3x1024xf32>
    %get3A_9 = vector.shape_cast %get3A_8 : vector<1x3x1024xf32> to vector<3x1024xf32>
    %slice3A = vector.extract_strided_slice %get3A_4 {offsets = [0, 0], sizes = [128, 1], strides = [1, 1]} : vector<128x3xf32> to vector<128x1xf32>
    %slice3A_10 = vector.extract_strided_slice %get3A_9 {offsets = [0, 0], sizes = [1, 1024], strides = [1, 1]} : vector<3x1024xf32> to vector<1x1024xf32>
    %sub3A = vector.broadcast %slice3A : vector<128x1xf32> to vector<128x1024xf32>
    %sub3A_11 = vector.broadcast %slice3A_10 : vector<1x1024xf32> to vector<128x1024xf32>
    %sub3A_12 = arith.subf %sub3A, %sub3A_11 : vector<128x1024xf32>
    %integer_pow3A = arith.mulf %sub3A_12, %sub3A_12 : vector<128x1024xf32>
    %slice3A_13 = vector.extract_strided_slice %get3A_4 {offsets = [0, 1], sizes = [128, 1], strides = [1, 1]} : vector<128x3xf32> to vector<128x1xf32>
    %slice3A_14 = vector.extract_strided_slice %get3A_9 {offsets = [1, 0], sizes = [1, 1024], strides = [1, 1]} : vector<3x1024xf32> to vector<1x1024xf32>
    %sub3A_15 = vector.broadcast %slice3A_13 : vector<128x1xf32> to vector<128x1024xf32>
    %sub3A_16 = vector.broadcast %slice3A_14 : vector<1x1024xf32> to vector<128x1024xf32>
    %sub3A_17 = arith.subf %sub3A_15, %sub3A_16 : vector<128x1024xf32>
    %integer_pow3A_18 = arith.mulf %sub3A_17, %sub3A_17 : vector<128x1024xf32>
    %add3A = arith.addf %integer_pow3A, %integer_pow3A_18 : vector<128x1024xf32>
    %slice3A_19 = vector.extract_strided_slice %get3A_4 {offsets = [0, 2], sizes = [128, 1], strides = [1, 1]} : vector<128x3xf32> to vector<128x1xf32>
    %slice3A_20 = vector.extract_strided_slice %get3A_9 {offsets = [2, 0], sizes = [1, 1024], strides = [1, 1]} : vector<3x1024xf32> to vector<1x1024xf32>
    %sub3A_21 = vector.broadcast %slice3A_19 : vector<128x1xf32> to vector<128x1024xf32>
    %sub3A_22 = vector.broadcast %slice3A_20 : vector<1x1024xf32> to vector<128x1024xf32>
    %sub3A_23 = arith.subf %sub3A_21, %sub3A_22 : vector<128x1024xf32>
    %integer_pow3A_24 = arith.mulf %sub3A_23, %sub3A_23 : vector<128x1024xf32>
    %add3A_25 = arith.addf %add3A, %integer_pow3A_24 : vector<128x1024xf32>
    %iota3A = tpu.iota {dimensions = array<i32: 1>} : vector<128x1024xi32>
    %iota3A_26 = tpu.iota {dimensions = array<i32: 0>} : vector<128x1xi32>
    %add3A_27 = vector.broadcast %mul3A_0 : i32 to vector<128x1xi32>
    %add3A_28 = arith.addi %add3A_27, %iota3A_26 : vector<128x1xi32>
    %reduce_min3A = arith.constant dense<0x7F800000> : vector<128xf32>
    %reduce_min3A_29 = vector.multi_reduction <minimumf>, %add3A_25, %reduce_min3A [1] : vector<128x1024xf32> to vector<128xf32>
    %broadcast_in_dim3A = vector.shape_cast %reduce_min3A_29 : vector<128xf32> to vector<128x1xf32>
    %eq3A = vector.broadcast %broadcast_in_dim3A : vector<128x1xf32> to vector<128x1024xf32>
    %eq3A_30 = arith.cmpf oeq, %add3A_25, %eq3A : vector<128x1024xf32>
    %jit3A = arith.constant 1025 : i32
    %broadcast_in_dim3A_31 = vector.broadcast %jit3A : i32 to vector<128x1024xi32>
    %select_n3A = arith.select %eq3A_30, %iota3A, %broadcast_in_dim3A_31 : vector<128x1024xi1>, vector<128x1024xi32>
    %reduce_min3A_32 = arith.constant dense<2147483647> : vector<128xi32>
    %reduce_min3A_33 = vector.multi_reduction <minsi>, %select_n3A, %reduce_min3A_32 [1] : vector<128x1024xi32> to vector<128xi32>
    %broadcast_in_dim3A_34 = vector.shape_cast %reduce_min3A_33 : vector<128xi32> to vector<128x1xi32>
    %sub3A_35 = arith.subi %add3A_28, %broadcast_in_dim3A_34 : vector<128x1xi32>
    %eq3A_36 = vector.broadcast %broadcast_in_dim3A_34 : vector<128x1xi32> to vector<128x1024xi32>
    %eq3A_37 = arith.cmpi eq, %iota3A, %eq3A_36 : vector<128x1024xi32>
    %jit3A_38 = arith.constant 0x7F800000 : f32
    %broadcast_in_dim3A_39 = vector.broadcast %jit3A_38 : f32 to vector<128x1024xf32>
    %select_n3A_40 = arith.select %eq3A_37, %broadcast_in_dim3A_39, %add3A_25 : vector<128x1024xi1>, vector<128x1024xf32>
    %reduce_min3A_41 = arith.constant dense<0x7F800000> : vector<128xf32>
    %reduce_min3A_42 = vector.multi_reduction <minimumf>, %select_n3A_40, %reduce_min3A_41 [1] : vector<128x1024xf32> to vector<128xf32>
    %broadcast_in_dim3A_43 = vector.shape_cast %reduce_min3A_42 : vector<128xf32> to vector<128x1xf32>
    %eq3A_44 = vector.broadcast %broadcast_in_dim3A_43 : vector<128x1xf32> to vector<128x1024xf32>
    %eq3A_45 = arith.cmpf oeq, %select_n3A_40, %eq3A_44 : vector<128x1024xf32>
    %jit3A_46 = arith.constant 1025 : i32
    %broadcast_in_dim3A_47 = vector.broadcast %jit3A_46 : i32 to vector<128x1024xi32>
    %select_n3A_48 = arith.select %eq3A_45, %iota3A, %broadcast_in_dim3A_47 : vector<128x1024xi1>, vector<128x1024xi32>
    %reduce_min3A_49 = arith.constant dense<2147483647> : vector<128xi32>
    %reduce_min3A_50 = vector.multi_reduction <minsi>, %select_n3A_48, %reduce_min3A_49 [1] : vector<128x1024xi32> to vector<128xi32>
    %broadcast_in_dim3A_51 = vector.shape_cast %reduce_min3A_50 : vector<128xi32> to vector<128x1xi32>
    %sub3A_52 = arith.subi %add3A_28, %broadcast_in_dim3A_51 : vector<128x1xi32>
    %eq3A_53 = vector.broadcast %broadcast_in_dim3A_51 : vector<128x1xi32> to vector<128x1024xi32>
    %eq3A_54 = arith.cmpi eq, %iota3A, %eq3A_53 : vector<128x1024xi32>
    %jit3A_55 = arith.constant 0x7F800000 : f32
    %broadcast_in_dim3A_56 = vector.broadcast %jit3A_55 : f32 to vector<128x1024xf32>
    %select_n3A_57 = arith.select %eq3A_54, %broadcast_in_dim3A_56, %select_n3A_40 : vector<128x1024xi1>, vector<128x1024xf32>
    %reduce_min3A_58 = arith.constant dense<0x7F800000> : vector<128xf32>
    %reduce_min3A_59 = vector.multi_reduction <minimumf>, %select_n3A_57, %reduce_min3A_58 [1] : vector<128x1024xf32> to vector<128xf32>
    %broadcast_in_dim3A_60 = vector.shape_cast %reduce_min3A_59 : vector<128xf32> to vector<128x1xf32>
    %eq3A_61 = vector.broadcast %broadcast_in_dim3A_60 : vector<128x1xf32> to vector<128x1024xf32>
    %eq3A_62 = arith.cmpf oeq, %select_n3A_57, %eq3A_61 : vector<128x1024xf32>
    %jit3A_63 = arith.constant 1025 : i32
    %broadcast_in_dim3A_64 = vector.broadcast %jit3A_63 : i32 to vector<128x1024xi32>
    %select_n3A_65 = arith.select %eq3A_62, %iota3A, %broadcast_in_dim3A_64 : vector<128x1024xi1>, vector<128x1024xi32>
    %reduce_min3A_66 = arith.constant dense<2147483647> : vector<128xi32>
    %reduce_min3A_67 = vector.multi_reduction <minsi>, %select_n3A_65, %reduce_min3A_66 [1] : vector<128x1024xi32> to vector<128xi32>
    %broadcast_in_dim3A_68 = vector.shape_cast %reduce_min3A_67 : vector<128xi32> to vector<128x1xi32>
    %sub3A_69 = arith.subi %add3A_28, %broadcast_in_dim3A_68 : vector<128x1xi32>
    %eq3A_70 = vector.broadcast %broadcast_in_dim3A_68 : vector<128x1xi32> to vector<128x1024xi32>
    %eq3A_71 = arith.cmpi eq, %iota3A, %eq3A_70 : vector<128x1024xi32>
    %jit3A_72 = arith.constant 0x7F800000 : f32
    %broadcast_in_dim3A_73 = vector.broadcast %jit3A_72 : f32 to vector<128x1024xf32>
    %select_n3A_74 = arith.select %eq3A_71, %broadcast_in_dim3A_73, %select_n3A_57 : vector<128x1024xi1>, vector<128x1024xf32>
    %reduce_min3A_75 = arith.constant dense<0x7F800000> : vector<128xf32>
    %reduce_min3A_76 = vector.multi_reduction <minimumf>, %select_n3A_74, %reduce_min3A_75 [1] : vector<128x1024xf32> to vector<128xf32>
    %broadcast_in_dim3A_77 = vector.shape_cast %reduce_min3A_76 : vector<128xf32> to vector<128x1xf32>
    %eq3A_78 = vector.broadcast %broadcast_in_dim3A_77 : vector<128x1xf32> to vector<128x1024xf32>
    %eq3A_79 = arith.cmpf oeq, %select_n3A_74, %eq3A_78 : vector<128x1024xf32>
    %jit3A_80 = arith.constant 1025 : i32
    %broadcast_in_dim3A_81 = vector.broadcast %jit3A_80 : i32 to vector<128x1024xi32>
    %select_n3A_82 = arith.select %eq3A_79, %iota3A, %broadcast_in_dim3A_81 : vector<128x1024xi1>, vector<128x1024xi32>
    %reduce_min3A_83 = arith.constant dense<2147483647> : vector<128xi32>
    %reduce_min3A_84 = vector.multi_reduction <minsi>, %select_n3A_82, %reduce_min3A_83 [1] : vector<128x1024xi32> to vector<128xi32>
    %broadcast_in_dim3A_85 = vector.shape_cast %reduce_min3A_84 : vector<128xi32> to vector<128x1xi32>
    %sub3A_86 = arith.subi %add3A_28, %broadcast_in_dim3A_85 : vector<128x1xi32>
    %eq3A_87 = vector.broadcast %broadcast_in_dim3A_85 : vector<128x1xi32> to vector<128x1024xi32>
    %eq3A_88 = arith.cmpi eq, %iota3A, %eq3A_87 : vector<128x1024xi32>
    %jit3A_89 = arith.constant 0x7F800000 : f32
    %broadcast_in_dim3A_90 = vector.broadcast %jit3A_89 : f32 to vector<128x1024xf32>
    %select_n3A_91 = arith.select %eq3A_88, %broadcast_in_dim3A_90, %select_n3A_74 : vector<128x1024xi1>, vector<128x1024xf32>
    %reduce_min3A_92 = arith.constant dense<0x7F800000> : vector<128xf32>
    %reduce_min3A_93 = vector.multi_reduction <minimumf>, %select_n3A_91, %reduce_min3A_92 [1] : vector<128x1024xf32> to vector<128xf32>
    %broadcast_in_dim3A_94 = vector.shape_cast %reduce_min3A_93 : vector<128xf32> to vector<128x1xf32>
    %eq3A_95 = vector.broadcast %broadcast_in_dim3A_94 : vector<128x1xf32> to vector<128x1024xf32>
    %eq3A_96 = arith.cmpf oeq, %select_n3A_91, %eq3A_95 : vector<128x1024xf32>
    %jit3A_97 = arith.constant 1025 : i32
    %broadcast_in_dim3A_98 = vector.broadcast %jit3A_97 : i32 to vector<128x1024xi32>
    %select_n3A_99 = arith.select %eq3A_96, %iota3A, %broadcast_in_dim3A_98 : vector<128x1024xi1>, vector<128x1024xi32>
    %reduce_min3A_100 = arith.constant dense<2147483647> : vector<128xi32>
    %reduce_min3A_101 = vector.multi_reduction <minsi>, %select_n3A_99, %reduce_min3A_100 [1] : vector<128x1024xi32> to vector<128xi32>
    %broadcast_in_dim3A_102 = vector.shape_cast %reduce_min3A_101 : vector<128xi32> to vector<128x1xi32>
    %sub3A_103 = arith.subi %add3A_28, %broadcast_in_dim3A_102 : vector<128x1xi32>
    %eq3A_104 = vector.broadcast %broadcast_in_dim3A_102 : vector<128x1xi32> to vector<128x1024xi32>
    %eq3A_105 = arith.cmpi eq, %iota3A, %eq3A_104 : vector<128x1024xi32>
    %jit3A_106 = arith.constant 0x7F800000 : f32
    %broadcast_in_dim3A_107 = vector.broadcast %jit3A_106 : f32 to vector<128x1024xf32>
    %select_n3A_108 = arith.select %eq3A_105, %broadcast_in_dim3A_107, %select_n3A_91 : vector<128x1024xi1>, vector<128x1024xf32>
    %reduce_min3A_109 = arith.constant dense<0x7F800000> : vector<128xf32>
    %reduce_min3A_110 = vector.multi_reduction <minimumf>, %select_n3A_108, %reduce_min3A_109 [1] : vector<128x1024xf32> to vector<128xf32>
    %broadcast_in_dim3A_111 = vector.shape_cast %reduce_min3A_110 : vector<128xf32> to vector<128x1xf32>
    %eq3A_112 = vector.broadcast %broadcast_in_dim3A_111 : vector<128x1xf32> to vector<128x1024xf32>
    %eq3A_113 = arith.cmpf oeq, %select_n3A_108, %eq3A_112 : vector<128x1024xf32>
    %jit3A_114 = arith.constant 1025 : i32
    %broadcast_in_dim3A_115 = vector.broadcast %jit3A_114 : i32 to vector<128x1024xi32>
    %select_n3A_116 = arith.select %eq3A_113, %iota3A, %broadcast_in_dim3A_115 : vector<128x1024xi1>, vector<128x1024xi32>
    %reduce_min3A_117 = arith.constant dense<2147483647> : vector<128xi32>
    %reduce_min3A_118 = vector.multi_reduction <minsi>, %select_n3A_116, %reduce_min3A_117 [1] : vector<128x1024xi32> to vector<128xi32>
    %broadcast_in_dim3A_119 = vector.shape_cast %reduce_min3A_118 : vector<128xi32> to vector<128x1xi32>
    %sub3A_120 = arith.subi %add3A_28, %broadcast_in_dim3A_119 : vector<128x1xi32>
    %eq3A_121 = vector.broadcast %broadcast_in_dim3A_119 : vector<128x1xi32> to vector<128x1024xi32>
    %eq3A_122 = arith.cmpi eq, %iota3A, %eq3A_121 : vector<128x1024xi32>
    %jit3A_123 = arith.constant 0x7F800000 : f32
    %broadcast_in_dim3A_124 = vector.broadcast %jit3A_123 : f32 to vector<128x1024xf32>
    %select_n3A_125 = arith.select %eq3A_122, %broadcast_in_dim3A_124, %select_n3A_108 : vector<128x1024xi1>, vector<128x1024xf32>
    %reduce_min3A_126 = arith.constant dense<0x7F800000> : vector<128xf32>
    %reduce_min3A_127 = vector.multi_reduction <minimumf>, %select_n3A_125, %reduce_min3A_126 [1] : vector<128x1024xf32> to vector<128xf32>
    %broadcast_in_dim3A_128 = vector.shape_cast %reduce_min3A_127 : vector<128xf32> to vector<128x1xf32>
    %eq3A_129 = vector.broadcast %broadcast_in_dim3A_128 : vector<128x1xf32> to vector<128x1024xf32>
    %eq3A_130 = arith.cmpf oeq, %select_n3A_125, %eq3A_129 : vector<128x1024xf32>
    %jit3A_131 = arith.constant 1025 : i32
    %broadcast_in_dim3A_132 = vector.broadcast %jit3A_131 : i32 to vector<128x1024xi32>
    %select_n3A_133 = arith.select %eq3A_130, %iota3A, %broadcast_in_dim3A_132 : vector<128x1024xi1>, vector<128x1024xi32>
    %reduce_min3A_134 = arith.constant dense<2147483647> : vector<128xi32>
    %reduce_min3A_135 = vector.multi_reduction <minsi>, %select_n3A_133, %reduce_min3A_134 [1] : vector<128x1024xi32> to vector<128xi32>
    %broadcast_in_dim3A_136 = vector.shape_cast %reduce_min3A_135 : vector<128xi32> to vector<128x1xi32>
    %sub3A_137 = arith.subi %add3A_28, %broadcast_in_dim3A_136 : vector<128x1xi32>
    %eq3A_138 = vector.broadcast %broadcast_in_dim3A_136 : vector<128x1xi32> to vector<128x1024xi32>
    %eq3A_139 = arith.cmpi eq, %iota3A, %eq3A_138 : vector<128x1024xi32>
    %jit3A_140 = arith.constant 0x7F800000 : f32
    %broadcast_in_dim3A_141 = vector.broadcast %jit3A_140 : f32 to vector<128x1024xf32>
    %select_n3A_142 = arith.select %eq3A_139, %broadcast_in_dim3A_141, %select_n3A_125 : vector<128x1024xi1>, vector<128x1024xf32>
    %reduce_min3A_143 = arith.constant dense<0x7F800000> : vector<128xf32>
    %reduce_min3A_144 = vector.multi_reduction <minimumf>, %select_n3A_142, %reduce_min3A_143 [1] : vector<128x1024xf32> to vector<128xf32>
    %broadcast_in_dim3A_145 = vector.shape_cast %reduce_min3A_144 : vector<128xf32> to vector<128x1xf32>
    %eq3A_146 = vector.broadcast %broadcast_in_dim3A_145 : vector<128x1xf32> to vector<128x1024xf32>
    %eq3A_147 = arith.cmpf oeq, %select_n3A_142, %eq3A_146 : vector<128x1024xf32>
    %jit3A_148 = arith.constant 1025 : i32
    %broadcast_in_dim3A_149 = vector.broadcast %jit3A_148 : i32 to vector<128x1024xi32>
    %select_n3A_150 = arith.select %eq3A_147, %iota3A, %broadcast_in_dim3A_149 : vector<128x1024xi1>, vector<128x1024xi32>
    %reduce_min3A_151 = arith.constant dense<2147483647> : vector<128xi32>
    %reduce_min3A_152 = vector.multi_reduction <minsi>, %select_n3A_150, %reduce_min3A_151 [1] : vector<128x1024xi32> to vector<128xi32>
    %broadcast_in_dim3A_153 = vector.shape_cast %reduce_min3A_152 : vector<128xi32> to vector<128x1xi32>
    %sub3A_154 = arith.subi %add3A_28, %broadcast_in_dim3A_153 : vector<128x1xi32>
    %eq3A_155 = vector.broadcast %broadcast_in_dim3A_153 : vector<128x1xi32> to vector<128x1024xi32>
    %eq3A_156 = arith.cmpi eq, %iota3A, %eq3A_155 : vector<128x1024xi32>
    %jit3A_157 = arith.constant 0x7F800000 : f32
    %broadcast_in_dim3A_158 = vector.broadcast %jit3A_157 : f32 to vector<128x1024xf32>
    %select_n3A_159 = arith.select %eq3A_156, %broadcast_in_dim3A_158, %select_n3A_142 : vector<128x1024xi1>, vector<128x1024xf32>
    %reduce_min3A_160 = arith.constant dense<0x7F800000> : vector<128xf32>
    %reduce_min3A_161 = vector.multi_reduction <minimumf>, %select_n3A_159, %reduce_min3A_160 [1] : vector<128x1024xf32> to vector<128xf32>
    %broadcast_in_dim3A_162 = vector.shape_cast %reduce_min3A_161 : vector<128xf32> to vector<128x1xf32>
    %eq3A_163 = vector.broadcast %broadcast_in_dim3A_162 : vector<128x1xf32> to vector<128x1024xf32>
    %eq3A_164 = arith.cmpf oeq, %select_n3A_159, %eq3A_163 : vector<128x1024xf32>
    %jit3A_165 = arith.constant 1025 : i32
    %broadcast_in_dim3A_166 = vector.broadcast %jit3A_165 : i32 to vector<128x1024xi32>
    %select_n3A_167 = arith.select %eq3A_164, %iota3A, %broadcast_in_dim3A_166 : vector<128x1024xi1>, vector<128x1024xi32>
    %reduce_min3A_168 = arith.constant dense<2147483647> : vector<128xi32>
    %reduce_min3A_169 = vector.multi_reduction <minsi>, %select_n3A_167, %reduce_min3A_168 [1] : vector<128x1024xi32> to vector<128xi32>
    %broadcast_in_dim3A_170 = vector.shape_cast %reduce_min3A_169 : vector<128xi32> to vector<128x1xi32>
    %sub3A_171 = arith.subi %add3A_28, %broadcast_in_dim3A_170 : vector<128x1xi32>
    %eq3A_172 = vector.broadcast %broadcast_in_dim3A_170 : vector<128x1xi32> to vector<128x1024xi32>
    %eq3A_173 = arith.cmpi eq, %iota3A, %eq3A_172 : vector<128x1024xi32>
    %jit3A_174 = arith.constant 0x7F800000 : f32
    %broadcast_in_dim3A_175 = vector.broadcast %jit3A_174 : f32 to vector<128x1024xf32>
    %select_n3A_176 = arith.select %eq3A_173, %broadcast_in_dim3A_175, %select_n3A_159 : vector<128x1024xi1>, vector<128x1024xf32>
    %reduce_min3A_177 = arith.constant dense<0x7F800000> : vector<128xf32>
    %reduce_min3A_178 = vector.multi_reduction <minimumf>, %select_n3A_176, %reduce_min3A_177 [1] : vector<128x1024xf32> to vector<128xf32>
    %broadcast_in_dim3A_179 = vector.shape_cast %reduce_min3A_178 : vector<128xf32> to vector<128x1xf32>
    %eq3A_180 = vector.broadcast %broadcast_in_dim3A_179 : vector<128x1xf32> to vector<128x1024xf32>
    %eq3A_181 = arith.cmpf oeq, %select_n3A_176, %eq3A_180 : vector<128x1024xf32>
    %jit3A_182 = arith.constant 1025 : i32
    %broadcast_in_dim3A_183 = vector.broadcast %jit3A_182 : i32 to vector<128x1024xi32>
    %select_n3A_184 = arith.select %eq3A_181, %iota3A, %broadcast_in_dim3A_183 : vector<128x1024xi1>, vector<128x1024xi32>
    %reduce_min3A_185 = arith.constant dense<2147483647> : vector<128xi32>
    %reduce_min3A_186 = vector.multi_reduction <minsi>, %select_n3A_184, %reduce_min3A_185 [1] : vector<128x1024xi32> to vector<128xi32>
    %broadcast_in_dim3A_187 = vector.shape_cast %reduce_min3A_186 : vector<128xi32> to vector<128x1xi32>
    %sub3A_188 = arith.subi %add3A_28, %broadcast_in_dim3A_187 : vector<128x1xi32>
    %eq3A_189 = vector.broadcast %broadcast_in_dim3A_187 : vector<128x1xi32> to vector<128x1024xi32>
    %eq3A_190 = arith.cmpi eq, %iota3A, %eq3A_189 : vector<128x1024xi32>
    %jit3A_191 = arith.constant 0x7F800000 : f32
    %broadcast_in_dim3A_192 = vector.broadcast %jit3A_191 : f32 to vector<128x1024xf32>
    %select_n3A_193 = arith.select %eq3A_190, %broadcast_in_dim3A_192, %select_n3A_176 : vector<128x1024xi1>, vector<128x1024xf32>
    %reduce_min3A_194 = arith.constant dense<0x7F800000> : vector<128xf32>
    %reduce_min3A_195 = vector.multi_reduction <minimumf>, %select_n3A_193, %reduce_min3A_194 [1] : vector<128x1024xf32> to vector<128xf32>
    %broadcast_in_dim3A_196 = vector.shape_cast %reduce_min3A_195 : vector<128xf32> to vector<128x1xf32>
    %eq3A_197 = vector.broadcast %broadcast_in_dim3A_196 : vector<128x1xf32> to vector<128x1024xf32>
    %eq3A_198 = arith.cmpf oeq, %select_n3A_193, %eq3A_197 : vector<128x1024xf32>
    %jit3A_199 = arith.constant 1025 : i32
    %broadcast_in_dim3A_200 = vector.broadcast %jit3A_199 : i32 to vector<128x1024xi32>
    %select_n3A_201 = arith.select %eq3A_198, %iota3A, %broadcast_in_dim3A_200 : vector<128x1024xi1>, vector<128x1024xi32>
    %reduce_min3A_202 = arith.constant dense<2147483647> : vector<128xi32>
    %reduce_min3A_203 = vector.multi_reduction <minsi>, %select_n3A_201, %reduce_min3A_202 [1] : vector<128x1024xi32> to vector<128xi32>
    %broadcast_in_dim3A_204 = vector.shape_cast %reduce_min3A_203 : vector<128xi32> to vector<128x1xi32>
    %sub3A_205 = arith.subi %add3A_28, %broadcast_in_dim3A_204 : vector<128x1xi32>
    %eq3A_206 = vector.broadcast %broadcast_in_dim3A_204 : vector<128x1xi32> to vector<128x1024xi32>
    %eq3A_207 = arith.cmpi eq, %iota3A, %eq3A_206 : vector<128x1024xi32>
    %jit3A_208 = arith.constant 0x7F800000 : f32
    %broadcast_in_dim3A_209 = vector.broadcast %jit3A_208 : f32 to vector<128x1024xf32>
    %select_n3A_210 = arith.select %eq3A_207, %broadcast_in_dim3A_209, %select_n3A_193 : vector<128x1024xi1>, vector<128x1024xf32>
    %reduce_min3A_211 = arith.constant dense<0x7F800000> : vector<128xf32>
    %reduce_min3A_212 = vector.multi_reduction <minimumf>, %select_n3A_210, %reduce_min3A_211 [1] : vector<128x1024xf32> to vector<128xf32>
    %broadcast_in_dim3A_213 = vector.shape_cast %reduce_min3A_212 : vector<128xf32> to vector<128x1xf32>
    %eq3A_214 = vector.broadcast %broadcast_in_dim3A_213 : vector<128x1xf32> to vector<128x1024xf32>
    %eq3A_215 = arith.cmpf oeq, %select_n3A_210, %eq3A_214 : vector<128x1024xf32>
    %jit3A_216 = arith.constant 1025 : i32
    %broadcast_in_dim3A_217 = vector.broadcast %jit3A_216 : i32 to vector<128x1024xi32>
    %select_n3A_218 = arith.select %eq3A_215, %iota3A, %broadcast_in_dim3A_217 : vector<128x1024xi1>, vector<128x1024xi32>
    %reduce_min3A_219 = arith.constant dense<2147483647> : vector<128xi32>
    %reduce_min3A_220 = vector.multi_reduction <minsi>, %select_n3A_218, %reduce_min3A_219 [1] : vector<128x1024xi32> to vector<128xi32>
    %broadcast_in_dim3A_221 = vector.shape_cast %reduce_min3A_220 : vector<128xi32> to vector<128x1xi32>
    %sub3A_222 = arith.subi %add3A_28, %broadcast_in_dim3A_221 : vector<128x1xi32>
    %eq3A_223 = vector.broadcast %broadcast_in_dim3A_221 : vector<128x1xi32> to vector<128x1024xi32>
    %eq3A_224 = arith.cmpi eq, %iota3A, %eq3A_223 : vector<128x1024xi32>
    %jit3A_225 = arith.constant 0x7F800000 : f32
    %broadcast_in_dim3A_226 = vector.broadcast %jit3A_225 : f32 to vector<128x1024xf32>
    %select_n3A_227 = arith.select %eq3A_224, %broadcast_in_dim3A_226, %select_n3A_210 : vector<128x1024xi1>, vector<128x1024xf32>
    %reduce_min3A_228 = arith.constant dense<0x7F800000> : vector<128xf32>
    %reduce_min3A_229 = vector.multi_reduction <minimumf>, %select_n3A_227, %reduce_min3A_228 [1] : vector<128x1024xf32> to vector<128xf32>
    %broadcast_in_dim3A_230 = vector.shape_cast %reduce_min3A_229 : vector<128xf32> to vector<128x1xf32>
    %eq3A_231 = vector.broadcast %broadcast_in_dim3A_230 : vector<128x1xf32> to vector<128x1024xf32>
    %eq3A_232 = arith.cmpf oeq, %select_n3A_227, %eq3A_231 : vector<128x1024xf32>
    %jit3A_233 = arith.constant 1025 : i32
    %broadcast_in_dim3A_234 = vector.broadcast %jit3A_233 : i32 to vector<128x1024xi32>
    %select_n3A_235 = arith.select %eq3A_232, %iota3A, %broadcast_in_dim3A_234 : vector<128x1024xi1>, vector<128x1024xi32>
    %reduce_min3A_236 = arith.constant dense<2147483647> : vector<128xi32>
    %reduce_min3A_237 = vector.multi_reduction <minsi>, %select_n3A_235, %reduce_min3A_236 [1] : vector<128x1024xi32> to vector<128xi32>
    %broadcast_in_dim3A_238 = vector.shape_cast %reduce_min3A_237 : vector<128xi32> to vector<128x1xi32>
    %sub3A_239 = arith.subi %add3A_28, %broadcast_in_dim3A_238 : vector<128x1xi32>
    %eq3A_240 = vector.broadcast %broadcast_in_dim3A_238 : vector<128x1xi32> to vector<128x1024xi32>
    %eq3A_241 = arith.cmpi eq, %iota3A, %eq3A_240 : vector<128x1024xi32>
    %jit3A_242 = arith.constant 0x7F800000 : f32
    %broadcast_in_dim3A_243 = vector.broadcast %jit3A_242 : f32 to vector<128x1024xf32>
    %select_n3A_244 = arith.select %eq3A_241, %broadcast_in_dim3A_243, %select_n3A_227 : vector<128x1024xi1>, vector<128x1024xf32>
    %reduce_min3A_245 = arith.constant dense<0x7F800000> : vector<128xf32>
    %reduce_min3A_246 = vector.multi_reduction <minimumf>, %select_n3A_244, %reduce_min3A_245 [1] : vector<128x1024xf32> to vector<128xf32>
    %broadcast_in_dim3A_247 = vector.shape_cast %reduce_min3A_246 : vector<128xf32> to vector<128x1xf32>
    %eq3A_248 = vector.broadcast %broadcast_in_dim3A_247 : vector<128x1xf32> to vector<128x1024xf32>
    %eq3A_249 = arith.cmpf oeq, %select_n3A_244, %eq3A_248 : vector<128x1024xf32>
    %jit3A_250 = arith.constant 1025 : i32
    %broadcast_in_dim3A_251 = vector.broadcast %jit3A_250 : i32 to vector<128x1024xi32>
    %select_n3A_252 = arith.select %eq3A_249, %iota3A, %broadcast_in_dim3A_251 : vector<128x1024xi1>, vector<128x1024xi32>
    %reduce_min3A_253 = arith.constant dense<2147483647> : vector<128xi32>
    %reduce_min3A_254 = vector.multi_reduction <minsi>, %select_n3A_252, %reduce_min3A_253 [1] : vector<128x1024xi32> to vector<128xi32>
    %broadcast_in_dim3A_255 = vector.shape_cast %reduce_min3A_254 : vector<128xi32> to vector<128x1xi32>
    %sub3A_256 = arith.subi %add3A_28, %broadcast_in_dim3A_255 : vector<128x1xi32>
    %eq3A_257 = vector.broadcast %broadcast_in_dim3A_255 : vector<128x1xi32> to vector<128x1024xi32>
    %eq3A_258 = arith.cmpi eq, %iota3A, %eq3A_257 : vector<128x1024xi32>
    %jit3A_259 = arith.constant 0x7F800000 : f32
    %broadcast_in_dim3A_260 = vector.broadcast %jit3A_259 : f32 to vector<128x1024xf32>
    %select_n3A_261 = arith.select %eq3A_258, %broadcast_in_dim3A_260, %select_n3A_244 : vector<128x1024xi1>, vector<128x1024xf32>
    %reduce_min3A_262 = arith.constant dense<0x7F800000> : vector<128xf32>
    %reduce_min3A_263 = vector.multi_reduction <minimumf>, %select_n3A_261, %reduce_min3A_262 [1] : vector<128x1024xf32> to vector<128xf32>
    %broadcast_in_dim3A_264 = vector.shape_cast %reduce_min3A_263 : vector<128xf32> to vector<128x1xf32>
    %eq3A_265 = vector.broadcast %broadcast_in_dim3A_264 : vector<128x1xf32> to vector<128x1024xf32>
    %eq3A_266 = arith.cmpf oeq, %select_n3A_261, %eq3A_265 : vector<128x1024xf32>
    %jit3A_267 = arith.constant 1025 : i32
    %broadcast_in_dim3A_268 = vector.broadcast %jit3A_267 : i32 to vector<128x1024xi32>
    %select_n3A_269 = arith.select %eq3A_266, %iota3A, %broadcast_in_dim3A_268 : vector<128x1024xi1>, vector<128x1024xi32>
    %reduce_min3A_270 = arith.constant dense<2147483647> : vector<128xi32>
    %reduce_min3A_271 = vector.multi_reduction <minsi>, %select_n3A_269, %reduce_min3A_270 [1] : vector<128x1024xi32> to vector<128xi32>
    %broadcast_in_dim3A_272 = vector.shape_cast %reduce_min3A_271 : vector<128xi32> to vector<128x1xi32>
    %sub3A_273 = arith.subi %add3A_28, %broadcast_in_dim3A_272 : vector<128x1xi32>
    %eq3A_274 = vector.broadcast %broadcast_in_dim3A_272 : vector<128x1xi32> to vector<128x1024xi32>
    %eq3A_275 = arith.cmpi eq, %iota3A, %eq3A_274 : vector<128x1024xi32>
    %jit3A_276 = arith.constant 0x7F800000 : f32
    %broadcast_in_dim3A_277 = vector.broadcast %jit3A_276 : f32 to vector<128x1024xf32>
    %select_n3A_278 = arith.select %eq3A_275, %broadcast_in_dim3A_277, %select_n3A_261 : vector<128x1024xi1>, vector<128x1024xf32>
    %reduce_min3A_279 = arith.constant dense<0x7F800000> : vector<128xf32>
    %reduce_min3A_280 = vector.multi_reduction <minimumf>, %select_n3A_278, %reduce_min3A_279 [1] : vector<128x1024xf32> to vector<128xf32>
    %broadcast_in_dim3A_281 = vector.shape_cast %reduce_min3A_280 : vector<128xf32> to vector<128x1xf32>
    %eq3A_282 = vector.broadcast %broadcast_in_dim3A_281 : vector<128x1xf32> to vector<128x1024xf32>
    %eq3A_283 = arith.cmpf oeq, %select_n3A_278, %eq3A_282 : vector<128x1024xf32>
    %jit3A_284 = arith.constant 1025 : i32
    %broadcast_in_dim3A_285 = vector.broadcast %jit3A_284 : i32 to vector<128x1024xi32>
    %select_n3A_286 = arith.select %eq3A_283, %iota3A, %broadcast_in_dim3A_285 : vector<128x1024xi1>, vector<128x1024xi32>
    %reduce_min3A_287 = arith.constant dense<2147483647> : vector<128xi32>
    %reduce_min3A_288 = vector.multi_reduction <minsi>, %select_n3A_286, %reduce_min3A_287 [1] : vector<128x1024xi32> to vector<128xi32>
    %broadcast_in_dim3A_289 = vector.shape_cast %reduce_min3A_288 : vector<128xi32> to vector<128x1xi32>
    %sub3A_290 = arith.subi %add3A_28, %broadcast_in_dim3A_289 : vector<128x1xi32>
    %eq3A_291 = vector.broadcast %broadcast_in_dim3A_289 : vector<128x1xi32> to vector<128x1024xi32>
    %eq3A_292 = arith.cmpi eq, %iota3A, %eq3A_291 : vector<128x1024xi32>
    %jit3A_293 = arith.constant 0x7F800000 : f32
    %broadcast_in_dim3A_294 = vector.broadcast %jit3A_293 : f32 to vector<128x1024xf32>
    %select_n3A_295 = arith.select %eq3A_292, %broadcast_in_dim3A_294, %select_n3A_278 : vector<128x1024xi1>, vector<128x1024xf32>
    %reduce_min3A_296 = arith.constant dense<0x7F800000> : vector<128xf32>
    %reduce_min3A_297 = vector.multi_reduction <minimumf>, %select_n3A_295, %reduce_min3A_296 [1] : vector<128x1024xf32> to vector<128xf32>
    %broadcast_in_dim3A_298 = vector.shape_cast %reduce_min3A_297 : vector<128xf32> to vector<128x1xf32>
    %eq3A_299 = vector.broadcast %broadcast_in_dim3A_298 : vector<128x1xf32> to vector<128x1024xf32>
    %eq3A_300 = arith.cmpf oeq, %select_n3A_295, %eq3A_299 : vector<128x1024xf32>
    %jit3A_301 = arith.constant 1025 : i32
    %broadcast_in_dim3A_302 = vector.broadcast %jit3A_301 : i32 to vector<128x1024xi32>
    %select_n3A_303 = arith.select %eq3A_300, %iota3A, %broadcast_in_dim3A_302 : vector<128x1024xi1>, vector<128x1024xi32>
    %reduce_min3A_304 = arith.constant dense<2147483647> : vector<128xi32>
    %reduce_min3A_305 = vector.multi_reduction <minsi>, %select_n3A_303, %reduce_min3A_304 [1] : vector<128x1024xi32> to vector<128xi32>
    %broadcast_in_dim3A_306 = vector.shape_cast %reduce_min3A_305 : vector<128xi32> to vector<128x1xi32>
    %sub3A_307 = arith.subi %add3A_28, %broadcast_in_dim3A_306 : vector<128x1xi32>
    %eq3A_308 = vector.broadcast %broadcast_in_dim3A_306 : vector<128x1xi32> to vector<128x1024xi32>
    %eq3A_309 = arith.cmpi eq, %iota3A, %eq3A_308 : vector<128x1024xi32>
    %jit3A_310 = arith.constant 0x7F800000 : f32
    %broadcast_in_dim3A_311 = vector.broadcast %jit3A_310 : f32 to vector<128x1024xf32>
    %select_n3A_312 = arith.select %eq3A_309, %broadcast_in_dim3A_311, %select_n3A_295 : vector<128x1024xi1>, vector<128x1024xf32>
    %reduce_min3A_313 = arith.constant dense<0x7F800000> : vector<128xf32>
    %reduce_min3A_314 = vector.multi_reduction <minimumf>, %select_n3A_312, %reduce_min3A_313 [1] : vector<128x1024xf32> to vector<128xf32>
    %broadcast_in_dim3A_315 = vector.shape_cast %reduce_min3A_314 : vector<128xf32> to vector<128x1xf32>
    %eq3A_316 = vector.broadcast %broadcast_in_dim3A_315 : vector<128x1xf32> to vector<128x1024xf32>
    %eq3A_317 = arith.cmpf oeq, %select_n3A_312, %eq3A_316 : vector<128x1024xf32>
    %jit3A_318 = arith.constant 1025 : i32
    %broadcast_in_dim3A_319 = vector.broadcast %jit3A_318 : i32 to vector<128x1024xi32>
    %select_n3A_320 = arith.select %eq3A_317, %iota3A, %broadcast_in_dim3A_319 : vector<128x1024xi1>, vector<128x1024xi32>
    %reduce_min3A_321 = arith.constant dense<2147483647> : vector<128xi32>
    %reduce_min3A_322 = vector.multi_reduction <minsi>, %select_n3A_320, %reduce_min3A_321 [1] : vector<128x1024xi32> to vector<128xi32>
    %broadcast_in_dim3A_323 = vector.shape_cast %reduce_min3A_322 : vector<128xi32> to vector<128x1xi32>
    %sub3A_324 = arith.subi %add3A_28, %broadcast_in_dim3A_323 : vector<128x1xi32>
    %eq3A_325 = vector.broadcast %broadcast_in_dim3A_323 : vector<128x1xi32> to vector<128x1024xi32>
    %eq3A_326 = arith.cmpi eq, %iota3A, %eq3A_325 : vector<128x1024xi32>
    %jit3A_327 = arith.constant 0x7F800000 : f32
    %broadcast_in_dim3A_328 = vector.broadcast %jit3A_327 : f32 to vector<128x1024xf32>
    %select_n3A_329 = arith.select %eq3A_326, %broadcast_in_dim3A_328, %select_n3A_312 : vector<128x1024xi1>, vector<128x1024xf32>
    %reduce_min3A_330 = arith.constant dense<0x7F800000> : vector<128xf32>
    %reduce_min3A_331 = vector.multi_reduction <minimumf>, %select_n3A_329, %reduce_min3A_330 [1] : vector<128x1024xf32> to vector<128xf32>
    %broadcast_in_dim3A_332 = vector.shape_cast %reduce_min3A_331 : vector<128xf32> to vector<128x1xf32>
    %eq3A_333 = vector.broadcast %broadcast_in_dim3A_332 : vector<128x1xf32> to vector<128x1024xf32>
    %eq3A_334 = arith.cmpf oeq, %select_n3A_329, %eq3A_333 : vector<128x1024xf32>
    %jit3A_335 = arith.constant 1025 : i32
    %broadcast_in_dim3A_336 = vector.broadcast %jit3A_335 : i32 to vector<128x1024xi32>
    %select_n3A_337 = arith.select %eq3A_334, %iota3A, %broadcast_in_dim3A_336 : vector<128x1024xi1>, vector<128x1024xi32>
    %reduce_min3A_338 = arith.constant dense<2147483647> : vector<128xi32>
    %reduce_min3A_339 = vector.multi_reduction <minsi>, %select_n3A_337, %reduce_min3A_338 [1] : vector<128x1024xi32> to vector<128xi32>
    %broadcast_in_dim3A_340 = vector.shape_cast %reduce_min3A_339 : vector<128xi32> to vector<128x1xi32>
    %sub3A_341 = arith.subi %add3A_28, %broadcast_in_dim3A_340 : vector<128x1xi32>
    %eq3A_342 = vector.broadcast %broadcast_in_dim3A_340 : vector<128x1xi32> to vector<128x1024xi32>
    %eq3A_343 = arith.cmpi eq, %iota3A, %eq3A_342 : vector<128x1024xi32>
    %jit3A_344 = arith.constant 0x7F800000 : f32
    %broadcast_in_dim3A_345 = vector.broadcast %jit3A_344 : f32 to vector<128x1024xf32>
    %select_n3A_346 = arith.select %eq3A_343, %broadcast_in_dim3A_345, %select_n3A_329 : vector<128x1024xi1>, vector<128x1024xf32>
    %reduce_min3A_347 = arith.constant dense<0x7F800000> : vector<128xf32>
    %reduce_min3A_348 = vector.multi_reduction <minimumf>, %select_n3A_346, %reduce_min3A_347 [1] : vector<128x1024xf32> to vector<128xf32>
    %broadcast_in_dim3A_349 = vector.shape_cast %reduce_min3A_348 : vector<128xf32> to vector<128x1xf32>
    %eq3A_350 = vector.broadcast %broadcast_in_dim3A_349 : vector<128x1xf32> to vector<128x1024xf32>
    %eq3A_351 = arith.cmpf oeq, %select_n3A_346, %eq3A_350 : vector<128x1024xf32>
    %jit3A_352 = arith.constant 1025 : i32
    %broadcast_in_dim3A_353 = vector.broadcast %jit3A_352 : i32 to vector<128x1024xi32>
    %select_n3A_354 = arith.select %eq3A_351, %iota3A, %broadcast_in_dim3A_353 : vector<128x1024xi1>, vector<128x1024xi32>
    %reduce_min3A_355 = arith.constant dense<2147483647> : vector<128xi32>
    %reduce_min3A_356 = vector.multi_reduction <minsi>, %select_n3A_354, %reduce_min3A_355 [1] : vector<128x1024xi32> to vector<128xi32>
    %broadcast_in_dim3A_357 = vector.shape_cast %reduce_min3A_356 : vector<128xi32> to vector<128x1xi32>
    %sub3A_358 = arith.subi %add3A_28, %broadcast_in_dim3A_357 : vector<128x1xi32>
    %eq3A_359 = vector.broadcast %broadcast_in_dim3A_357 : vector<128x1xi32> to vector<128x1024xi32>
    %eq3A_360 = arith.cmpi eq, %iota3A, %eq3A_359 : vector<128x1024xi32>
    %jit3A_361 = arith.constant 0x7F800000 : f32
    %broadcast_in_dim3A_362 = vector.broadcast %jit3A_361 : f32 to vector<128x1024xf32>
    %select_n3A_363 = arith.select %eq3A_360, %broadcast_in_dim3A_362, %select_n3A_346 : vector<128x1024xi1>, vector<128x1024xf32>
    %reduce_min3A_364 = arith.constant dense<0x7F800000> : vector<128xf32>
    %reduce_min3A_365 = vector.multi_reduction <minimumf>, %select_n3A_363, %reduce_min3A_364 [1] : vector<128x1024xf32> to vector<128xf32>
    %broadcast_in_dim3A_366 = vector.shape_cast %reduce_min3A_365 : vector<128xf32> to vector<128x1xf32>
    %eq3A_367 = vector.broadcast %broadcast_in_dim3A_366 : vector<128x1xf32> to vector<128x1024xf32>
    %eq3A_368 = arith.cmpf oeq, %select_n3A_363, %eq3A_367 : vector<128x1024xf32>
    %jit3A_369 = arith.constant 1025 : i32
    %broadcast_in_dim3A_370 = vector.broadcast %jit3A_369 : i32 to vector<128x1024xi32>
    %select_n3A_371 = arith.select %eq3A_368, %iota3A, %broadcast_in_dim3A_370 : vector<128x1024xi1>, vector<128x1024xi32>
    %reduce_min3A_372 = arith.constant dense<2147483647> : vector<128xi32>
    %reduce_min3A_373 = vector.multi_reduction <minsi>, %select_n3A_371, %reduce_min3A_372 [1] : vector<128x1024xi32> to vector<128xi32>
    %broadcast_in_dim3A_374 = vector.shape_cast %reduce_min3A_373 : vector<128xi32> to vector<128x1xi32>
    %sub3A_375 = arith.subi %add3A_28, %broadcast_in_dim3A_374 : vector<128x1xi32>
    %eq3A_376 = vector.broadcast %broadcast_in_dim3A_374 : vector<128x1xi32> to vector<128x1024xi32>
    %eq3A_377 = arith.cmpi eq, %iota3A, %eq3A_376 : vector<128x1024xi32>
    %jit3A_378 = arith.constant 0x7F800000 : f32
    %broadcast_in_dim3A_379 = vector.broadcast %jit3A_378 : f32 to vector<128x1024xf32>
    %select_n3A_380 = arith.select %eq3A_377, %broadcast_in_dim3A_379, %select_n3A_363 : vector<128x1024xi1>, vector<128x1024xf32>
    %reduce_min3A_381 = arith.constant dense<0x7F800000> : vector<128xf32>
    %reduce_min3A_382 = vector.multi_reduction <minimumf>, %select_n3A_380, %reduce_min3A_381 [1] : vector<128x1024xf32> to vector<128xf32>
    %broadcast_in_dim3A_383 = vector.shape_cast %reduce_min3A_382 : vector<128xf32> to vector<128x1xf32>
    %eq3A_384 = vector.broadcast %broadcast_in_dim3A_383 : vector<128x1xf32> to vector<128x1024xf32>
    %eq3A_385 = arith.cmpf oeq, %select_n3A_380, %eq3A_384 : vector<128x1024xf32>
    %jit3A_386 = arith.constant 1025 : i32
    %broadcast_in_dim3A_387 = vector.broadcast %jit3A_386 : i32 to vector<128x1024xi32>
    %select_n3A_388 = arith.select %eq3A_385, %iota3A, %broadcast_in_dim3A_387 : vector<128x1024xi1>, vector<128x1024xi32>
    %reduce_min3A_389 = arith.constant dense<2147483647> : vector<128xi32>
    %reduce_min3A_390 = vector.multi_reduction <minsi>, %select_n3A_388, %reduce_min3A_389 [1] : vector<128x1024xi32> to vector<128xi32>
    %broadcast_in_dim3A_391 = vector.shape_cast %reduce_min3A_390 : vector<128xi32> to vector<128x1xi32>
    %sub3A_392 = arith.subi %add3A_28, %broadcast_in_dim3A_391 : vector<128x1xi32>
    %eq3A_393 = vector.broadcast %broadcast_in_dim3A_391 : vector<128x1xi32> to vector<128x1024xi32>
    %eq3A_394 = arith.cmpi eq, %iota3A, %eq3A_393 : vector<128x1024xi32>
    %jit3A_395 = arith.constant 0x7F800000 : f32
    %broadcast_in_dim3A_396 = vector.broadcast %jit3A_395 : f32 to vector<128x1024xf32>
    %select_n3A_397 = arith.select %eq3A_394, %broadcast_in_dim3A_396, %select_n3A_380 : vector<128x1024xi1>, vector<128x1024xf32>
    %reduce_min3A_398 = arith.constant dense<0x7F800000> : vector<128xf32>
    %reduce_min3A_399 = vector.multi_reduction <minimumf>, %select_n3A_397, %reduce_min3A_398 [1] : vector<128x1024xf32> to vector<128xf32>
    %broadcast_in_dim3A_400 = vector.shape_cast %reduce_min3A_399 : vector<128xf32> to vector<128x1xf32>
    %eq3A_401 = vector.broadcast %broadcast_in_dim3A_400 : vector<128x1xf32> to vector<128x1024xf32>
    %eq3A_402 = arith.cmpf oeq, %select_n3A_397, %eq3A_401 : vector<128x1024xf32>
    %jit3A_403 = arith.constant 1025 : i32
    %broadcast_in_dim3A_404 = vector.broadcast %jit3A_403 : i32 to vector<128x1024xi32>
    %select_n3A_405 = arith.select %eq3A_402, %iota3A, %broadcast_in_dim3A_404 : vector<128x1024xi1>, vector<128x1024xi32>
    %reduce_min3A_406 = arith.constant dense<2147483647> : vector<128xi32>
    %reduce_min3A_407 = vector.multi_reduction <minsi>, %select_n3A_405, %reduce_min3A_406 [1] : vector<128x1024xi32> to vector<128xi32>
    %broadcast_in_dim3A_408 = vector.shape_cast %reduce_min3A_407 : vector<128xi32> to vector<128x1xi32>
    %sub3A_409 = arith.subi %add3A_28, %broadcast_in_dim3A_408 : vector<128x1xi32>
    %eq3A_410 = vector.broadcast %broadcast_in_dim3A_408 : vector<128x1xi32> to vector<128x1024xi32>
    %eq3A_411 = arith.cmpi eq, %iota3A, %eq3A_410 : vector<128x1024xi32>
    %jit3A_412 = arith.constant 0x7F800000 : f32
    %broadcast_in_dim3A_413 = vector.broadcast %jit3A_412 : f32 to vector<128x1024xf32>
    %select_n3A_414 = arith.select %eq3A_411, %broadcast_in_dim3A_413, %select_n3A_397 : vector<128x1024xi1>, vector<128x1024xf32>
    %reduce_min3A_415 = arith.constant dense<0x7F800000> : vector<128xf32>
    %reduce_min3A_416 = vector.multi_reduction <minimumf>, %select_n3A_414, %reduce_min3A_415 [1] : vector<128x1024xf32> to vector<128xf32>
    %broadcast_in_dim3A_417 = vector.shape_cast %reduce_min3A_416 : vector<128xf32> to vector<128x1xf32>
    %eq3A_418 = vector.broadcast %broadcast_in_dim3A_417 : vector<128x1xf32> to vector<128x1024xf32>
    %eq3A_419 = arith.cmpf oeq, %select_n3A_414, %eq3A_418 : vector<128x1024xf32>
    %jit3A_420 = arith.constant 1025 : i32
    %broadcast_in_dim3A_421 = vector.broadcast %jit3A_420 : i32 to vector<128x1024xi32>
    %select_n3A_422 = arith.select %eq3A_419, %iota3A, %broadcast_in_dim3A_421 : vector<128x1024xi1>, vector<128x1024xi32>
    %reduce_min3A_423 = arith.constant dense<2147483647> : vector<128xi32>
    %reduce_min3A_424 = vector.multi_reduction <minsi>, %select_n3A_422, %reduce_min3A_423 [1] : vector<128x1024xi32> to vector<128xi32>
    %broadcast_in_dim3A_425 = vector.shape_cast %reduce_min3A_424 : vector<128xi32> to vector<128x1xi32>
    %sub3A_426 = arith.subi %add3A_28, %broadcast_in_dim3A_425 : vector<128x1xi32>
    %eq3A_427 = vector.broadcast %broadcast_in_dim3A_425 : vector<128x1xi32> to vector<128x1024xi32>
    %eq3A_428 = arith.cmpi eq, %iota3A, %eq3A_427 : vector<128x1024xi32>
    %jit3A_429 = arith.constant 0x7F800000 : f32
    %broadcast_in_dim3A_430 = vector.broadcast %jit3A_429 : f32 to vector<128x1024xf32>
    %select_n3A_431 = arith.select %eq3A_428, %broadcast_in_dim3A_430, %select_n3A_414 : vector<128x1024xi1>, vector<128x1024xf32>
    %reduce_min3A_432 = arith.constant dense<0x7F800000> : vector<128xf32>
    %reduce_min3A_433 = vector.multi_reduction <minimumf>, %select_n3A_431, %reduce_min3A_432 [1] : vector<128x1024xf32> to vector<128xf32>
    %broadcast_in_dim3A_434 = vector.shape_cast %reduce_min3A_433 : vector<128xf32> to vector<128x1xf32>
    %eq3A_435 = vector.broadcast %broadcast_in_dim3A_434 : vector<128x1xf32> to vector<128x1024xf32>
    %eq3A_436 = arith.cmpf oeq, %select_n3A_431, %eq3A_435 : vector<128x1024xf32>
    %jit3A_437 = arith.constant 1025 : i32
    %broadcast_in_dim3A_438 = vector.broadcast %jit3A_437 : i32 to vector<128x1024xi32>
    %select_n3A_439 = arith.select %eq3A_436, %iota3A, %broadcast_in_dim3A_438 : vector<128x1024xi1>, vector<128x1024xi32>
    %reduce_min3A_440 = arith.constant dense<2147483647> : vector<128xi32>
    %reduce_min3A_441 = vector.multi_reduction <minsi>, %select_n3A_439, %reduce_min3A_440 [1] : vector<128x1024xi32> to vector<128xi32>
    %broadcast_in_dim3A_442 = vector.shape_cast %reduce_min3A_441 : vector<128xi32> to vector<128x1xi32>
    %sub3A_443 = arith.subi %add3A_28, %broadcast_in_dim3A_442 : vector<128x1xi32>
    %eq3A_444 = vector.broadcast %broadcast_in_dim3A_442 : vector<128x1xi32> to vector<128x1024xi32>
    %eq3A_445 = arith.cmpi eq, %iota3A, %eq3A_444 : vector<128x1024xi32>
    %jit3A_446 = arith.constant 0x7F800000 : f32
    %broadcast_in_dim3A_447 = vector.broadcast %jit3A_446 : f32 to vector<128x1024xf32>
    %select_n3A_448 = arith.select %eq3A_445, %broadcast_in_dim3A_447, %select_n3A_431 : vector<128x1024xi1>, vector<128x1024xf32>
    %reduce_min3A_449 = arith.constant dense<0x7F800000> : vector<128xf32>
    %reduce_min3A_450 = vector.multi_reduction <minimumf>, %select_n3A_448, %reduce_min3A_449 [1] : vector<128x1024xf32> to vector<128xf32>
    %broadcast_in_dim3A_451 = vector.shape_cast %reduce_min3A_450 : vector<128xf32> to vector<128x1xf32>
    %eq3A_452 = vector.broadcast %broadcast_in_dim3A_451 : vector<128x1xf32> to vector<128x1024xf32>
    %eq3A_453 = arith.cmpf oeq, %select_n3A_448, %eq3A_452 : vector<128x1024xf32>
    %jit3A_454 = arith.constant 1025 : i32
    %broadcast_in_dim3A_455 = vector.broadcast %jit3A_454 : i32 to vector<128x1024xi32>
    %select_n3A_456 = arith.select %eq3A_453, %iota3A, %broadcast_in_dim3A_455 : vector<128x1024xi1>, vector<128x1024xi32>
    %reduce_min3A_457 = arith.constant dense<2147483647> : vector<128xi32>
    %reduce_min3A_458 = vector.multi_reduction <minsi>, %select_n3A_456, %reduce_min3A_457 [1] : vector<128x1024xi32> to vector<128xi32>
    %broadcast_in_dim3A_459 = vector.shape_cast %reduce_min3A_458 : vector<128xi32> to vector<128x1xi32>
    %sub3A_460 = arith.subi %add3A_28, %broadcast_in_dim3A_459 : vector<128x1xi32>
    %eq3A_461 = vector.broadcast %broadcast_in_dim3A_459 : vector<128x1xi32> to vector<128x1024xi32>
    %eq3A_462 = arith.cmpi eq, %iota3A, %eq3A_461 : vector<128x1024xi32>
    %jit3A_463 = arith.constant 0x7F800000 : f32
    %broadcast_in_dim3A_464 = vector.broadcast %jit3A_463 : f32 to vector<128x1024xf32>
    %select_n3A_465 = arith.select %eq3A_462, %broadcast_in_dim3A_464, %select_n3A_448 : vector<128x1024xi1>, vector<128x1024xf32>
    %reduce_min3A_466 = arith.constant dense<0x7F800000> : vector<128xf32>
    %reduce_min3A_467 = vector.multi_reduction <minimumf>, %select_n3A_465, %reduce_min3A_466 [1] : vector<128x1024xf32> to vector<128xf32>
    %broadcast_in_dim3A_468 = vector.shape_cast %reduce_min3A_467 : vector<128xf32> to vector<128x1xf32>
    %eq3A_469 = vector.broadcast %broadcast_in_dim3A_468 : vector<128x1xf32> to vector<128x1024xf32>
    %eq3A_470 = arith.cmpf oeq, %select_n3A_465, %eq3A_469 : vector<128x1024xf32>
    %jit3A_471 = arith.constant 1025 : i32
    %broadcast_in_dim3A_472 = vector.broadcast %jit3A_471 : i32 to vector<128x1024xi32>
    %select_n3A_473 = arith.select %eq3A_470, %iota3A, %broadcast_in_dim3A_472 : vector<128x1024xi1>, vector<128x1024xi32>
    %reduce_min3A_474 = arith.constant dense<2147483647> : vector<128xi32>
    %reduce_min3A_475 = vector.multi_reduction <minsi>, %select_n3A_473, %reduce_min3A_474 [1] : vector<128x1024xi32> to vector<128xi32>
    %broadcast_in_dim3A_476 = vector.shape_cast %reduce_min3A_475 : vector<128xi32> to vector<128x1xi32>
    %sub3A_477 = arith.subi %add3A_28, %broadcast_in_dim3A_476 : vector<128x1xi32>
    %eq3A_478 = vector.broadcast %broadcast_in_dim3A_476 : vector<128x1xi32> to vector<128x1024xi32>
    %eq3A_479 = arith.cmpi eq, %iota3A, %eq3A_478 : vector<128x1024xi32>
    %jit3A_480 = arith.constant 0x7F800000 : f32
    %broadcast_in_dim3A_481 = vector.broadcast %jit3A_480 : f32 to vector<128x1024xf32>
    %select_n3A_482 = arith.select %eq3A_479, %broadcast_in_dim3A_481, %select_n3A_465 : vector<128x1024xi1>, vector<128x1024xf32>
    %reduce_min3A_483 = arith.constant dense<0x7F800000> : vector<128xf32>
    %reduce_min3A_484 = vector.multi_reduction <minimumf>, %select_n3A_482, %reduce_min3A_483 [1] : vector<128x1024xf32> to vector<128xf32>
    %broadcast_in_dim3A_485 = vector.shape_cast %reduce_min3A_484 : vector<128xf32> to vector<128x1xf32>
    %eq3A_486 = vector.broadcast %broadcast_in_dim3A_485 : vector<128x1xf32> to vector<128x1024xf32>
    %eq3A_487 = arith.cmpf oeq, %select_n3A_482, %eq3A_486 : vector<128x1024xf32>
    %jit3A_488 = arith.constant 1025 : i32
    %broadcast_in_dim3A_489 = vector.broadcast %jit3A_488 : i32 to vector<128x1024xi32>
    %select_n3A_490 = arith.select %eq3A_487, %iota3A, %broadcast_in_dim3A_489 : vector<128x1024xi1>, vector<128x1024xi32>
    %reduce_min3A_491 = arith.constant dense<2147483647> : vector<128xi32>
    %reduce_min3A_492 = vector.multi_reduction <minsi>, %select_n3A_490, %reduce_min3A_491 [1] : vector<128x1024xi32> to vector<128xi32>
    %broadcast_in_dim3A_493 = vector.shape_cast %reduce_min3A_492 : vector<128xi32> to vector<128x1xi32>
    %sub3A_494 = arith.subi %add3A_28, %broadcast_in_dim3A_493 : vector<128x1xi32>
    %eq3A_495 = vector.broadcast %broadcast_in_dim3A_493 : vector<128x1xi32> to vector<128x1024xi32>
    %eq3A_496 = arith.cmpi eq, %iota3A, %eq3A_495 : vector<128x1024xi32>
    %jit3A_497 = arith.constant 0x7F800000 : f32
    %broadcast_in_dim3A_498 = vector.broadcast %jit3A_497 : f32 to vector<128x1024xf32>
    %select_n3A_499 = arith.select %eq3A_496, %broadcast_in_dim3A_498, %select_n3A_482 : vector<128x1024xi1>, vector<128x1024xf32>
    %reduce_min3A_500 = arith.constant dense<0x7F800000> : vector<128xf32>
    %reduce_min3A_501 = vector.multi_reduction <minimumf>, %select_n3A_499, %reduce_min3A_500 [1] : vector<128x1024xf32> to vector<128xf32>
    %broadcast_in_dim3A_502 = vector.shape_cast %reduce_min3A_501 : vector<128xf32> to vector<128x1xf32>
    %eq3A_503 = vector.broadcast %broadcast_in_dim3A_502 : vector<128x1xf32> to vector<128x1024xf32>
    %eq3A_504 = arith.cmpf oeq, %select_n3A_499, %eq3A_503 : vector<128x1024xf32>
    %jit3A_505 = arith.constant 1025 : i32
    %broadcast_in_dim3A_506 = vector.broadcast %jit3A_505 : i32 to vector<128x1024xi32>
    %select_n3A_507 = arith.select %eq3A_504, %iota3A, %broadcast_in_dim3A_506 : vector<128x1024xi1>, vector<128x1024xi32>
    %reduce_min3A_508 = arith.constant dense<2147483647> : vector<128xi32>
    %reduce_min3A_509 = vector.multi_reduction <minsi>, %select_n3A_507, %reduce_min3A_508 [1] : vector<128x1024xi32> to vector<128xi32>
    %broadcast_in_dim3A_510 = vector.shape_cast %reduce_min3A_509 : vector<128xi32> to vector<128x1xi32>
    %sub3A_511 = arith.subi %add3A_28, %broadcast_in_dim3A_510 : vector<128x1xi32>
    %eq3A_512 = vector.broadcast %broadcast_in_dim3A_510 : vector<128x1xi32> to vector<128x1024xi32>
    %eq3A_513 = arith.cmpi eq, %iota3A, %eq3A_512 : vector<128x1024xi32>
    %jit3A_514 = arith.constant 0x7F800000 : f32
    %broadcast_in_dim3A_515 = vector.broadcast %jit3A_514 : f32 to vector<128x1024xf32>
    %select_n3A_516 = arith.select %eq3A_513, %broadcast_in_dim3A_515, %select_n3A_499 : vector<128x1024xi1>, vector<128x1024xf32>
    %reduce_min3A_517 = arith.constant dense<0x7F800000> : vector<128xf32>
    %reduce_min3A_518 = vector.multi_reduction <minimumf>, %select_n3A_516, %reduce_min3A_517 [1] : vector<128x1024xf32> to vector<128xf32>
    %broadcast_in_dim3A_519 = vector.shape_cast %reduce_min3A_518 : vector<128xf32> to vector<128x1xf32>
    %eq3A_520 = vector.broadcast %broadcast_in_dim3A_519 : vector<128x1xf32> to vector<128x1024xf32>
    %eq3A_521 = arith.cmpf oeq, %select_n3A_516, %eq3A_520 : vector<128x1024xf32>
    %jit3A_522 = arith.constant 1025 : i32
    %broadcast_in_dim3A_523 = vector.broadcast %jit3A_522 : i32 to vector<128x1024xi32>
    %select_n3A_524 = arith.select %eq3A_521, %iota3A, %broadcast_in_dim3A_523 : vector<128x1024xi1>, vector<128x1024xi32>
    %reduce_min3A_525 = arith.constant dense<2147483647> : vector<128xi32>
    %reduce_min3A_526 = vector.multi_reduction <minsi>, %select_n3A_524, %reduce_min3A_525 [1] : vector<128x1024xi32> to vector<128xi32>
    %broadcast_in_dim3A_527 = vector.shape_cast %reduce_min3A_526 : vector<128xi32> to vector<128x1xi32>
    %sub3A_528 = arith.subi %add3A_28, %broadcast_in_dim3A_527 : vector<128x1xi32>
    %broadcast_in_dim3A_529 = arith.constant 0.000000e+00 : f32
    %broadcast_in_dim3A_530 = vector.broadcast %broadcast_in_dim3A_529 : f32 to vector<128x1xf32>
    %broadcast_in_dim3A_531 = arith.constant 0 : i32
    %broadcast_in_dim3A_532 = vector.broadcast %broadcast_in_dim3A_531 : i32 to vector<128x1xi32>
    %broadcast_in_dim3A_533 = arith.constant 0.000000e+00 : f32
    %broadcast_in_dim3A_534 = vector.broadcast %broadcast_in_dim3A_533 : f32 to vector<128x1xf32>
    %broadcast_in_dim3A_535 = arith.constant 0 : i32
    %broadcast_in_dim3A_536 = vector.broadcast %broadcast_in_dim3A_535 : i32 to vector<128x1xi32>
    %concatenate3A = tpu.concatenate %broadcast_in_dim3A, %broadcast_in_dim3A_43, %broadcast_in_dim3A_60, %broadcast_in_dim3A_77, %broadcast_in_dim3A_94, %broadcast_in_dim3A_111, %broadcast_in_dim3A_128, %broadcast_in_dim3A_145, %broadcast_in_dim3A_162, %broadcast_in_dim3A_179, %broadcast_in_dim3A_196, %broadcast_in_dim3A_213, %broadcast_in_dim3A_230, %broadcast_in_dim3A_247, %broadcast_in_dim3A_264, %broadcast_in_dim3A_281, %broadcast_in_dim3A_298, %broadcast_in_dim3A_315, %broadcast_in_dim3A_332, %broadcast_in_dim3A_349, %broadcast_in_dim3A_366, %broadcast_in_dim3A_383, %broadcast_in_dim3A_400, %broadcast_in_dim3A_417, %broadcast_in_dim3A_434, %broadcast_in_dim3A_451, %broadcast_in_dim3A_468, %broadcast_in_dim3A_485, %broadcast_in_dim3A_502, %broadcast_in_dim3A_519, %broadcast_in_dim3A_530, %broadcast_in_dim3A_534 in 1 : vector<128x1xf32>, vector<128x1xf32>, vector<128x1xf32>, vector<128x1xf32>, vector<128x1xf32>, vector<128x1xf32>, vector<128x1xf32>, vector<128x1xf32>, vector<128x1xf32>, vector<128x1xf32>, vector<128x1xf32>, vector<128x1xf32>, vector<128x1xf32>, vector<128x1xf32>, vector<128x1xf32>, vector<128x1xf32>, vector<128x1xf32>, vector<128x1xf32>, vector<128x1xf32>, vector<128x1xf32>, vector<128x1xf32>, vector<128x1xf32>, vector<128x1xf32>, vector<128x1xf32>, vector<128x1xf32>, vector<128x1xf32>, vector<128x1xf32>, vector<128x1xf32>, vector<128x1xf32>, vector<128x1xf32>, vector<128x1xf32>, vector<128x1xf32> -> vector<128x32xf32>
    %swap3A = arith.constant 0 : index
    %swap3A_537 = arith.constant 0 : index
    %swap3A_538 = arith.constant 0 : index
    %swap3A_539 = vector.load %arg4[%swap3A, %swap3A_537, %swap3A_538] : memref<1x128x32xf32, #tpu.memory_space<vmem>>, vector<1x128x32xf32>
    %swap3A_540 = vector.shape_cast %swap3A_539 : vector<1x128x32xf32> to vector<128x32xf32>
    %swap3A_541 = vector.shape_cast %concatenate3A : vector<128x32xf32> to vector<1x128x32xf32>
    tpu.vector_store %arg4[%swap3A, %swap3A_537, %swap3A_538], %swap3A_541 {strides = array<i32>} : memref<1x128x32xf32, #tpu.memory_space<vmem>>, vector<1x128x32xf32>,
    %concatenate3A_542 = tpu.concatenate %sub3A_35, %sub3A_52, %sub3A_69, %sub3A_86, %sub3A_103, %sub3A_120, %sub3A_137, %sub3A_154, %sub3A_171, %sub3A_188, %sub3A_205, %sub3A_222, %sub3A_239, %sub3A_256, %sub3A_273, %sub3A_290, %sub3A_307, %sub3A_324, %sub3A_341, %sub3A_358, %sub3A_375, %sub3A_392, %sub3A_409, %sub3A_426, %sub3A_443, %sub3A_460, %sub3A_477, %sub3A_494, %sub3A_511, %sub3A_528, %broadcast_in_dim3A_532, %broadcast_in_dim3A_536 in 1 : vector<128x1xi32>, vector<128x1xi32>, vector<128x1xi32>, vector<128x1xi32>, vector<128x1xi32>, vector<128x1xi32>, vector<128x1xi32>, vector<128x1xi32>, vector<128x1xi32>, vector<128x1xi32>, vector<128x1xi32>, vector<128x1xi32>, vector<128x1xi32>, vector<128x1xi32>, vector<128x1xi32>, vector<128x1xi32>, vector<128x1xi32>, vector<128x1xi32>, vector<128x1xi32>, vector<128x1xi32>, vector<128x1xi32>, vector<128x1xi32>, vector<128x1xi32>, vector<128x1xi32>, vector<128x1xi32>, vector<128x1xi32>, vector<128x1xi32>, vector<128x1xi32>, vector<128x1xi32>, vector<128x1xi32>, vector<128x1xi32>, vector<128x1xi32> -> vector<128x32xi32>
    %swap3A_543 = arith.constant 0 : index
    %swap3A_544 = arith.constant 0 : index
    %swap3A_545 = arith.constant 0 : index
    %swap3A_546 = vector.load %arg5[%swap3A_543, %swap3A_544, %swap3A_545] : memref<1x128x32xi32, #tpu.memory_space<vmem>>, vector<1x128x32xi32>
    %swap3A_547 = vector.shape_cast %swap3A_546 : vector<1x128x32xi32> to vector<128x32xi32>
    %swap3A_548 = vector.shape_cast %concatenate3A_542 : vector<128x32xi32> to vector<1x128x32xi32>
    tpu.vector_store %arg5[%swap3A_543, %swap3A_544, %swap3A_545], %swap3A_548 {strides = array<i32>} : memref<1x128x32xi32, #tpu.memory_space<vmem>>, vector<1x128x32xi32>,
    %concatenate3A_549 = tpu.concatenate %broadcast_in_dim3A_34, %broadcast_in_dim3A_51, %broadcast_in_dim3A_68, %broadcast_in_dim3A_85, %broadcast_in_dim3A_102, %broadcast_in_dim3A_119, %broadcast_in_dim3A_136, %broadcast_in_dim3A_153, %broadcast_in_dim3A_170, %broadcast_in_dim3A_187, %broadcast_in_dim3A_204, %broadcast_in_dim3A_221, %broadcast_in_dim3A_238, %broadcast_in_dim3A_255, %broadcast_in_dim3A_272, %broadcast_in_dim3A_289, %broadcast_in_dim3A_306, %broadcast_in_dim3A_323, %broadcast_in_dim3A_340, %broadcast_in_dim3A_357, %broadcast_in_dim3A_374, %broadcast_in_dim3A_391, %broadcast_in_dim3A_408, %broadcast_in_dim3A_425, %broadcast_in_dim3A_442, %broadcast_in_dim3A_459, %broadcast_in_dim3A_476, %broadcast_in_dim3A_493, %broadcast_in_dim3A_510, %broadcast_in_dim3A_527, %add3A_28, %add3A_28 in 1 : vector<128x1xi32>, vector<128x1xi32>, vector<128x1xi32>, vector<128x1xi32>, vector<128x1xi32>, vector<128x1xi32>, vector<128x1xi32>, vector<128x1xi32>, vector<128x1xi32>, vector<128x1xi32>, vector<128x1xi32>, vector<128x1xi32>, vector<128x1xi32>, vector<128x1xi32>, vector<128x1xi32>, vector<128x1xi32>, vector<128x1xi32>, vector<128x1xi32>, vector<128x1xi32>, vector<128x1xi32>, vector<128x1xi32>, vector<128x1xi32>, vector<128x1xi32>, vector<128x1xi32>, vector<128x1xi32>, vector<128x1xi32>, vector<128x1xi32>, vector<128x1xi32>, vector<128x1xi32>, vector<128x1xi32>, vector<128x1xi32>, vector<128x1xi32> -> vector<128x32xi32>
    %mul3A_550 = arith.constant 1024 : i32
    %mul3A_551 = arith.muli %arg0, %mul3A_550 : i32
    %add3A_552 = vector.broadcast %mul3A_551 : i32 to vector<128x32xi32>
    %add3A_553 = arith.addi %concatenate3A_549, %add3A_552 : vector<128x32xi32>
    %swap3A_554 = arith.constant 0 : index
    %swap3A_555 = arith.constant 0 : index
    %swap3A_556 = arith.constant 0 : index
    %swap3A_557 = vector.load %arg6[%swap3A_554, %swap3A_555, %swap3A_556] : memref<1x128x32xi32, #tpu.memory_space<vmem>>, vector<1x128x32xi32>
    %swap3A_558 = vector.shape_cast %swap3A_557 : vector<1x128x32xi32> to vector<128x32xi32>
    %swap3A_559 = vector.shape_cast %add3A_553 : vector<128x32xi32> to vector<1x128x32xi32>
    tpu.vector_store %arg6[%swap3A_554, %swap3A_555, %swap3A_556], %swap3A_559 {strides = array<i32>} : memref<1x128x32xi32, #tpu.memory_space<vmem>>, vector<1x128x32xi32>,
    return
  }
  func.func @transform_0(%arg0: i32, %arg1: i32) -> (i32, i32, i32) {
    %c0_i32 = arith.constant 0 : i32
    %c0_i32_0 = arith.constant 0 : i32
    return %arg0, %arg1, %c0_i32 : i32, i32, i32
  }
  func.func @transform_1(%arg0: i32, %arg1: i32) -> (i32, i32, i32) {
    %c0_i32 = arith.constant 0 : i32
    %c0_i32_0 = arith.constant 0 : i32
    %c0_i32_1 = arith.constant 0 : i32
    return %arg0, %c0_i32, %c0_i32_0 : i32, i32, i32
  }
  func.func @transform_2(%arg0: i32, %arg1: i32) -> (i32, i32, i32) {
    %c0_i32 = arith.constant 0 : i32
    %c0_i32_0 = arith.constant 0 : i32
    return %arg0, %arg1, %c0_i32 : i32, i32, i32
  }
  func.func @transform_3(%arg0: i32, %arg1: i32) -> (i32, i32, i32) {
    %c0_i32 = arith.constant 0 : i32
    %c0_i32_0 = arith.constant 0 : i32
    return %arg0, %arg1, %c0_i32 : i32, i32, i32
  }
  func.func @transform_4(%arg0: i32, %arg1: i32) -> (i32, i32, i32) {
    %c0_i32 = arith.constant 0 : i32
    %c0_i32_0 = arith.constant 0 : i32
    return %arg0, %arg1, %c0_i32 : i32, i32, i32
  }
}

module attributes {stable_mosaic.version = 14 : i64} {
  func.func @_node_body(%arg0: i32, %arg1: memref<1x1024x3xf32, #tpu.memory_space<vmem>>, %arg2: memref<1x1024x3xf32, #tpu.memory_space<vmem>>, %arg3: memref<1x1024x3xf32, #tpu.memory_space<vmem>>, %arg4: memref<8x128xf32, #tpu.memory_space<vmem>>, %arg5: memref<1x128xf32, #tpu.memory_space<vmem>>, %arg6: memref<1x128xf32, #tpu.memory_space<vmem>>, %arg7: memref<1x128xf32, #tpu.memory_space<vmem>>, %arg8: memref<128x128xf32, #tpu.memory_space<vmem>>, %arg9: memref<1x128xf32, #tpu.memory_space<vmem>>, %arg10: memref<1x1024x128xf32, #tpu.memory_space<vmem>>) attributes {dimension_semantics = [#tpu.dimension_semantics<arbitrary>], iteration_bounds = array<i64: 4>, scalar_prefetch = 0 : i64, scratch_operands = 0 : i64, tpu.core_type = #tpu.core_type<tc>, window_params = [{transform_indices = @transform_0, window_bounds = array<i64: 1, 1024, 3>}, {transform_indices = @transform_1, window_bounds = array<i64: 1, 1024, 3>}, {transform_indices = @transform_2, window_bounds = array<i64: 1, 1024, 3>}, {pipeline_mode = #tpu.pipeline_mode<synchronous>, transform_indices = @transform_3, window_bounds = array<i64: 8, 128>}, {pipeline_mode = #tpu.pipeline_mode<synchronous>, transform_indices = @transform_4, window_bounds = array<i64: 1, 128>}, {pipeline_mode = #tpu.pipeline_mode<synchronous>, transform_indices = @transform_5, window_bounds = array<i64: 1, 128>}, {pipeline_mode = #tpu.pipeline_mode<synchronous>, transform_indices = @transform_6, window_bounds = array<i64: 1, 128>}, {pipeline_mode = #tpu.pipeline_mode<synchronous>, transform_indices = @transform_7, window_bounds = array<i64: 128, 128>}, {pipeline_mode = #tpu.pipeline_mode<synchronous>, transform_indices = @transform_8, window_bounds = array<i64: 1, 128>}, {transform_indices = @transform_9, window_bounds = array<i64: 1, 1024, 128>}]} {
    %get3A = arith.constant 0 : index
    %get3A_0 = arith.constant 0 : index
    %get3A_1 = arith.constant 0 : index
    %get3A_2 = vector.load %arg1[%get3A, %get3A_0, %get3A_1] : memref<1x1024x3xf32, #tpu.memory_space<vmem>>, vector<1x1024x3xf32>
    %get3A_3 = vector.shape_cast %get3A_2 : vector<1x1024x3xf32> to vector<1024x3xf32>
    %get3A_4 = arith.constant 0 : index
    %get3A_5 = arith.constant 0 : index
    %get3A_6 = arith.constant 0 : index
    %get3A_7 = vector.load %arg2[%get3A_4, %get3A_5, %get3A_6] : memref<1x1024x3xf32, #tpu.memory_space<vmem>>, vector<1x1024x3xf32>
    %get3A_8 = vector.shape_cast %get3A_7 : vector<1x1024x3xf32> to vector<1024x3xf32>
    %get3A_9 = arith.constant 0 : index
    %get3A_10 = arith.constant 0 : index
    %get3A_11 = arith.constant 0 : index
    %get3A_12 = vector.load %arg3[%get3A_9, %get3A_10, %get3A_11] : memref<1x1024x3xf32, #tpu.memory_space<vmem>>, vector<1x1024x3xf32>
    %get3A_13 = vector.shape_cast %get3A_12 : vector<1x1024x3xf32> to vector<1024x3xf32>
    %sub3A = arith.subf %get3A_8, %get3A_3 : vector<1024x3xf32>
    %mul3A = arith.mulf %sub3A, %sub3A : vector<1024x3xf32>
    %reduce_sum3A = arith.constant dense<0.000000e+00> : vector<1024xf32>
    %reduce_sum3A_14 = vector.multi_reduction <add>, %mul3A, %reduce_sum3A [1] : vector<1024x3xf32> to vector<1024xf32>
    %broadcast_in_dim3A = vector.shape_cast %reduce_sum3A_14 : vector<1024xf32> to vector<1024x1xf32>
    %sqrt3A = math.sqrt %broadcast_in_dim3A : vector<1024x1xf32>
    %add3A = arith.constant 9.99999993E-9 : f32
    %add3A_15 = vector.broadcast %add3A : f32 to vector<1024x1xf32>
    %add3A_16 = arith.addf %sqrt3A, %add3A_15 : vector<1024x1xf32>
    %div3A = vector.broadcast %add3A_16 : vector<1024x1xf32> to vector<1024x3xf32>
    %div3A_17 = arith.divf %sub3A, %div3A : vector<1024x3xf32>
    %sub3A_18 = arith.subf %get3A_13, %get3A_8 : vector<1024x3xf32>
    %mul3A_19 = arith.mulf %sub3A_18, %sub3A_18 : vector<1024x3xf32>
    %reduce_sum3A_20 = arith.constant dense<0.000000e+00> : vector<1024xf32>
    %reduce_sum3A_21 = vector.multi_reduction <add>, %mul3A_19, %reduce_sum3A_20 [1] : vector<1024x3xf32> to vector<1024xf32>
    %broadcast_in_dim3A_22 = vector.shape_cast %reduce_sum3A_21 : vector<1024xf32> to vector<1024x1xf32>
    %sqrt3A_23 = math.sqrt %broadcast_in_dim3A_22 : vector<1024x1xf32>
    %add3A_24 = arith.constant 9.99999993E-9 : f32
    %add3A_25 = vector.broadcast %add3A_24 : f32 to vector<1024x1xf32>
    %add3A_26 = arith.addf %sqrt3A_23, %add3A_25 : vector<1024x1xf32>
    %div3A_27 = vector.broadcast %add3A_26 : vector<1024x1xf32> to vector<1024x3xf32>
    %div3A_28 = arith.divf %sub3A_18, %div3A_27 : vector<1024x3xf32>
    %slice3A = vector.extract_strided_slice %get3A_3 {offsets = [1, 0], sizes = [1023, 3], strides = [1, 1]} : vector<1024x3xf32> to vector<1023x3xf32>
    %slice3A_29 = vector.extract_strided_slice %get3A_3 {offsets = [1023, 0], sizes = [1, 3], strides = [1, 1]} : vector<1024x3xf32> to vector<1x3xf32>
    %concatenate3A = tpu.concatenate %slice3A, %slice3A_29 in 0 : vector<1023x3xf32>, vector<1x3xf32> -> vector<1024x3xf32>
    %sub3A_30 = arith.subf %concatenate3A, %get3A_13 : vector<1024x3xf32>
    %mul3A_31 = arith.mulf %sub3A_30, %sub3A_30 : vector<1024x3xf32>
    %reduce_sum3A_32 = arith.constant dense<0.000000e+00> : vector<1024xf32>
    %reduce_sum3A_33 = vector.multi_reduction <add>, %mul3A_31, %reduce_sum3A_32 [1] : vector<1024x3xf32> to vector<1024xf32>
    %broadcast_in_dim3A_34 = vector.shape_cast %reduce_sum3A_33 : vector<1024xf32> to vector<1024x1xf32>
    %sqrt3A_35 = math.sqrt %broadcast_in_dim3A_34 : vector<1024x1xf32>
    %add3A_36 = arith.constant 9.99999993E-9 : f32
    %add3A_37 = vector.broadcast %add3A_36 : f32 to vector<1024x1xf32>
    %add3A_38 = arith.addf %sqrt3A_35, %add3A_37 : vector<1024x1xf32>
    %div3A_39 = vector.broadcast %add3A_38 : vector<1024x1xf32> to vector<1024x3xf32>
    %div3A_40 = arith.divf %sub3A_30, %div3A_39 : vector<1024x3xf32>
    %slice3A_41 = vector.extract_strided_slice %div3A_40 {offsets = [0, 0], sizes = [1, 3], strides = [1, 1]} : vector<1024x3xf32> to vector<1x3xf32>
    %slice3A_42 = vector.extract_strided_slice %div3A_40 {offsets = [0, 0], sizes = [1023, 3], strides = [1, 1]} : vector<1024x3xf32> to vector<1023x3xf32>
    %concatenate3A_43 = tpu.concatenate %slice3A_41, %slice3A_42 in 0 : vector<1x3xf32>, vector<1023x3xf32> -> vector<1024x3xf32>
    %slice3A_44 = vector.extract_strided_slice %div3A_17 {offsets = [1, 0], sizes = [1023, 3], strides = [1, 1]} : vector<1024x3xf32> to vector<1023x3xf32>
    %slice3A_45 = vector.extract_strided_slice %div3A_17 {offsets = [1023, 0], sizes = [1, 3], strides = [1, 1]} : vector<1024x3xf32> to vector<1x3xf32>
    %concatenate3A_46 = tpu.concatenate %slice3A_44, %slice3A_45 in 0 : vector<1023x3xf32>, vector<1x3xf32> -> vector<1024x3xf32>
    %slice3A_47 = vector.extract_strided_slice %concatenate3A_43 {offsets = [0, 1], sizes = [1024, 1], strides = [1, 1]} : vector<1024x3xf32> to vector<1024x1xf32>
    %slice3A_48 = vector.extract_strided_slice %div3A_17 {offsets = [0, 2], sizes = [1024, 1], strides = [1, 1]} : vector<1024x3xf32> to vector<1024x1xf32>
    %mul3A_49 = arith.mulf %slice3A_47, %slice3A_48 : vector<1024x1xf32>
    %slice3A_50 = vector.extract_strided_slice %concatenate3A_43 {offsets = [0, 2], sizes = [1024, 1], strides = [1, 1]} : vector<1024x3xf32> to vector<1024x1xf32>
    %slice3A_51 = vector.extract_strided_slice %div3A_17 {offsets = [0, 1], sizes = [1024, 1], strides = [1, 1]} : vector<1024x3xf32> to vector<1024x1xf32>
    %mul3A_52 = arith.mulf %slice3A_50, %slice3A_51 : vector<1024x1xf32>
    %sub3A_53 = arith.subf %mul3A_49, %mul3A_52 : vector<1024x1xf32>
    %slice3A_54 = vector.extract_strided_slice %concatenate3A_43 {offsets = [0, 2], sizes = [1024, 1], strides = [1, 1]} : vector<1024x3xf32> to vector<1024x1xf32>
    %slice3A_55 = vector.extract_strided_slice %div3A_17 {offsets = [0, 0], sizes = [1024, 1], strides = [1, 1]} : vector<1024x3xf32> to vector<1024x1xf32>
    %mul3A_56 = arith.mulf %slice3A_54, %slice3A_55 : vector<1024x1xf32>
    %slice3A_57 = vector.extract_strided_slice %concatenate3A_43 {offsets = [0, 0], sizes = [1024, 1], strides = [1, 1]} : vector<1024x3xf32> to vector<1024x1xf32>
    %slice3A_58 = vector.extract_strided_slice %div3A_17 {offsets = [0, 2], sizes = [1024, 1], strides = [1, 1]} : vector<1024x3xf32> to vector<1024x1xf32>
    %mul3A_59 = arith.mulf %slice3A_57, %slice3A_58 : vector<1024x1xf32>
    %sub3A_60 = arith.subf %mul3A_56, %mul3A_59 : vector<1024x1xf32>
    %slice3A_61 = vector.extract_strided_slice %concatenate3A_43 {offsets = [0, 0], sizes = [1024, 1], strides = [1, 1]} : vector<1024x3xf32> to vector<1024x1xf32>
    %slice3A_62 = vector.extract_strided_slice %div3A_17 {offsets = [0, 1], sizes = [1024, 1], strides = [1, 1]} : vector<1024x3xf32> to vector<1024x1xf32>
    %mul3A_63 = arith.mulf %slice3A_61, %slice3A_62 : vector<1024x1xf32>
    %slice3A_64 = vector.extract_strided_slice %concatenate3A_43 {offsets = [0, 1], sizes = [1024, 1], strides = [1, 1]} : vector<1024x3xf32> to vector<1024x1xf32>
    %slice3A_65 = vector.extract_strided_slice %div3A_17 {offsets = [0, 0], sizes = [1024, 1], strides = [1, 1]} : vector<1024x3xf32> to vector<1024x1xf32>
    %mul3A_66 = arith.mulf %slice3A_64, %slice3A_65 : vector<1024x1xf32>
    %sub3A_67 = arith.subf %mul3A_63, %mul3A_66 : vector<1024x1xf32>
    %concatenate3A_68 = tpu.concatenate %sub3A_53, %sub3A_60, %sub3A_67 in 1 : vector<1024x1xf32>, vector<1024x1xf32>, vector<1024x1xf32> -> vector<1024x3xf32>
    %mul3A_69 = arith.mulf %concatenate3A_68, %concatenate3A_68 : vector<1024x3xf32>
    %reduce_sum3A_70 = arith.constant dense<0.000000e+00> : vector<1024xf32>
    %reduce_sum3A_71 = vector.multi_reduction <add>, %mul3A_69, %reduce_sum3A_70 [1] : vector<1024x3xf32> to vector<1024xf32>
    %broadcast_in_dim3A_72 = vector.shape_cast %reduce_sum3A_71 : vector<1024xf32> to vector<1024x1xf32>
    %sqrt3A_73 = math.sqrt %broadcast_in_dim3A_72 : vector<1024x1xf32>
    %add3A_74 = arith.constant 9.99999993E-9 : f32
    %add3A_75 = vector.broadcast %add3A_74 : f32 to vector<1024x1xf32>
    %add3A_76 = arith.addf %sqrt3A_73, %add3A_75 : vector<1024x1xf32>
    %div3A_77 = vector.broadcast %add3A_76 : vector<1024x1xf32> to vector<1024x3xf32>
    %div3A_78 = arith.divf %concatenate3A_68, %div3A_77 : vector<1024x3xf32>
    %slice3A_79 = vector.extract_strided_slice %div3A_17 {offsets = [0, 1], sizes = [1024, 1], strides = [1, 1]} : vector<1024x3xf32> to vector<1024x1xf32>
    %slice3A_80 = vector.extract_strided_slice %div3A_28 {offsets = [0, 2], sizes = [1024, 1], strides = [1, 1]} : vector<1024x3xf32> to vector<1024x1xf32>
    %mul3A_81 = arith.mulf %slice3A_79, %slice3A_80 : vector<1024x1xf32>
    %slice3A_82 = vector.extract_strided_slice %div3A_17 {offsets = [0, 2], sizes = [1024, 1], strides = [1, 1]} : vector<1024x3xf32> to vector<1024x1xf32>
    %slice3A_83 = vector.extract_strided_slice %div3A_28 {offsets = [0, 1], sizes = [1024, 1], strides = [1, 1]} : vector<1024x3xf32> to vector<1024x1xf32>
    %mul3A_84 = arith.mulf %slice3A_82, %slice3A_83 : vector<1024x1xf32>
    %sub3A_85 = arith.subf %mul3A_81, %mul3A_84 : vector<1024x1xf32>
    %slice3A_86 = vector.extract_strided_slice %div3A_17 {offsets = [0, 2], sizes = [1024, 1], strides = [1, 1]} : vector<1024x3xf32> to vector<1024x1xf32>
    %slice3A_87 = vector.extract_strided_slice %div3A_28 {offsets = [0, 0], sizes = [1024, 1], strides = [1, 1]} : vector<1024x3xf32> to vector<1024x1xf32>
    %mul3A_88 = arith.mulf %slice3A_86, %slice3A_87 : vector<1024x1xf32>
    %slice3A_89 = vector.extract_strided_slice %div3A_17 {offsets = [0, 0], sizes = [1024, 1], strides = [1, 1]} : vector<1024x3xf32> to vector<1024x1xf32>
    %slice3A_90 = vector.extract_strided_slice %div3A_28 {offsets = [0, 2], sizes = [1024, 1], strides = [1, 1]} : vector<1024x3xf32> to vector<1024x1xf32>
    %mul3A_91 = arith.mulf %slice3A_89, %slice3A_90 : vector<1024x1xf32>
    %sub3A_92 = arith.subf %mul3A_88, %mul3A_91 : vector<1024x1xf32>
    %slice3A_93 = vector.extract_strided_slice %div3A_17 {offsets = [0, 0], sizes = [1024, 1], strides = [1, 1]} : vector<1024x3xf32> to vector<1024x1xf32>
    %slice3A_94 = vector.extract_strided_slice %div3A_28 {offsets = [0, 1], sizes = [1024, 1], strides = [1, 1]} : vector<1024x3xf32> to vector<1024x1xf32>
    %mul3A_95 = arith.mulf %slice3A_93, %slice3A_94 : vector<1024x1xf32>
    %slice3A_96 = vector.extract_strided_slice %div3A_17 {offsets = [0, 1], sizes = [1024, 1], strides = [1, 1]} : vector<1024x3xf32> to vector<1024x1xf32>
    %slice3A_97 = vector.extract_strided_slice %div3A_28 {offsets = [0, 0], sizes = [1024, 1], strides = [1, 1]} : vector<1024x3xf32> to vector<1024x1xf32>
    %mul3A_98 = arith.mulf %slice3A_96, %slice3A_97 : vector<1024x1xf32>
    %sub3A_99 = arith.subf %mul3A_95, %mul3A_98 : vector<1024x1xf32>
    %concatenate3A_100 = tpu.concatenate %sub3A_85, %sub3A_92, %sub3A_99 in 1 : vector<1024x1xf32>, vector<1024x1xf32>, vector<1024x1xf32> -> vector<1024x3xf32>
    %mul3A_101 = arith.mulf %concatenate3A_100, %concatenate3A_100 : vector<1024x3xf32>
    %reduce_sum3A_102 = arith.constant dense<0.000000e+00> : vector<1024xf32>
    %reduce_sum3A_103 = vector.multi_reduction <add>, %mul3A_101, %reduce_sum3A_102 [1] : vector<1024x3xf32> to vector<1024xf32>
    %broadcast_in_dim3A_104 = vector.shape_cast %reduce_sum3A_103 : vector<1024xf32> to vector<1024x1xf32>
    %sqrt3A_105 = math.sqrt %broadcast_in_dim3A_104 : vector<1024x1xf32>
    %add3A_106 = arith.constant 9.99999993E-9 : f32
    %add3A_107 = vector.broadcast %add3A_106 : f32 to vector<1024x1xf32>
    %add3A_108 = arith.addf %sqrt3A_105, %add3A_107 : vector<1024x1xf32>
    %div3A_109 = vector.broadcast %add3A_108 : vector<1024x1xf32> to vector<1024x3xf32>
    %div3A_110 = arith.divf %concatenate3A_100, %div3A_109 : vector<1024x3xf32>
    %mul3A_111 = arith.mulf %div3A_78, %div3A_110 : vector<1024x3xf32>
    %reduce_sum3A_112 = arith.constant dense<0.000000e+00> : vector<1024xf32>
    %reduce_sum3A_113 = vector.multi_reduction <add>, %mul3A_111, %reduce_sum3A_112 [1] : vector<1024x3xf32> to vector<1024xf32>
    %broadcast_in_dim3A_114 = vector.shape_cast %reduce_sum3A_113 : vector<1024xf32> to vector<1024x1xf32>
    %jit3A = arith.constant -0.99999988 : f32
    %jit3A_115 = arith.constant 0.99999988 : f32
    %max3A = vector.broadcast %jit3A : f32 to vector<1024x1xf32>
    %max3A_116 = arith.maximumf %max3A, %broadcast_in_dim3A_114 : vector<1024x1xf32>
    %min3A = vector.broadcast %jit3A_115 : f32 to vector<1024x1xf32>
    %min3A_117 = arith.minimumf %min3A, %max3A_116 : vector<1024x1xf32>
    %mul3A_118 = arith.mulf %concatenate3A_43, %div3A_110 : vector<1024x3xf32>
    %reduce_sum3A_119 = arith.constant dense<0.000000e+00> : vector<1024xf32>
    %reduce_sum3A_120 = vector.multi_reduction <add>, %mul3A_118, %reduce_sum3A_119 [1] : vector<1024x3xf32> to vector<1024xf32>
    %broadcast_in_dim3A_121 = vector.shape_cast %reduce_sum3A_120 : vector<1024xf32> to vector<1024x1xf32>
    %sign3A = tpu.bitcast %broadcast_in_dim3A_121 : vector<1024x1xf32> -> vector<1024x1xi32>
    %sign3A_122 = arith.constant -2147483648 : i32
    %sign3A_123 = vector.broadcast %sign3A_122 : i32 to vector<1024x1xi32>
    %sign3A_124 = arith.andi %sign3A, %sign3A_123 : vector<1024x1xi32>
    %sign3A_125 = arith.constant 1065353216 : i32
    %sign3A_126 = vector.broadcast %sign3A_125 : i32 to vector<1024x1xi32>
    %sign3A_127 = arith.ori %sign3A_126, %sign3A_124 : vector<1024x1xi32>
    %sign3A_128 = tpu.bitcast %sign3A_127 : vector<1024x1xi32> -> vector<1024x1xf32>
    %sign3A_129 = math.absf %broadcast_in_dim3A_121 : vector<1024x1xf32>
    %sign3A_130 = arith.constant 0.000000e+00 : f32
    %sign3A_131 = vector.broadcast %sign3A_130 : f32 to vector<1024x1xf32>
    %sign3A_132 = arith.cmpf ogt, %sign3A_129, %sign3A_131 : vector<1024x1xf32>
    %sign3A_133 = arith.select %sign3A_132, %sign3A_128, %broadcast_in_dim3A_121 : vector<1024x1xi1>, vector<1024x1xf32>
    %mul3A_134 = arith.mulf %min3A_117, %min3A_117 : vector<1024x1xf32>
    %sub3A_135 = arith.constant 1.000000e+00 : f32
    %sub3A_136 = vector.broadcast %sub3A_135 : f32 to vector<1024x1xf32>
    %sub3A_137 = arith.subf %sub3A_136, %mul3A_134 : vector<1024x1xf32>
    %sqrt3A_138 = math.sqrt %sub3A_137 : vector<1024x1xf32>
    %mul3A_139 = arith.mulf %sign3A_133, %sqrt3A_138 : vector<1024x1xf32>
    %slice3A_140 = vector.extract_strided_slice %div3A_17 {offsets = [0, 1], sizes = [1024, 1], strides = [1, 1]} : vector<1024x3xf32> to vector<1024x1xf32>
    %slice3A_141 = vector.extract_strided_slice %div3A_28 {offsets = [0, 2], sizes = [1024, 1], strides = [1, 1]} : vector<1024x3xf32> to vector<1024x1xf32>
    %mul3A_142 = arith.mulf %slice3A_140, %slice3A_141 : vector<1024x1xf32>
    %slice3A_143 = vector.extract_strided_slice %div3A_17 {offsets = [0, 2], sizes = [1024, 1], strides = [1, 1]} : vector<1024x3xf32> to vector<1024x1xf32>
    %slice3A_144 = vector.extract_strided_slice %div3A_28 {offsets = [0, 1], sizes = [1024, 1], strides = [1, 1]} : vector<1024x3xf32> to vector<1024x1xf32>
    %mul3A_145 = arith.mulf %slice3A_143, %slice3A_144 : vector<1024x1xf32>
    %sub3A_146 = arith.subf %mul3A_142, %mul3A_145 : vector<1024x1xf32>
    %slice3A_147 = vector.extract_strided_slice %div3A_17 {offsets = [0, 2], sizes = [1024, 1], strides = [1, 1]} : vector<1024x3xf32> to vector<1024x1xf32>
    %slice3A_148 = vector.extract_strided_slice %div3A_28 {offsets = [0, 0], sizes = [1024, 1], strides = [1, 1]} : vector<1024x3xf32> to vector<1024x1xf32>
    %mul3A_149 = arith.mulf %slice3A_147, %slice3A_148 : vector<1024x1xf32>
    %slice3A_150 = vector.extract_strided_slice %div3A_17 {offsets = [0, 0], sizes = [1024, 1], strides = [1, 1]} : vector<1024x3xf32> to vector<1024x1xf32>
    %slice3A_151 = vector.extract_strided_slice %div3A_28 {offsets = [0, 2], sizes = [1024, 1], strides = [1, 1]} : vector<1024x3xf32> to vector<1024x1xf32>
    %mul3A_152 = arith.mulf %slice3A_150, %slice3A_151 : vector<1024x1xf32>
    %sub3A_153 = arith.subf %mul3A_149, %mul3A_152 : vector<1024x1xf32>
    %slice3A_154 = vector.extract_strided_slice %div3A_17 {offsets = [0, 0], sizes = [1024, 1], strides = [1, 1]} : vector<1024x3xf32> to vector<1024x1xf32>
    %slice3A_155 = vector.extract_strided_slice %div3A_28 {offsets = [0, 1], sizes = [1024, 1], strides = [1, 1]} : vector<1024x3xf32> to vector<1024x1xf32>
    %mul3A_156 = arith.mulf %slice3A_154, %slice3A_155 : vector<1024x1xf32>
    %slice3A_157 = vector.extract_strided_slice %div3A_17 {offsets = [0, 1], sizes = [1024, 1], strides = [1, 1]} : vector<1024x3xf32> to vector<1024x1xf32>
    %slice3A_158 = vector.extract_strided_slice %div3A_28 {offsets = [0, 0], sizes = [1024, 1], strides = [1, 1]} : vector<1024x3xf32> to vector<1024x1xf32>
    %mul3A_159 = arith.mulf %slice3A_157, %slice3A_158 : vector<1024x1xf32>
    %sub3A_160 = arith.subf %mul3A_156, %mul3A_159 : vector<1024x1xf32>
    %concatenate3A_161 = tpu.concatenate %sub3A_146, %sub3A_153, %sub3A_160 in 1 : vector<1024x1xf32>, vector<1024x1xf32>, vector<1024x1xf32> -> vector<1024x3xf32>
    %mul3A_162 = arith.mulf %concatenate3A_161, %concatenate3A_161 : vector<1024x3xf32>
    %reduce_sum3A_163 = arith.constant dense<0.000000e+00> : vector<1024xf32>
    %reduce_sum3A_164 = vector.multi_reduction <add>, %mul3A_162, %reduce_sum3A_163 [1] : vector<1024x3xf32> to vector<1024xf32>
    %broadcast_in_dim3A_165 = vector.shape_cast %reduce_sum3A_164 : vector<1024xf32> to vector<1024x1xf32>
    %sqrt3A_166 = math.sqrt %broadcast_in_dim3A_165 : vector<1024x1xf32>
    %add3A_167 = arith.constant 9.99999993E-9 : f32
    %add3A_168 = vector.broadcast %add3A_167 : f32 to vector<1024x1xf32>
    %add3A_169 = arith.addf %sqrt3A_166, %add3A_168 : vector<1024x1xf32>
    %div3A_170 = vector.broadcast %add3A_169 : vector<1024x1xf32> to vector<1024x3xf32>
    %div3A_171 = arith.divf %concatenate3A_161, %div3A_170 : vector<1024x3xf32>
    %slice3A_172 = vector.extract_strided_slice %div3A_28 {offsets = [0, 1], sizes = [1024, 1], strides = [1, 1]} : vector<1024x3xf32> to vector<1024x1xf32>
    %slice3A_173 = vector.extract_strided_slice %div3A_40 {offsets = [0, 2], sizes = [1024, 1], strides = [1, 1]} : vector<1024x3xf32> to vector<1024x1xf32>
    %mul3A_174 = arith.mulf %slice3A_172, %slice3A_173 : vector<1024x1xf32>
    %slice3A_175 = vector.extract_strided_slice %div3A_28 {offsets = [0, 2], sizes = [1024, 1], strides = [1, 1]} : vector<1024x3xf32> to vector<1024x1xf32>
    %slice3A_176 = vector.extract_strided_slice %div3A_40 {offsets = [0, 1], sizes = [1024, 1], strides = [1, 1]} : vector<1024x3xf32> to vector<1024x1xf32>
    %mul3A_177 = arith.mulf %slice3A_175, %slice3A_176 : vector<1024x1xf32>
    %sub3A_178 = arith.subf %mul3A_174, %mul3A_177 : vector<1024x1xf32>
    %slice3A_179 = vector.extract_strided_slice %div3A_28 {offsets = [0, 2], sizes = [1024, 1], strides = [1, 1]} : vector<1024x3xf32> to vector<1024x1xf32>
    %slice3A_180 = vector.extract_strided_slice %div3A_40 {offsets = [0, 0], sizes = [1024, 1], strides = [1, 1]} : vector<1024x3xf32> to vector<1024x1xf32>
    %mul3A_181 = arith.mulf %slice3A_179, %slice3A_180 : vector<1024x1xf32>
    %slice3A_182 = vector.extract_strided_slice %div3A_28 {offsets = [0, 0], sizes = [1024, 1], strides = [1, 1]} : vector<1024x3xf32> to vector<1024x1xf32>
    %slice3A_183 = vector.extract_strided_slice %div3A_40 {offsets = [0, 2], sizes = [1024, 1], strides = [1, 1]} : vector<1024x3xf32> to vector<1024x1xf32>
    %mul3A_184 = arith.mulf %slice3A_182, %slice3A_183 : vector<1024x1xf32>
    %sub3A_185 = arith.subf %mul3A_181, %mul3A_184 : vector<1024x1xf32>
    %slice3A_186 = vector.extract_strided_slice %div3A_28 {offsets = [0, 0], sizes = [1024, 1], strides = [1, 1]} : vector<1024x3xf32> to vector<1024x1xf32>
    %slice3A_187 = vector.extract_strided_slice %div3A_40 {offsets = [0, 1], sizes = [1024, 1], strides = [1, 1]} : vector<1024x3xf32> to vector<1024x1xf32>
    %mul3A_188 = arith.mulf %slice3A_186, %slice3A_187 : vector<1024x1xf32>
    %slice3A_189 = vector.extract_strided_slice %div3A_28 {offsets = [0, 1], sizes = [1024, 1], strides = [1, 1]} : vector<1024x3xf32> to vector<1024x1xf32>
    %slice3A_190 = vector.extract_strided_slice %div3A_40 {offsets = [0, 0], sizes = [1024, 1], strides = [1, 1]} : vector<1024x3xf32> to vector<1024x1xf32>
    %mul3A_191 = arith.mulf %slice3A_189, %slice3A_190 : vector<1024x1xf32>
    %sub3A_192 = arith.subf %mul3A_188, %mul3A_191 : vector<1024x1xf32>
    %concatenate3A_193 = tpu.concatenate %sub3A_178, %sub3A_185, %sub3A_192 in 1 : vector<1024x1xf32>, vector<1024x1xf32>, vector<1024x1xf32> -> vector<1024x3xf32>
    %mul3A_194 = arith.mulf %concatenate3A_193, %concatenate3A_193 : vector<1024x3xf32>
    %reduce_sum3A_195 = arith.constant dense<0.000000e+00> : vector<1024xf32>
    %reduce_sum3A_196 = vector.multi_reduction <add>, %mul3A_194, %reduce_sum3A_195 [1] : vector<1024x3xf32> to vector<1024xf32>
    %broadcast_in_dim3A_197 = vector.shape_cast %reduce_sum3A_196 : vector<1024xf32> to vector<1024x1xf32>
    %sqrt3A_198 = math.sqrt %broadcast_in_dim3A_197 : vector<1024x1xf32>
    %add3A_199 = arith.constant 9.99999993E-9 : f32
    %add3A_200 = vector.broadcast %add3A_199 : f32 to vector<1024x1xf32>
    %add3A_201 = arith.addf %sqrt3A_198, %add3A_200 : vector<1024x1xf32>
    %div3A_202 = vector.broadcast %add3A_201 : vector<1024x1xf32> to vector<1024x3xf32>
    %div3A_203 = arith.divf %concatenate3A_193, %div3A_202 : vector<1024x3xf32>
    %mul3A_204 = arith.mulf %div3A_171, %div3A_203 : vector<1024x3xf32>
    %reduce_sum3A_205 = arith.constant dense<0.000000e+00> : vector<1024xf32>
    %reduce_sum3A_206 = vector.multi_reduction <add>, %mul3A_204, %reduce_sum3A_205 [1] : vector<1024x3xf32> to vector<1024xf32>
    %broadcast_in_dim3A_207 = vector.shape_cast %reduce_sum3A_206 : vector<1024xf32> to vector<1024x1xf32>
    %jit3A_208 = arith.constant -0.99999988 : f32
    %jit3A_209 = arith.constant 0.99999988 : f32
    %max3A_210 = vector.broadcast %jit3A_208 : f32 to vector<1024x1xf32>
    %max3A_211 = arith.maximumf %max3A_210, %broadcast_in_dim3A_207 : vector<1024x1xf32>
    %min3A_212 = vector.broadcast %jit3A_209 : f32 to vector<1024x1xf32>
    %min3A_213 = arith.minimumf %min3A_212, %max3A_211 : vector<1024x1xf32>
    %mul3A_214 = arith.mulf %div3A_17, %div3A_203 : vector<1024x3xf32>
    %reduce_sum3A_215 = arith.constant dense<0.000000e+00> : vector<1024xf32>
    %reduce_sum3A_216 = vector.multi_reduction <add>, %mul3A_214, %reduce_sum3A_215 [1] : vector<1024x3xf32> to vector<1024xf32>
    %broadcast_in_dim3A_217 = vector.shape_cast %reduce_sum3A_216 : vector<1024xf32> to vector<1024x1xf32>
    %sign3A_218 = tpu.bitcast %broadcast_in_dim3A_217 : vector<1024x1xf32> -> vector<1024x1xi32>
    %sign3A_219 = arith.constant -2147483648 : i32
    %sign3A_220 = vector.broadcast %sign3A_219 : i32 to vector<1024x1xi32>
    %sign3A_221 = arith.andi %sign3A_218, %sign3A_220 : vector<1024x1xi32>
    %sign3A_222 = arith.constant 1065353216 : i32
    %sign3A_223 = vector.broadcast %sign3A_222 : i32 to vector<1024x1xi32>
    %sign3A_224 = arith.ori %sign3A_223, %sign3A_221 : vector<1024x1xi32>
    %sign3A_225 = tpu.bitcast %sign3A_224 : vector<1024x1xi32> -> vector<1024x1xf32>
    %sign3A_226 = math.absf %broadcast_in_dim3A_217 : vector<1024x1xf32>
    %sign3A_227 = arith.constant 0.000000e+00 : f32
    %sign3A_228 = vector.broadcast %sign3A_227 : f32 to vector<1024x1xf32>
    %sign3A_229 = arith.cmpf ogt, %sign3A_226, %sign3A_228 : vector<1024x1xf32>
    %sign3A_230 = arith.select %sign3A_229, %sign3A_225, %broadcast_in_dim3A_217 : vector<1024x1xi1>, vector<1024x1xf32>
    %mul3A_231 = arith.mulf %min3A_213, %min3A_213 : vector<1024x1xf32>
    %sub3A_232 = arith.constant 1.000000e+00 : f32
    %sub3A_233 = vector.broadcast %sub3A_232 : f32 to vector<1024x1xf32>
    %sub3A_234 = arith.subf %sub3A_233, %mul3A_231 : vector<1024x1xf32>
    %sqrt3A_235 = math.sqrt %sub3A_234 : vector<1024x1xf32>
    %mul3A_236 = arith.mulf %sign3A_230, %sqrt3A_235 : vector<1024x1xf32>
    %slice3A_237 = vector.extract_strided_slice %div3A_28 {offsets = [0, 1], sizes = [1024, 1], strides = [1, 1]} : vector<1024x3xf32> to vector<1024x1xf32>
    %slice3A_238 = vector.extract_strided_slice %div3A_40 {offsets = [0, 2], sizes = [1024, 1], strides = [1, 1]} : vector<1024x3xf32> to vector<1024x1xf32>
    %mul3A_239 = arith.mulf %slice3A_237, %slice3A_238 : vector<1024x1xf32>
    %slice3A_240 = vector.extract_strided_slice %div3A_28 {offsets = [0, 2], sizes = [1024, 1], strides = [1, 1]} : vector<1024x3xf32> to vector<1024x1xf32>
    %slice3A_241 = vector.extract_strided_slice %div3A_40 {offsets = [0, 1], sizes = [1024, 1], strides = [1, 1]} : vector<1024x3xf32> to vector<1024x1xf32>
    %mul3A_242 = arith.mulf %slice3A_240, %slice3A_241 : vector<1024x1xf32>
    %sub3A_243 = arith.subf %mul3A_239, %mul3A_242 : vector<1024x1xf32>
    %slice3A_244 = vector.extract_strided_slice %div3A_28 {offsets = [0, 2], sizes = [1024, 1], strides = [1, 1]} : vector<1024x3xf32> to vector<1024x1xf32>
    %slice3A_245 = vector.extract_strided_slice %div3A_40 {offsets = [0, 0], sizes = [1024, 1], strides = [1, 1]} : vector<1024x3xf32> to vector<1024x1xf32>
    %mul3A_246 = arith.mulf %slice3A_244, %slice3A_245 : vector<1024x1xf32>
    %slice3A_247 = vector.extract_strided_slice %div3A_28 {offsets = [0, 0], sizes = [1024, 1], strides = [1, 1]} : vector<1024x3xf32> to vector<1024x1xf32>
    %slice3A_248 = vector.extract_strided_slice %div3A_40 {offsets = [0, 2], sizes = [1024, 1], strides = [1, 1]} : vector<1024x3xf32> to vector<1024x1xf32>
    %mul3A_249 = arith.mulf %slice3A_247, %slice3A_248 : vector<1024x1xf32>
    %sub3A_250 = arith.subf %mul3A_246, %mul3A_249 : vector<1024x1xf32>
    %slice3A_251 = vector.extract_strided_slice %div3A_28 {offsets = [0, 0], sizes = [1024, 1], strides = [1, 1]} : vector<1024x3xf32> to vector<1024x1xf32>
    %slice3A_252 = vector.extract_strided_slice %div3A_40 {offsets = [0, 1], sizes = [1024, 1], strides = [1, 1]} : vector<1024x3xf32> to vector<1024x1xf32>
    %mul3A_253 = arith.mulf %slice3A_251, %slice3A_252 : vector<1024x1xf32>
    %slice3A_254 = vector.extract_strided_slice %div3A_28 {offsets = [0, 1], sizes = [1024, 1], strides = [1, 1]} : vector<1024x3xf32> to vector<1024x1xf32>
    %slice3A_255 = vector.extract_strided_slice %div3A_40 {offsets = [0, 0], sizes = [1024, 1], strides = [1, 1]} : vector<1024x3xf32> to vector<1024x1xf32>
    %mul3A_256 = arith.mulf %slice3A_254, %slice3A_255 : vector<1024x1xf32>
    %sub3A_257 = arith.subf %mul3A_253, %mul3A_256 : vector<1024x1xf32>
    %concatenate3A_258 = tpu.concatenate %sub3A_243, %sub3A_250, %sub3A_257 in 1 : vector<1024x1xf32>, vector<1024x1xf32>, vector<1024x1xf32> -> vector<1024x3xf32>
    %mul3A_259 = arith.mulf %concatenate3A_258, %concatenate3A_258 : vector<1024x3xf32>
    %reduce_sum3A_260 = arith.constant dense<0.000000e+00> : vector<1024xf32>
    %reduce_sum3A_261 = vector.multi_reduction <add>, %mul3A_259, %reduce_sum3A_260 [1] : vector<1024x3xf32> to vector<1024xf32>
    %broadcast_in_dim3A_262 = vector.shape_cast %reduce_sum3A_261 : vector<1024xf32> to vector<1024x1xf32>
    %sqrt3A_263 = math.sqrt %broadcast_in_dim3A_262 : vector<1024x1xf32>
    %add3A_264 = arith.constant 9.99999993E-9 : f32
    %add3A_265 = vector.broadcast %add3A_264 : f32 to vector<1024x1xf32>
    %add3A_266 = arith.addf %sqrt3A_263, %add3A_265 : vector<1024x1xf32>
    %div3A_267 = vector.broadcast %add3A_266 : vector<1024x1xf32> to vector<1024x3xf32>
    %div3A_268 = arith.divf %concatenate3A_258, %div3A_267 : vector<1024x3xf32>
    %slice3A_269 = vector.extract_strided_slice %div3A_40 {offsets = [0, 1], sizes = [1024, 1], strides = [1, 1]} : vector<1024x3xf32> to vector<1024x1xf32>
    %slice3A_270 = vector.extract_strided_slice %concatenate3A_46 {offsets = [0, 2], sizes = [1024, 1], strides = [1, 1]} : vector<1024x3xf32> to vector<1024x1xf32>
    %mul3A_271 = arith.mulf %slice3A_269, %slice3A_270 : vector<1024x1xf32>
    %slice3A_272 = vector.extract_strided_slice %div3A_40 {offsets = [0, 2], sizes = [1024, 1], strides = [1, 1]} : vector<1024x3xf32> to vector<1024x1xf32>
    %slice3A_273 = vector.extract_strided_slice %concatenate3A_46 {offsets = [0, 1], sizes = [1024, 1], strides = [1, 1]} : vector<1024x3xf32> to vector<1024x1xf32>
    %mul3A_274 = arith.mulf %slice3A_272, %slice3A_273 : vector<1024x1xf32>
    %sub3A_275 = arith.subf %mul3A_271, %mul3A_274 : vector<1024x1xf32>
    %slice3A_276 = vector.extract_strided_slice %div3A_40 {offsets = [0, 2], sizes = [1024, 1], strides = [1, 1]} : vector<1024x3xf32> to vector<1024x1xf32>
    %slice3A_277 = vector.extract_strided_slice %concatenate3A_46 {offsets = [0, 0], sizes = [1024, 1], strides = [1, 1]} : vector<1024x3xf32> to vector<1024x1xf32>
    %mul3A_278 = arith.mulf %slice3A_276, %slice3A_277 : vector<1024x1xf32>
    %slice3A_279 = vector.extract_strided_slice %div3A_40 {offsets = [0, 0], sizes = [1024, 1], strides = [1, 1]} : vector<1024x3xf32> to vector<1024x1xf32>
    %slice3A_280 = vector.extract_strided_slice %concatenate3A_46 {offsets = [0, 2], sizes = [1024, 1], strides = [1, 1]} : vector<1024x3xf32> to vector<1024x1xf32>
    %mul3A_281 = arith.mulf %slice3A_279, %slice3A_280 : vector<1024x1xf32>
    %sub3A_282 = arith.subf %mul3A_278, %mul3A_281 : vector<1024x1xf32>
    %slice3A_283 = vector.extract_strided_slice %div3A_40 {offsets = [0, 0], sizes = [1024, 1], strides = [1, 1]} : vector<1024x3xf32> to vector<1024x1xf32>
    %slice3A_284 = vector.extract_strided_slice %concatenate3A_46 {offsets = [0, 1], sizes = [1024, 1], strides = [1, 1]} : vector<1024x3xf32> to vector<1024x1xf32>
    %mul3A_285 = arith.mulf %slice3A_283, %slice3A_284 : vector<1024x1xf32>
    %slice3A_286 = vector.extract_strided_slice %div3A_40 {offsets = [0, 1], sizes = [1024, 1], strides = [1, 1]} : vector<1024x3xf32> to vector<1024x1xf32>
    %slice3A_287 = vector.extract_strided_slice %concatenate3A_46 {offsets = [0, 0], sizes = [1024, 1], strides = [1, 1]} : vector<1024x3xf32> to vector<1024x1xf32>
    %mul3A_288 = arith.mulf %slice3A_286, %slice3A_287 : vector<1024x1xf32>
    %sub3A_289 = arith.subf %mul3A_285, %mul3A_288 : vector<1024x1xf32>
    %concatenate3A_290 = tpu.concatenate %sub3A_275, %sub3A_282, %sub3A_289 in 1 : vector<1024x1xf32>, vector<1024x1xf32>, vector<1024x1xf32> -> vector<1024x3xf32>
    %mul3A_291 = arith.mulf %concatenate3A_290, %concatenate3A_290 : vector<1024x3xf32>
    %reduce_sum3A_292 = arith.constant dense<0.000000e+00> : vector<1024xf32>
    %reduce_sum3A_293 = vector.multi_reduction <add>, %mul3A_291, %reduce_sum3A_292 [1] : vector<1024x3xf32> to vector<1024xf32>
    %broadcast_in_dim3A_294 = vector.shape_cast %reduce_sum3A_293 : vector<1024xf32> to vector<1024x1xf32>
    %sqrt3A_295 = math.sqrt %broadcast_in_dim3A_294 : vector<1024x1xf32>
    %add3A_296 = arith.constant 9.99999993E-9 : f32
    %add3A_297 = vector.broadcast %add3A_296 : f32 to vector<1024x1xf32>
    %add3A_298 = arith.addf %sqrt3A_295, %add3A_297 : vector<1024x1xf32>
    %div3A_299 = vector.broadcast %add3A_298 : vector<1024x1xf32> to vector<1024x3xf32>
    %div3A_300 = arith.divf %concatenate3A_290, %div3A_299 : vector<1024x3xf32>
    %mul3A_301 = arith.mulf %div3A_268, %div3A_300 : vector<1024x3xf32>
    %reduce_sum3A_302 = arith.constant dense<0.000000e+00> : vector<1024xf32>
    %reduce_sum3A_303 = vector.multi_reduction <add>, %mul3A_301, %reduce_sum3A_302 [1] : vector<1024x3xf32> to vector<1024xf32>
    %broadcast_in_dim3A_304 = vector.shape_cast %reduce_sum3A_303 : vector<1024xf32> to vector<1024x1xf32>
    %jit3A_305 = arith.constant -0.99999988 : f32
    %jit3A_306 = arith.constant 0.99999988 : f32
    %max3A_307 = vector.broadcast %jit3A_305 : f32 to vector<1024x1xf32>
    %max3A_308 = arith.maximumf %max3A_307, %broadcast_in_dim3A_304 : vector<1024x1xf32>
    %min3A_309 = vector.broadcast %jit3A_306 : f32 to vector<1024x1xf32>
    %min3A_310 = arith.minimumf %min3A_309, %max3A_308 : vector<1024x1xf32>
    %mul3A_311 = arith.mulf %div3A_28, %div3A_300 : vector<1024x3xf32>
    %reduce_sum3A_312 = arith.constant dense<0.000000e+00> : vector<1024xf32>
    %reduce_sum3A_313 = vector.multi_reduction <add>, %mul3A_311, %reduce_sum3A_312 [1] : vector<1024x3xf32> to vector<1024xf32>
    %broadcast_in_dim3A_314 = vector.shape_cast %reduce_sum3A_313 : vector<1024xf32> to vector<1024x1xf32>
    %sign3A_315 = tpu.bitcast %broadcast_in_dim3A_314 : vector<1024x1xf32> -> vector<1024x1xi32>
    %sign3A_316 = arith.constant -2147483648 : i32
    %sign3A_317 = vector.broadcast %sign3A_316 : i32 to vector<1024x1xi32>
    %sign3A_318 = arith.andi %sign3A_315, %sign3A_317 : vector<1024x1xi32>
    %sign3A_319 = arith.constant 1065353216 : i32
    %sign3A_320 = vector.broadcast %sign3A_319 : i32 to vector<1024x1xi32>
    %sign3A_321 = arith.ori %sign3A_320, %sign3A_318 : vector<1024x1xi32>
    %sign3A_322 = tpu.bitcast %sign3A_321 : vector<1024x1xi32> -> vector<1024x1xf32>
    %sign3A_323 = math.absf %broadcast_in_dim3A_314 : vector<1024x1xf32>
    %sign3A_324 = arith.constant 0.000000e+00 : f32
    %sign3A_325 = vector.broadcast %sign3A_324 : f32 to vector<1024x1xf32>
    %sign3A_326 = arith.cmpf ogt, %sign3A_323, %sign3A_325 : vector<1024x1xf32>
    %sign3A_327 = arith.select %sign3A_326, %sign3A_322, %broadcast_in_dim3A_314 : vector<1024x1xi1>, vector<1024x1xf32>
    %mul3A_328 = arith.mulf %min3A_310, %min3A_310 : vector<1024x1xf32>
    %sub3A_329 = arith.constant 1.000000e+00 : f32
    %sub3A_330 = vector.broadcast %sub3A_329 : f32 to vector<1024x1xf32>
    %sub3A_331 = arith.subf %sub3A_330, %mul3A_328 : vector<1024x1xf32>
    %sqrt3A_332 = math.sqrt %sub3A_331 : vector<1024x1xf32>
    %mul3A_333 = arith.mulf %sign3A_327, %sqrt3A_332 : vector<1024x1xf32>
    %iota3A = tpu.iota {dimensions = array<i32: 0>} : vector<1024x1xi32>
    %ge3A = arith.constant 1 : i32
    %ge3A_334 = vector.broadcast %ge3A : i32 to vector<1024x1xi32>
    %ge3A_335 = arith.cmpi sge, %iota3A, %ge3A_334 : vector<1024x1xi32>
    %le3A = arith.constant 1022 : i32
    %le3A_336 = vector.broadcast %le3A : i32 to vector<1024x1xi32>
    %le3A_337 = arith.cmpi sle, %iota3A, %le3A_336 : vector<1024x1xi32>
    %jit3A_338 = arith.constant 1.000000e+00 : f32
    %broadcast_in_dim3A_339 = vector.broadcast %jit3A_338 : f32 to vector<1024x1xf32>
    %select_n3A = arith.select %ge3A_335, %min3A_117, %broadcast_in_dim3A_339 : vector<1024x1xi1>, vector<1024x1xf32>
    %jit3A_340 = arith.constant 1.000000e+00 : f32
    %broadcast_in_dim3A_341 = vector.broadcast %jit3A_340 : f32 to vector<1024x1xf32>
    %select_n3A_342 = arith.select %le3A_337, %min3A_213, %broadcast_in_dim3A_341 : vector<1024x1xi1>, vector<1024x1xf32>
    %jit3A_343 = arith.constant 1.000000e+00 : f32
    %broadcast_in_dim3A_344 = vector.broadcast %jit3A_343 : f32 to vector<1024x1xf32>
    %select_n3A_345 = arith.select %le3A_337, %min3A_310, %broadcast_in_dim3A_344 : vector<1024x1xi1>, vector<1024x1xf32>
    %jit3A_346 = arith.constant 0.000000e+00 : f32
    %broadcast_in_dim3A_347 = vector.broadcast %jit3A_346 : f32 to vector<1024x1xf32>
    %select_n3A_348 = arith.select %ge3A_335, %mul3A_139, %broadcast_in_dim3A_347 : vector<1024x1xi1>, vector<1024x1xf32>
    %jit3A_349 = arith.constant 0.000000e+00 : f32
    %broadcast_in_dim3A_350 = vector.broadcast %jit3A_349 : f32 to vector<1024x1xf32>
    %select_n3A_351 = arith.select %le3A_337, %mul3A_236, %broadcast_in_dim3A_350 : vector<1024x1xi1>, vector<1024x1xf32>
    %jit3A_352 = arith.constant 0.000000e+00 : f32
    %broadcast_in_dim3A_353 = vector.broadcast %jit3A_352 : f32 to vector<1024x1xf32>
    %select_n3A_354 = arith.select %le3A_337, %mul3A_333, %broadcast_in_dim3A_353 : vector<1024x1xi1>, vector<1024x1xf32>
    %broadcast_in_dim3A_355 = arith.constant 0.000000e+00 : f32
    %broadcast_in_dim3A_356 = vector.broadcast %broadcast_in_dim3A_355 : f32 to vector<1024x2xf32>
    %concatenate3A_357 = tpu.concatenate %select_n3A, %select_n3A_342, %select_n3A_345, %select_n3A_348, %select_n3A_351, %select_n3A_354, %broadcast_in_dim3A_356 in 1 : vector<1024x1xf32>, vector<1024x1xf32>, vector<1024x1xf32>, vector<1024x1xf32>, vector<1024x1xf32>, vector<1024x1xf32>, vector<1024x2xf32> -> vector<1024x8xf32>
    %get3A_358 = arith.constant 0 : index
    %get3A_359 = arith.constant 0 : index
    %get3A_360 = vector.load %arg4[%get3A_358, %get3A_359] : memref<8x128xf32, #tpu.memory_space<vmem>>, vector<8x128xf32>
    %dot_general3A = arith.constant dense<0.000000e+00> : vector<1024x128xf32>
    %dot_general3A_361 = tpu.matmul %concatenate3A_357, %get3A_360, %dot_general3A {dimension_numbers = #tpu.dot_dimension_numbers<[1], [0], [0], [1], [0, 0, 1, 1], [], []>, transpose_lhs_hint = false} : vector<1024x8xf32>, vector<8x128xf32>, vector<1024x128xf32> -> vector<1024x128xf32>
    %get3A_362 = arith.constant 0 : index
    %get3A_363 = arith.constant 0 : index
    %get3A_364 = vector.load %arg5[%get3A_362, %get3A_363] : memref<1x128xf32, #tpu.memory_space<vmem>>, vector<1x128xf32>
    %add3A_365 = vector.broadcast %get3A_364 : vector<1x128xf32> to vector<1024x128xf32>
    %add3A_366 = arith.addf %dot_general3A_361, %add3A_365 : vector<1024x128xf32>
    %get3A_367 = arith.constant 0 : index
    %get3A_368 = arith.constant 0 : index
    %get3A_369 = vector.load %arg6[%get3A_367, %get3A_368] : memref<1x128xf32, #tpu.memory_space<vmem>>, vector<1x128xf32>
    %get3A_370 = arith.constant 0 : index
    %get3A_371 = arith.constant 0 : index
    %get3A_372 = vector.load %arg7[%get3A_370, %get3A_371] : memref<1x128xf32, #tpu.memory_space<vmem>>, vector<1x128xf32>
    %reduce_sum3A_373 = arith.constant dense<0.000000e+00> : vector<1024xf32>
    %reduce_sum3A_374 = vector.multi_reduction <add>, %add3A_366, %reduce_sum3A_373 [1] : vector<1024x128xf32> to vector<1024xf32>
    %broadcast_in_dim3A_375 = vector.shape_cast %reduce_sum3A_374 : vector<1024xf32> to vector<1024x1xf32>
    %div3A_376 = arith.constant 1.280000e+02 : f32
    %div3A_377 = vector.broadcast %div3A_376 : f32 to vector<1024x1xf32>
    %div3A_378 = arith.divf %broadcast_in_dim3A_375, %div3A_377 : vector<1024x1xf32>
    %sub3A_379 = vector.broadcast %div3A_378 : vector<1024x1xf32> to vector<1024x128xf32>
    %sub3A_380 = arith.subf %add3A_366, %sub3A_379 : vector<1024x128xf32>
    %integer_pow3A = arith.mulf %sub3A_380, %sub3A_380 : vector<1024x128xf32>
    %reduce_sum3A_381 = arith.constant dense<0.000000e+00> : vector<1024xf32>
    %reduce_sum3A_382 = vector.multi_reduction <add>, %integer_pow3A, %reduce_sum3A_381 [1] : vector<1024x128xf32> to vector<1024xf32>
    %broadcast_in_dim3A_383 = vector.shape_cast %reduce_sum3A_382 : vector<1024xf32> to vector<1024x1xf32>
    %div3A_384 = arith.constant 1.280000e+02 : f32
    %div3A_385 = vector.broadcast %div3A_384 : f32 to vector<1024x1xf32>
    %div3A_386 = arith.divf %broadcast_in_dim3A_383, %div3A_385 : vector<1024x1xf32>
    %sub3A_387 = vector.broadcast %div3A_378 : vector<1024x1xf32> to vector<1024x128xf32>
    %sub3A_388 = arith.subf %add3A_366, %sub3A_387 : vector<1024x128xf32>
    %add3A_389 = arith.constant 9.99999974E-6 : f32
    %add3A_390 = vector.broadcast %add3A_389 : f32 to vector<1024x1xf32>
    %add3A_391 = arith.addf %div3A_386, %add3A_390 : vector<1024x1xf32>
    %sqrt3A_392 = math.sqrt %add3A_391 : vector<1024x1xf32>
    %div3A_393 = vector.broadcast %sqrt3A_392 : vector<1024x1xf32> to vector<1024x128xf32>
    %div3A_394 = arith.divf %sub3A_388, %div3A_393 : vector<1024x128xf32>
    %mul3A_395 = vector.broadcast %get3A_369 : vector<1x128xf32> to vector<1024x128xf32>
    %mul3A_396 = arith.mulf %div3A_394, %mul3A_395 : vector<1024x128xf32>
    %add3A_397 = vector.broadcast %get3A_372 : vector<1x128xf32> to vector<1024x128xf32>
    %add3A_398 = arith.addf %mul3A_396, %add3A_397 : vector<1024x128xf32>
    %get3A_399 = arith.constant 0 : index
    %get3A_400 = arith.constant 0 : index
    %get3A_401 = vector.load %arg8[%get3A_399, %get3A_400] : memref<128x128xf32, #tpu.memory_space<vmem>>, vector<128x128xf32>
    %dot_general3A_402 = arith.constant dense<0.000000e+00> : vector<1024x128xf32>
    %dot_general3A_403 = tpu.matmul %add3A_398, %get3A_401, %dot_general3A_402 {dimension_numbers = #tpu.dot_dimension_numbers<[1], [0], [0], [1], [0, 0, 1, 1], [], []>, transpose_lhs_hint = false} : vector<1024x128xf32>, vector<128x128xf32>, vector<1024x128xf32> -> vector<1024x128xf32>
    %get3A_404 = arith.constant 0 : index
    %get3A_405 = arith.constant 0 : index
    %get3A_406 = vector.load %arg9[%get3A_404, %get3A_405] : memref<1x128xf32, #tpu.memory_space<vmem>>, vector<1x128xf32>
    %add3A_407 = vector.broadcast %get3A_406 : vector<1x128xf32> to vector<1024x128xf32>
    %add3A_408 = arith.addf %dot_general3A_403, %add3A_407 : vector<1024x128xf32>
    %swap3A = arith.constant 0 : index
    %swap3A_409 = arith.constant 0 : index
    %swap3A_410 = arith.constant 0 : index
    %swap3A_411 = vector.load %arg10[%swap3A, %swap3A_409, %swap3A_410] : memref<1x1024x128xf32, #tpu.memory_space<vmem>>, vector<1x1024x128xf32>
    %swap3A_412 = vector.shape_cast %swap3A_411 : vector<1x1024x128xf32> to vector<1024x128xf32>
    %swap3A_413 = vector.shape_cast %add3A_408 : vector<1024x128xf32> to vector<1x1024x128xf32>
    tpu.vector_store %arg10[%swap3A, %swap3A_409, %swap3A_410], %swap3A_413 {strides = array<i32>} : memref<1x1024x128xf32, #tpu.memory_space<vmem>>, vector<1x1024x128xf32>,
    return
  }
  func.func @transform_0(%arg0: i32) -> (i32, i32, i32) {
    %c0_i32 = arith.constant 0 : i32
    %c0_i32_0 = arith.constant 0 : i32
    %c0_i32_1 = arith.constant 0 : i32
    return %arg0, %c0_i32, %c0_i32_0 : i32, i32, i32
  }
  func.func @transform_1(%arg0: i32) -> (i32, i32, i32) {
    %c0_i32 = arith.constant 0 : i32
    %c0_i32_0 = arith.constant 0 : i32
    %c0_i32_1 = arith.constant 0 : i32
    return %arg0, %c0_i32, %c0_i32_0 : i32, i32, i32
  }
  func.func @transform_2(%arg0: i32) -> (i32, i32, i32) {
    %c0_i32 = arith.constant 0 : i32
    %c0_i32_0 = arith.constant 0 : i32
    %c0_i32_1 = arith.constant 0 : i32
    return %arg0, %c0_i32, %c0_i32_0 : i32, i32, i32
  }
  func.func @transform_3(%arg0: i32) -> (i32, i32) {
    %c0_i32 = arith.constant 0 : i32
    %c0_i32_0 = arith.constant 0 : i32
    %c0_i32_1 = arith.constant 0 : i32
    return %c0_i32, %c0_i32_0 : i32, i32
  }
  func.func @transform_4(%arg0: i32) -> (i32, i32) {
    %c0_i32 = arith.constant 0 : i32
    %c0_i32_0 = arith.constant 0 : i32
    %c0_i32_1 = arith.constant 0 : i32
    return %c0_i32, %c0_i32_0 : i32, i32
  }
  func.func @transform_5(%arg0: i32) -> (i32, i32) {
    %c0_i32 = arith.constant 0 : i32
    %c0_i32_0 = arith.constant 0 : i32
    %c0_i32_1 = arith.constant 0 : i32
    return %c0_i32, %c0_i32_0 : i32, i32
  }
  func.func @transform_6(%arg0: i32) -> (i32, i32) {
    %c0_i32 = arith.constant 0 : i32
    %c0_i32_0 = arith.constant 0 : i32
    %c0_i32_1 = arith.constant 0 : i32
    return %c0_i32, %c0_i32_0 : i32, i32
  }
  func.func @transform_7(%arg0: i32) -> (i32, i32) {
    %c0_i32 = arith.constant 0 : i32
    %c0_i32_0 = arith.constant 0 : i32
    %c0_i32_1 = arith.constant 0 : i32
    return %c0_i32, %c0_i32_0 : i32, i32
  }
  func.func @transform_8(%arg0: i32) -> (i32, i32) {
    %c0_i32 = arith.constant 0 : i32
    %c0_i32_0 = arith.constant 0 : i32
    %c0_i32_1 = arith.constant 0 : i32
    return %c0_i32, %c0_i32_0 : i32, i32
  }
  func.func @transform_9(%arg0: i32) -> (i32, i32, i32) {
    %c0_i32 = arith.constant 0 : i32
    %c0_i32_0 = arith.constant 0 : i32
    %c0_i32_1 = arith.constant 0 : i32
    return %arg0, %c0_i32, %c0_i32_0 : i32, i32, i32
  }
}

module attributes {stable_mosaic.version = 14 : i64} {
  func.func @_edge_body(%arg0: i32, %arg1: memref<4096x1xf32, #tpu.memory_space<vmem>>, %arg2: memref<4096x1xi32, #tpu.memory_space<vmem>>, %arg3: memref<65x128xf32, #tpu.memory_space<vmem>>, %arg4: memref<16x128xf32, #tpu.memory_space<vmem>>, %arg5: memref<1x128xf32, #tpu.memory_space<vmem>>, %arg6: memref<1x128xf32, #tpu.memory_space<vmem>>, %arg7: memref<1x128xf32, #tpu.memory_space<vmem>>, %arg8: memref<128x128xf32, #tpu.memory_space<vmem>>, %arg9: memref<1x128xf32, #tpu.memory_space<vmem>>, %arg10: memref<4096x128xf32, #tpu.memory_space<vmem>>) attributes {dimension_semantics = [#tpu.dimension_semantics<arbitrary>], iteration_bounds = array<i64: 32>, scalar_prefetch = 0 : i64, scratch_operands = 0 : i64, tpu.core_type = #tpu.core_type<tc>, window_params = [{transform_indices = @transform_0, window_bounds = array<i64: 4096, 1>}, {transform_indices = @transform_1, window_bounds = array<i64: 4096, 1>}, {pipeline_mode = #tpu.pipeline_mode<synchronous>, transform_indices = @transform_2, window_bounds = array<i64: 65, 128>}, {pipeline_mode = #tpu.pipeline_mode<synchronous>, transform_indices = @transform_3, window_bounds = array<i64: 16, 128>}, {pipeline_mode = #tpu.pipeline_mode<synchronous>, transform_indices = @transform_4, window_bounds = array<i64: 1, 128>}, {pipeline_mode = #tpu.pipeline_mode<synchronous>, transform_indices = @transform_5, window_bounds = array<i64: 1, 128>}, {pipeline_mode = #tpu.pipeline_mode<synchronous>, transform_indices = @transform_6, window_bounds = array<i64: 1, 128>}, {pipeline_mode = #tpu.pipeline_mode<synchronous>, transform_indices = @transform_7, window_bounds = array<i64: 128, 128>}, {pipeline_mode = #tpu.pipeline_mode<synchronous>, transform_indices = @transform_8, window_bounds = array<i64: 1, 128>}, {transform_indices = @transform_9, window_bounds = array<i64: 4096, 128>}]} {
    %get3A = arith.constant 0 : index
    %get3A_0 = arith.constant 0 : index
    %get3A_1 = vector.load %arg1[%get3A, %get3A_0] : memref<4096x1xf32, #tpu.memory_space<vmem>>, vector<4096x1xf32>
    %get3A_2 = arith.constant 0 : index
    %get3A_3 = arith.constant 0 : index
    %get3A_4 = vector.load %arg2[%get3A_2, %get3A_3] : memref<4096x1xi32, #tpu.memory_space<vmem>>, vector<4096x1xi32>
    %add3A = arith.constant 9.99999997E-7 : f32
    %add3A_5 = vector.broadcast %add3A : f32 to vector<4096x1xf32>
    %add3A_6 = arith.addf %get3A_1, %add3A_5 : vector<4096x1xf32>
    %sqrt3A = math.sqrt %add3A_6 : vector<4096x1xf32>
    %iota3A = tpu.iota {dimensions = array<i32: 1>} : vector<1x16xi32>
    %convert_element_type3A = arith.sitofp %iota3A : vector<1x16xi32> to vector<1x16xf32>
    %mul3A = arith.constant 1.33333337 : f32
    %mul3A_7 = vector.broadcast %mul3A : f32 to vector<1x16xf32>
    %mul3A_8 = arith.mulf %mul3A_7, %convert_element_type3A : vector<1x16xf32>
    %add3A_9 = arith.constant 2.000000e+00 : f32
    %add3A_10 = vector.broadcast %add3A_9 : f32 to vector<1x16xf32>
    %add3A_11 = arith.addf %add3A_10, %mul3A_8 : vector<1x16xf32>
    %sub3A = vector.broadcast %sqrt3A : vector<4096x1xf32> to vector<4096x16xf32>
    %sub3A_12 = vector.broadcast %add3A_11 : vector<1x16xf32> to vector<4096x16xf32>
    %sub3A_13 = arith.subf %sub3A, %sub3A_12 : vector<4096x16xf32>
    %div3A = arith.constant 1.250000e+00 : f32
    %div3A_14 = vector.broadcast %div3A : f32 to vector<4096x16xf32>
    %div3A_15 = arith.divf %sub3A_13, %div3A_14 : vector<4096x16xf32>
    %integer_pow3A = arith.mulf %div3A_15, %div3A_15 : vector<4096x16xf32>
    %neg3A = arith.constant 0.000000e+00 : f32
    %neg3A_16 = vector.broadcast %neg3A : f32 to vector<4096x16xf32>
    %neg3A_17 = arith.subf %neg3A_16, %integer_pow3A : vector<4096x16xf32>
    %exp3A = math.exp %neg3A_17 : vector<4096x16xf32>
    %add3A_18 = arith.constant 32 : i32
    %add3A_19 = vector.broadcast %add3A_18 : i32 to vector<4096x1xi32>
    %add3A_20 = arith.addi %get3A_4, %add3A_19 : vector<4096x1xi32>
    %jit3A = arith.constant 0 : i32
    %jit3A_21 = arith.constant 64 : i32
    %max3A = vector.broadcast %jit3A : i32 to vector<4096x1xi32>
    %max3A_22 = arith.maxsi %max3A, %add3A_20 : vector<4096x1xi32>
    %min3A = vector.broadcast %jit3A_21 : i32 to vector<4096x1xi32>
    %min3A_23 = arith.minsi %min3A, %max3A_22 : vector<4096x1xi32>
    %iota3A_24 = tpu.iota {dimensions = array<i32: 1>} : vector<4096x65xi32>
    %eq3A = vector.broadcast %min3A_23 : vector<4096x1xi32> to vector<4096x65xi32>
    %eq3A_25 = arith.cmpi eq, %iota3A_24, %eq3A : vector<4096x65xi32>
    %convert_element_type3A_26 = arith.extui %eq3A_25 : vector<4096x65xi1> to vector<4096x65xi32>
    %convert_element_type3A_27 = arith.sitofp %convert_element_type3A_26 : vector<4096x65xi32> to vector<4096x65xf32>
    %get3A_28 = arith.constant 0 : index
    %get3A_29 = arith.constant 0 : index
    %get3A_30 = vector.load %arg3[%get3A_28, %get3A_29] : memref<65x128xf32, #tpu.memory_space<vmem>>, vector<65x128xf32>
    %dot_general3A = arith.constant dense<0.000000e+00> : vector<4096x128xf32>
    %dot_general3A_31 = tpu.matmul %convert_element_type3A_27, %get3A_30, %dot_general3A {dimension_numbers = #tpu.dot_dimension_numbers<[1], [0], [0], [1], [0, 0, 1, 1], [], []>, transpose_lhs_hint = false} : vector<4096x65xf32>, vector<65x128xf32>, vector<4096x128xf32> -> vector<4096x128xf32>
    %get3A_32 = arith.constant 0 : index
    %get3A_33 = arith.constant 0 : index
    %get3A_34 = vector.load %arg4[%get3A_32, %get3A_33] : memref<16x128xf32, #tpu.memory_space<vmem>>, vector<16x128xf32>
    %dot_general3A_35 = arith.constant dense<0.000000e+00> : vector<4096x128xf32>
    %dot_general3A_36 = tpu.matmul %exp3A, %get3A_34, %dot_general3A_35 {dimension_numbers = #tpu.dot_dimension_numbers<[1], [0], [0], [1], [0, 0, 1, 1], [], []>, transpose_lhs_hint = false} : vector<4096x16xf32>, vector<16x128xf32>, vector<4096x128xf32> -> vector<4096x128xf32>
    %add3A_37 = arith.addf %dot_general3A_31, %dot_general3A_36 : vector<4096x128xf32>
    %get3A_38 = arith.constant 0 : index
    %get3A_39 = arith.constant 0 : index
    %get3A_40 = vector.load %arg5[%get3A_38, %get3A_39] : memref<1x128xf32, #tpu.memory_space<vmem>>, vector<1x128xf32>
    %add3A_41 = vector.broadcast %get3A_40 : vector<1x128xf32> to vector<4096x128xf32>
    %add3A_42 = arith.addf %add3A_37, %add3A_41 : vector<4096x128xf32>
    %get3A_43 = arith.constant 0 : index
    %get3A_44 = arith.constant 0 : index
    %get3A_45 = vector.load %arg6[%get3A_43, %get3A_44] : memref<1x128xf32, #tpu.memory_space<vmem>>, vector<1x128xf32>
    %get3A_46 = arith.constant 0 : index
    %get3A_47 = arith.constant 0 : index
    %get3A_48 = vector.load %arg7[%get3A_46, %get3A_47] : memref<1x128xf32, #tpu.memory_space<vmem>>, vector<1x128xf32>
    %reduce_sum3A = arith.constant dense<0.000000e+00> : vector<4096xf32>
    %reduce_sum3A_49 = vector.multi_reduction <add>, %add3A_42, %reduce_sum3A [1] : vector<4096x128xf32> to vector<4096xf32>
    %broadcast_in_dim3A = vector.shape_cast %reduce_sum3A_49 : vector<4096xf32> to vector<4096x1xf32>
    %div3A_50 = arith.constant 1.280000e+02 : f32
    %div3A_51 = vector.broadcast %div3A_50 : f32 to vector<4096x1xf32>
    %div3A_52 = arith.divf %broadcast_in_dim3A, %div3A_51 : vector<4096x1xf32>
    %sub3A_53 = vector.broadcast %div3A_52 : vector<4096x1xf32> to vector<4096x128xf32>
    %sub3A_54 = arith.subf %add3A_42, %sub3A_53 : vector<4096x128xf32>
    %integer_pow3A_55 = arith.mulf %sub3A_54, %sub3A_54 : vector<4096x128xf32>
    %reduce_sum3A_56 = arith.constant dense<0.000000e+00> : vector<4096xf32>
    %reduce_sum3A_57 = vector.multi_reduction <add>, %integer_pow3A_55, %reduce_sum3A_56 [1] : vector<4096x128xf32> to vector<4096xf32>
    %broadcast_in_dim3A_58 = vector.shape_cast %reduce_sum3A_57 : vector<4096xf32> to vector<4096x1xf32>
    %div3A_59 = arith.constant 1.280000e+02 : f32
    %div3A_60 = vector.broadcast %div3A_59 : f32 to vector<4096x1xf32>
    %div3A_61 = arith.divf %broadcast_in_dim3A_58, %div3A_60 : vector<4096x1xf32>
    %sub3A_62 = vector.broadcast %div3A_52 : vector<4096x1xf32> to vector<4096x128xf32>
    %sub3A_63 = arith.subf %add3A_42, %sub3A_62 : vector<4096x128xf32>
    %add3A_64 = arith.constant 9.99999974E-6 : f32
    %add3A_65 = vector.broadcast %add3A_64 : f32 to vector<4096x1xf32>
    %add3A_66 = arith.addf %div3A_61, %add3A_65 : vector<4096x1xf32>
    %sqrt3A_67 = math.sqrt %add3A_66 : vector<4096x1xf32>
    %div3A_68 = vector.broadcast %sqrt3A_67 : vector<4096x1xf32> to vector<4096x128xf32>
    %div3A_69 = arith.divf %sub3A_63, %div3A_68 : vector<4096x128xf32>
    %mul3A_70 = vector.broadcast %get3A_45 : vector<1x128xf32> to vector<4096x128xf32>
    %mul3A_71 = arith.mulf %div3A_69, %mul3A_70 : vector<4096x128xf32>
    %add3A_72 = vector.broadcast %get3A_48 : vector<1x128xf32> to vector<4096x128xf32>
    %add3A_73 = arith.addf %mul3A_71, %add3A_72 : vector<4096x128xf32>
    %get3A_74 = arith.constant 0 : index
    %get3A_75 = arith.constant 0 : index
    %get3A_76 = vector.load %arg8[%get3A_74, %get3A_75] : memref<128x128xf32, #tpu.memory_space<vmem>>, vector<128x128xf32>
    %dot_general3A_77 = arith.constant dense<0.000000e+00> : vector<4096x128xf32>
    %dot_general3A_78 = tpu.matmul %add3A_73, %get3A_76, %dot_general3A_77 {dimension_numbers = #tpu.dot_dimension_numbers<[1], [0], [0], [1], [0, 0, 1, 1], [], []>, transpose_lhs_hint = false} : vector<4096x128xf32>, vector<128x128xf32>, vector<4096x128xf32> -> vector<4096x128xf32>
    %get3A_79 = arith.constant 0 : index
    %get3A_80 = arith.constant 0 : index
    %get3A_81 = vector.load %arg9[%get3A_79, %get3A_80] : memref<1x128xf32, #tpu.memory_space<vmem>>, vector<1x128xf32>
    %add3A_82 = vector.broadcast %get3A_81 : vector<1x128xf32> to vector<4096x128xf32>
    %add3A_83 = arith.addf %dot_general3A_78, %add3A_82 : vector<4096x128xf32>
    %swap3A = arith.constant 0 : index
    %swap3A_84 = arith.constant 0 : index
    %swap3A_85 = vector.load %arg10[%swap3A, %swap3A_84] : memref<4096x128xf32, #tpu.memory_space<vmem>>, vector<4096x128xf32>
    tpu.vector_store %arg10[%swap3A, %swap3A_84], %add3A_83 {strides = array<i32>} : memref<4096x128xf32, #tpu.memory_space<vmem>>, vector<4096x128xf32>,
    return
  }
  func.func @transform_0(%arg0: i32) -> (i32, i32) {
    %c0_i32 = arith.constant 0 : i32
    %c0_i32_0 = arith.constant 0 : i32
    return %arg0, %c0_i32 : i32, i32
  }
  func.func @transform_1(%arg0: i32) -> (i32, i32) {
    %c0_i32 = arith.constant 0 : i32
    %c0_i32_0 = arith.constant 0 : i32
    return %arg0, %c0_i32 : i32, i32
  }
  func.func @transform_2(%arg0: i32) -> (i32, i32) {
    %c0_i32 = arith.constant 0 : i32
    %c0_i32_0 = arith.constant 0 : i32
    %c0_i32_1 = arith.constant 0 : i32
    return %c0_i32, %c0_i32_0 : i32, i32
  }
  func.func @transform_3(%arg0: i32) -> (i32, i32) {
    %c0_i32 = arith.constant 0 : i32
    %c0_i32_0 = arith.constant 0 : i32
    %c0_i32_1 = arith.constant 0 : i32
    return %c0_i32, %c0_i32_0 : i32, i32
  }
  func.func @transform_4(%arg0: i32) -> (i32, i32) {
    %c0_i32 = arith.constant 0 : i32
    %c0_i32_0 = arith.constant 0 : i32
    %c0_i32_1 = arith.constant 0 : i32
    return %c0_i32, %c0_i32_0 : i32, i32
  }
  func.func @transform_5(%arg0: i32) -> (i32, i32) {
    %c0_i32 = arith.constant 0 : i32
    %c0_i32_0 = arith.constant 0 : i32
    %c0_i32_1 = arith.constant 0 : i32
    return %c0_i32, %c0_i32_0 : i32, i32
  }
  func.func @transform_6(%arg0: i32) -> (i32, i32) {
    %c0_i32 = arith.constant 0 : i32
    %c0_i32_0 = arith.constant 0 : i32
    %c0_i32_1 = arith.constant 0 : i32
    return %c0_i32, %c0_i32_0 : i32, i32
  }
  func.func @transform_7(%arg0: i32) -> (i32, i32) {
    %c0_i32 = arith.constant 0 : i32
    %c0_i32_0 = arith.constant 0 : i32
    %c0_i32_1 = arith.constant 0 : i32
    return %c0_i32, %c0_i32_0 : i32, i32
  }
  func.func @transform_8(%arg0: i32) -> (i32, i32) {
    %c0_i32 = arith.constant 0 : i32
    %c0_i32_0 = arith.constant 0 : i32
    %c0_i32_1 = arith.constant 0 : i32
    return %c0_i32, %c0_i32_0 : i32, i32
  }
  func.func @transform_9(%arg0: i32) -> (i32, i32) {
    %c0_i32 = arith.constant 0 : i32
    %c0_i32_0 = arith.constant 0 : i32
    return %arg0, %c0_i32 : i32, i32
  }
}

module attributes {stable_mosaic.version = 14 : i64} {
  func.func @_layer_body(%arg0: i32, %arg1: i32, %arg2: memref<1x256x128xf32, #tpu.memory_space<vmem>>, %arg3: memref<1x8192x128xf32, #tpu.memory_space<vmem>>, %arg4: memref<1x8192x128xf32, #tpu.memory_space<vmem>>, %arg5: memref<128x128xf32, #tpu.memory_space<vmem>>, %arg6: memref<1x128xf32, #tpu.memory_space<vmem>>, %arg7: memref<128x128xf32, #tpu.memory_space<vmem>>, %arg8: memref<128x128xf32, #tpu.memory_space<vmem>>, %arg9: memref<1x128xf32, #tpu.memory_space<vmem>>, %arg10: memref<128x128xf32, #tpu.memory_space<vmem>>, %arg11: memref<128x128xf32, #tpu.memory_space<vmem>>, %arg12: memref<1x128xf32, #tpu.memory_space<vmem>>, %arg13: memref<128x128xf32, #tpu.memory_space<vmem>>, %arg14: memref<1x128xf32, #tpu.memory_space<vmem>>, %arg15: memref<1x128xf32, #tpu.memory_space<vmem>>, %arg16: memref<1x128xf32, #tpu.memory_space<vmem>>, %arg17: memref<1x128xf32, #tpu.memory_space<vmem>>, %arg18: memref<1x128xf32, #tpu.memory_space<vmem>>, %arg19: memref<128x512xf32, #tpu.memory_space<vmem>>, %arg20: memref<1x512xf32, #tpu.memory_space<vmem>>, %arg21: memref<512x128xf32, #tpu.memory_space<vmem>>, %arg22: memref<1x128xf32, #tpu.memory_space<vmem>>, %arg23: memref<1x256x128xf32, #tpu.memory_space<vmem>>) attributes {dimension_semantics = [#tpu.dimension_semantics<arbitrary>, #tpu.dimension_semantics<arbitrary>], iteration_bounds = array<i64: 4, 4>, scalar_prefetch = 0 : i64, scratch_operands = 0 : i64, tpu.core_type = #tpu.core_type<tc>, window_params = [{transform_indices = @transform_0, window_bounds = array<i64: 1, 256, 128>}, {transform_indices = @transform_1, window_bounds = array<i64: 1, 8192, 128>}, {transform_indices = @transform_2, window_bounds = array<i64: 1, 8192, 128>}, {pipeline_mode = #tpu.pipeline_mode<synchronous>, transform_indices = @transform_3, window_bounds = array<i64: 128, 128>}, {pipeline_mode = #tpu.pipeline_mode<synchronous>, transform_indices = @transform_4, window_bounds = array<i64: 1, 128>}, {pipeline_mode = #tpu.pipeline_mode<synchronous>, transform_indices = @transform_5, window_bounds = array<i64: 128, 128>}, {pipeline_mode = #tpu.pipeline_mode<synchronous>, transform_indices = @transform_6, window_bounds = array<i64: 128, 128>}, {pipeline_mode = #tpu.pipeline_mode<synchronous>, transform_indices = @transform_7, window_bounds = array<i64: 1, 128>}, {pipeline_mode = #tpu.pipeline_mode<synchronous>, transform_indices = @transform_8, window_bounds = array<i64: 128, 128>}, {pipeline_mode = #tpu.pipeline_mode<synchronous>, transform_indices = @transform_9, window_bounds = array<i64: 128, 128>}, {pipeline_mode = #tpu.pipeline_mode<synchronous>, transform_indices = @transform_10, window_bounds = array<i64: 1, 128>}, {pipeline_mode = #tpu.pipeline_mode<synchronous>, transform_indices = @transform_11, window_bounds = array<i64: 128, 128>}, {pipeline_mode = #tpu.pipeline_mode<synchronous>, transform_indices = @transform_12, window_bounds = array<i64: 1, 128>}, {pipeline_mode = #tpu.pipeline_mode<synchronous>, transform_indices = @transform_13, window_bounds = array<i64: 1, 128>}, {pipeline_mode = #tpu.pipeline_mode<synchronous>, transform_indices = @transform_14, window_bounds = array<i64: 1, 128>}, {pipeline_mode = #tpu.pipeline_mode<synchronous>, transform_indices = @transform_15, window_bounds = array<i64: 1, 128>}, {pipeline_mode = #tpu.pipeline_mode<synchronous>, transform_indices = @transform_16, window_bounds = array<i64: 1, 128>}, {pipeline_mode = #tpu.pipeline_mode<synchronous>, transform_indices = @transform_17, window_bounds = array<i64: 128, 512>}, {pipeline_mode = #tpu.pipeline_mode<synchronous>, transform_indices = @transform_18, window_bounds = array<i64: 1, 512>}, {pipeline_mode = #tpu.pipeline_mode<synchronous>, transform_indices = @transform_19, window_bounds = array<i64: 512, 128>}, {pipeline_mode = #tpu.pipeline_mode<synchronous>, transform_indices = @transform_20, window_bounds = array<i64: 1, 128>}, {transform_indices = @transform_21, window_bounds = array<i64: 1, 256, 128>}]} {
    %get3A = arith.constant 0 : index
    %get3A_0 = arith.constant 0 : index
    %get3A_1 = arith.constant 0 : index
    %get3A_2 = vector.load %arg2[%get3A, %get3A_0, %get3A_1] : memref<1x256x128xf32, #tpu.memory_space<vmem>>, vector<1x256x128xf32>
    %get3A_3 = vector.shape_cast %get3A_2 : vector<1x256x128xf32> to vector<256x128xf32>
    %get3A_4 = arith.constant 0 : index
    %get3A_5 = arith.constant 0 : index
    %get3A_6 = arith.constant 0 : index
    %get3A_7 = vector.load %arg3[%get3A_4, %get3A_5, %get3A_6] : memref<1x8192x128xf32, #tpu.memory_space<vmem>>, vector<1x8192x128xf32>
    %get3A_8 = vector.shape_cast %get3A_7 : vector<1x8192x128xf32> to vector<8192x128xf32>
    %get3A_9 = arith.constant 0 : index
    %get3A_10 = arith.constant 0 : index
    %get3A_11 = arith.constant 0 : index
    %get3A_12 = vector.load %arg4[%get3A_9, %get3A_10, %get3A_11] : memref<1x8192x128xf32, #tpu.memory_space<vmem>>, vector<1x8192x128xf32>
    %get3A_13 = vector.shape_cast %get3A_12 : vector<1x8192x128xf32> to vector<8192x128xf32>
    %get3A_14 = arith.constant 0 : index
    %get3A_15 = arith.constant 0 : index
    %get3A_16 = vector.load %arg5[%get3A_14, %get3A_15] : memref<128x128xf32, #tpu.memory_space<vmem>>, vector<128x128xf32>
    %get3A_17 = arith.constant 0 : index
    %get3A_18 = arith.constant 0 : index
    %get3A_19 = vector.load %arg6[%get3A_17, %get3A_18] : memref<1x128xf32, #tpu.memory_space<vmem>>, vector<1x128xf32>
    %get3A_20 = arith.constant 0 : index
    %get3A_21 = arith.constant 0 : index
    %get3A_22 = vector.load %arg7[%get3A_20, %get3A_21] : memref<128x128xf32, #tpu.memory_space<vmem>>, vector<128x128xf32>
    %get3A_23 = arith.constant 0 : index
    %get3A_24 = arith.constant 0 : index
    %get3A_25 = vector.load %arg8[%get3A_23, %get3A_24] : memref<128x128xf32, #tpu.memory_space<vmem>>, vector<128x128xf32>
    %get3A_26 = arith.constant 0 : index
    %get3A_27 = arith.constant 0 : index
    %get3A_28 = vector.load %arg9[%get3A_26, %get3A_27] : memref<1x128xf32, #tpu.memory_space<vmem>>, vector<1x128xf32>
    %get3A_29 = arith.constant 0 : index
    %get3A_30 = arith.constant 0 : index
    %get3A_31 = vector.load %arg10[%get3A_29, %get3A_30] : memref<128x128xf32, #tpu.memory_space<vmem>>, vector<128x128xf32>
    %get3A_32 = arith.constant 0 : index
    %get3A_33 = arith.constant 0 : index
    %get3A_34 = vector.load %arg11[%get3A_32, %get3A_33] : memref<128x128xf32, #tpu.memory_space<vmem>>, vector<128x128xf32>
    %get3A_35 = arith.constant 0 : index
    %get3A_36 = arith.constant 0 : index
    %get3A_37 = vector.load %arg12[%get3A_35, %get3A_36] : memref<1x128xf32, #tpu.memory_space<vmem>>, vector<1x128xf32>
    %dot_general3A = arith.constant dense<0.000000e+00> : vector<256x128xf32>
    %dot_general3A_38 = tpu.matmul %get3A_3, %get3A_16, %dot_general3A {dimension_numbers = #tpu.dot_dimension_numbers<[1], [0], [0], [1], [0, 0, 1, 1], [], []>, transpose_lhs_hint = false} : vector<256x128xf32>, vector<128x128xf32>, vector<256x128xf32> -> vector<256x128xf32>
    %add3A = vector.broadcast %get3A_19 : vector<1x128xf32> to vector<256x128xf32>
    %add3A_39 = arith.addf %dot_general3A_38, %add3A : vector<256x128xf32>
    %dot_general3A_40 = arith.constant dense<0.000000e+00> : vector<8192x128xf32>
    %dot_general3A_41 = tpu.matmul %get3A_13, %get3A_22, %dot_general3A_40 {dimension_numbers = #tpu.dot_dimension_numbers<[1], [0], [0], [1], [0, 0, 1, 1], [], []>, transpose_lhs_hint = false} : vector<8192x128xf32>, vector<128x128xf32>, vector<8192x128xf32> -> vector<8192x128xf32>
    %dot_general3A_42 = arith.constant dense<0.000000e+00> : vector<8192x128xf32>
    %dot_general3A_43 = tpu.matmul %get3A_8, %get3A_25, %dot_general3A_42 {dimension_numbers = #tpu.dot_dimension_numbers<[1], [0], [0], [1], [0, 0, 1, 1], [], []>, transpose_lhs_hint = false} : vector<8192x128xf32>, vector<128x128xf32>, vector<8192x128xf32> -> vector<8192x128xf32>
    %add3A_44 = arith.addf %dot_general3A_41, %dot_general3A_43 : vector<8192x128xf32>
    %reshape3A = vector.shape_cast %add3A_44 : vector<8192x128xf32> to vector<256x32x128xf32>
    %dot_general3A_45 = arith.constant dense<0.000000e+00> : vector<8192x128xf32>
    %dot_general3A_46 = tpu.matmul %get3A_13, %get3A_31, %dot_general3A_45 {dimension_numbers = #tpu.dot_dimension_numbers<[1], [0], [0], [1], [0, 0, 1, 1], [], []>, transpose_lhs_hint = false} : vector<8192x128xf32>, vector<128x128xf32>, vector<8192x128xf32> -> vector<8192x128xf32>
    %dot_general3A_47 = arith.constant dense<0.000000e+00> : vector<8192x128xf32>
    %dot_general3A_48 = tpu.matmul %get3A_8, %get3A_34, %dot_general3A_47 {dimension_numbers = #tpu.dot_dimension_numbers<[1], [0], [0], [1], [0, 0, 1, 1], [], []>, transpose_lhs_hint = false} : vector<8192x128xf32>, vector<128x128xf32>, vector<8192x128xf32> -> vector<8192x128xf32>
    %add3A_49 = arith.addf %dot_general3A_46, %dot_general3A_48 : vector<8192x128xf32>
    %reshape3A_50 = vector.shape_cast %add3A_49 : vector<8192x128xf32> to vector<256x32x128xf32>
    %iota3A = tpu.iota {dimensions = array<i32: 1>} : vector<256x32xi32>
    %lt3A = arith.constant 30 : i32
    %lt3A_51 = vector.broadcast %lt3A : i32 to vector<256x32xi32>
    %lt3A_52 = arith.cmpi slt, %iota3A, %lt3A_51 : vector<256x32xi32>
    %slice3A = vector.extract_strided_slice %add3A_39 {offsets = [0, 0], sizes = [256, 32], strides = [1, 1]} : vector<256x128xf32> to vector<256x32xf32>
    %slice3A_53 = vector.extract_strided_slice %get3A_28 {offsets = [0, 0], sizes = [1, 32], strides = [1, 1]} : vector<1x128xf32> to vector<1x32xf32>
    %mul3A = vector.broadcast %slice3A_53 : vector<1x32xf32> to vector<256x32xf32>
    %mul3A_54 = arith.mulf %slice3A, %mul3A : vector<256x32xf32>
    %reduce_sum3A = arith.constant dense<0.000000e+00> : vector<256xf32>
    %reduce_sum3A_55 = vector.multi_reduction <add>, %mul3A_54, %reduce_sum3A [1] : vector<256x32xf32> to vector<256xf32>
    %broadcast_in_dim3A = vector.shape_cast %reduce_sum3A_55 : vector<256xf32> to vector<256x1xf32>
    %slice3A_56 = vector.extract_strided_slice %reshape3A {offsets = [0, 0, 0], sizes = [256, 32, 32], strides = [1, 1, 1]} : vector<256x32x128xf32> to vector<256x32x32xf32>
    %broadcast_in_dim3A_57 = vector.shape_cast %slice3A : vector<256x32xf32> to vector<256x1x32xf32>
    %mul3A_58 = vector.broadcast %broadcast_in_dim3A_57 : vector<256x1x32xf32> to vector<256x32x32xf32>
    %mul3A_59 = arith.mulf %slice3A_56, %mul3A_58 : vector<256x32x32xf32>
    %reduce_sum3A_60 = arith.constant dense<0.000000e+00> : vector<256x32xf32>
    %reduce_sum3A_61 = vector.multi_reduction <add>, %mul3A_59, %reduce_sum3A_60 [2] : vector<256x32x32xf32> to vector<256x32xf32>
    %add3A_62 = vector.broadcast %broadcast_in_dim3A : vector<256x1xf32> to vector<256x32xf32>
    %add3A_63 = arith.addf %reduce_sum3A_61, %add3A_62 : vector<256x32xf32>
    %mul3A_64 = arith.constant 0.176776692 : f32
    %mul3A_65 = vector.broadcast %mul3A_64 : f32 to vector<256x32xf32>
    %mul3A_66 = arith.mulf %add3A_63, %mul3A_65 : vector<256x32xf32>
    %jit3A = arith.constant -1.000000e+09 : f32
    %broadcast_in_dim3A_67 = vector.broadcast %jit3A : f32 to vector<256x32xf32>
    %select_n3A = arith.select %lt3A_52, %mul3A_66, %broadcast_in_dim3A_67 : vector<256x32xi1>, vector<256x32xf32>
    %reduce_max3A = arith.constant dense<0xFF800000> : vector<256xf32>
    %reduce_max3A_68 = vector.multi_reduction <maximumf>, %select_n3A, %reduce_max3A [1] : vector<256x32xf32> to vector<256xf32>
    %broadcast_in_dim3A_69 = vector.shape_cast %reduce_max3A_68 : vector<256xf32> to vector<256x1xf32>
    %sub3A = vector.broadcast %broadcast_in_dim3A_69 : vector<256x1xf32> to vector<256x32xf32>
    %sub3A_70 = arith.subf %select_n3A, %sub3A : vector<256x32xf32>
    %exp3A = math.exp %sub3A_70 : vector<256x32xf32>
    %reduce_sum3A_71 = arith.constant dense<0.000000e+00> : vector<256xf32>
    %reduce_sum3A_72 = vector.multi_reduction <add>, %exp3A, %reduce_sum3A_71 [1] : vector<256x32xf32> to vector<256xf32>
    %broadcast_in_dim3A_73 = vector.shape_cast %reduce_sum3A_72 : vector<256xf32> to vector<256x1xf32>
    %div3A = vector.broadcast %broadcast_in_dim3A_73 : vector<256x1xf32> to vector<256x32xf32>
    %div3A_74 = arith.divf %exp3A, %div3A : vector<256x32xf32>
    %slice3A_75 = vector.extract_strided_slice %reshape3A_50 {offsets = [0, 0, 0], sizes = [256, 32, 32], strides = [1, 1, 1]} : vector<256x32x128xf32> to vector<256x32x32xf32>
    %broadcast_in_dim3A_76 = vector.shape_cast %div3A_74 : vector<256x32xf32> to vector<256x32x1xf32>
    %mul3A_77 = vector.broadcast %broadcast_in_dim3A_76 : vector<256x32x1xf32> to vector<256x32x32xf32>
    %mul3A_78 = arith.mulf %slice3A_75, %mul3A_77 : vector<256x32x32xf32>
    %reduce_sum3A_79 = arith.constant dense<0.000000e+00> : vector<256x32xf32>
    %reduce_sum3A_80 = vector.multi_reduction <add>, %mul3A_78, %reduce_sum3A_79 [1] : vector<256x32x32xf32> to vector<256x32xf32>
    %slice3A_81 = vector.extract_strided_slice %get3A_37 {offsets = [0, 0], sizes = [1, 32], strides = [1, 1]} : vector<1x128xf32> to vector<1x32xf32>
    %add3A_82 = vector.broadcast %slice3A_81 : vector<1x32xf32> to vector<256x32xf32>
    %add3A_83 = arith.addf %reduce_sum3A_80, %add3A_82 : vector<256x32xf32>
    %slice3A_84 = vector.extract_strided_slice %add3A_39 {offsets = [0, 32], sizes = [256, 32], strides = [1, 1]} : vector<256x128xf32> to vector<256x32xf32>
    %slice3A_85 = vector.extract_strided_slice %get3A_28 {offsets = [0, 32], sizes = [1, 32], strides = [1, 1]} : vector<1x128xf32> to vector<1x32xf32>
    %mul3A_86 = vector.broadcast %slice3A_85 : vector<1x32xf32> to vector<256x32xf32>
    %mul3A_87 = arith.mulf %slice3A_84, %mul3A_86 : vector<256x32xf32>
    %reduce_sum3A_88 = arith.constant dense<0.000000e+00> : vector<256xf32>
    %reduce_sum3A_89 = vector.multi_reduction <add>, %mul3A_87, %reduce_sum3A_88 [1] : vector<256x32xf32> to vector<256xf32>
    %broadcast_in_dim3A_90 = vector.shape_cast %reduce_sum3A_89 : vector<256xf32> to vector<256x1xf32>
    %slice3A_91 = vector.extract_strided_slice %reshape3A {offsets = [0, 0, 32], sizes = [256, 32, 32], strides = [1, 1, 1]} : vector<256x32x128xf32> to vector<256x32x32xf32>
    %broadcast_in_dim3A_92 = vector.shape_cast %slice3A_84 : vector<256x32xf32> to vector<256x1x32xf32>
    %mul3A_93 = vector.broadcast %broadcast_in_dim3A_92 : vector<256x1x32xf32> to vector<256x32x32xf32>
    %mul3A_94 = arith.mulf %slice3A_91, %mul3A_93 : vector<256x32x32xf32>
    %reduce_sum3A_95 = arith.constant dense<0.000000e+00> : vector<256x32xf32>
    %reduce_sum3A_96 = vector.multi_reduction <add>, %mul3A_94, %reduce_sum3A_95 [2] : vector<256x32x32xf32> to vector<256x32xf32>
    %add3A_97 = vector.broadcast %broadcast_in_dim3A_90 : vector<256x1xf32> to vector<256x32xf32>
    %add3A_98 = arith.addf %reduce_sum3A_96, %add3A_97 : vector<256x32xf32>
    %mul3A_99 = arith.constant 0.176776692 : f32
    %mul3A_100 = vector.broadcast %mul3A_99 : f32 to vector<256x32xf32>
    %mul3A_101 = arith.mulf %add3A_98, %mul3A_100 : vector<256x32xf32>
    %jit3A_102 = arith.constant -1.000000e+09 : f32
    %broadcast_in_dim3A_103 = vector.broadcast %jit3A_102 : f32 to vector<256x32xf32>
    %select_n3A_104 = arith.select %lt3A_52, %mul3A_101, %broadcast_in_dim3A_103 : vector<256x32xi1>, vector<256x32xf32>
    %reduce_max3A_105 = arith.constant dense<0xFF800000> : vector<256xf32>
    %reduce_max3A_106 = vector.multi_reduction <maximumf>, %select_n3A_104, %reduce_max3A_105 [1] : vector<256x32xf32> to vector<256xf32>
    %broadcast_in_dim3A_107 = vector.shape_cast %reduce_max3A_106 : vector<256xf32> to vector<256x1xf32>
    %sub3A_108 = vector.broadcast %broadcast_in_dim3A_107 : vector<256x1xf32> to vector<256x32xf32>
    %sub3A_109 = arith.subf %select_n3A_104, %sub3A_108 : vector<256x32xf32>
    %exp3A_110 = math.exp %sub3A_109 : vector<256x32xf32>
    %reduce_sum3A_111 = arith.constant dense<0.000000e+00> : vector<256xf32>
    %reduce_sum3A_112 = vector.multi_reduction <add>, %exp3A_110, %reduce_sum3A_111 [1] : vector<256x32xf32> to vector<256xf32>
    %broadcast_in_dim3A_113 = vector.shape_cast %reduce_sum3A_112 : vector<256xf32> to vector<256x1xf32>
    %div3A_114 = vector.broadcast %broadcast_in_dim3A_113 : vector<256x1xf32> to vector<256x32xf32>
    %div3A_115 = arith.divf %exp3A_110, %div3A_114 : vector<256x32xf32>
    %slice3A_116 = vector.extract_strided_slice %reshape3A_50 {offsets = [0, 0, 32], sizes = [256, 32, 32], strides = [1, 1, 1]} : vector<256x32x128xf32> to vector<256x32x32xf32>
    %broadcast_in_dim3A_117 = vector.shape_cast %div3A_115 : vector<256x32xf32> to vector<256x32x1xf32>
    %mul3A_118 = vector.broadcast %broadcast_in_dim3A_117 : vector<256x32x1xf32> to vector<256x32x32xf32>
    %mul3A_119 = arith.mulf %slice3A_116, %mul3A_118 : vector<256x32x32xf32>
    %reduce_sum3A_120 = arith.constant dense<0.000000e+00> : vector<256x32xf32>
    %reduce_sum3A_121 = vector.multi_reduction <add>, %mul3A_119, %reduce_sum3A_120 [1] : vector<256x32x32xf32> to vector<256x32xf32>
    %slice3A_122 = vector.extract_strided_slice %get3A_37 {offsets = [0, 32], sizes = [1, 32], strides = [1, 1]} : vector<1x128xf32> to vector<1x32xf32>
    %add3A_123 = vector.broadcast %slice3A_122 : vector<1x32xf32> to vector<256x32xf32>
    %add3A_124 = arith.addf %reduce_sum3A_121, %add3A_123 : vector<256x32xf32>
    %slice3A_125 = vector.extract_strided_slice %add3A_39 {offsets = [0, 64], sizes = [256, 32], strides = [1, 1]} : vector<256x128xf32> to vector<256x32xf32>
    %slice3A_126 = vector.extract_strided_slice %get3A_28 {offsets = [0, 64], sizes = [1, 32], strides = [1, 1]} : vector<1x128xf32> to vector<1x32xf32>
    %mul3A_127 = vector.broadcast %slice3A_126 : vector<1x32xf32> to vector<256x32xf32>
    %mul3A_128 = arith.mulf %slice3A_125, %mul3A_127 : vector<256x32xf32>
    %reduce_sum3A_129 = arith.constant dense<0.000000e+00> : vector<256xf32>
    %reduce_sum3A_130 = vector.multi_reduction <add>, %mul3A_128, %reduce_sum3A_129 [1] : vector<256x32xf32> to vector<256xf32>
    %broadcast_in_dim3A_131 = vector.shape_cast %reduce_sum3A_130 : vector<256xf32> to vector<256x1xf32>
    %slice3A_132 = vector.extract_strided_slice %reshape3A {offsets = [0, 0, 64], sizes = [256, 32, 32], strides = [1, 1, 1]} : vector<256x32x128xf32> to vector<256x32x32xf32>
    %broadcast_in_dim3A_133 = vector.shape_cast %slice3A_125 : vector<256x32xf32> to vector<256x1x32xf32>
    %mul3A_134 = vector.broadcast %broadcast_in_dim3A_133 : vector<256x1x32xf32> to vector<256x32x32xf32>
    %mul3A_135 = arith.mulf %slice3A_132, %mul3A_134 : vector<256x32x32xf32>
    %reduce_sum3A_136 = arith.constant dense<0.000000e+00> : vector<256x32xf32>
    %reduce_sum3A_137 = vector.multi_reduction <add>, %mul3A_135, %reduce_sum3A_136 [2] : vector<256x32x32xf32> to vector<256x32xf32>
    %add3A_138 = vector.broadcast %broadcast_in_dim3A_131 : vector<256x1xf32> to vector<256x32xf32>
    %add3A_139 = arith.addf %reduce_sum3A_137, %add3A_138 : vector<256x32xf32>
    %mul3A_140 = arith.constant 0.176776692 : f32
    %mul3A_141 = vector.broadcast %mul3A_140 : f32 to vector<256x32xf32>
    %mul3A_142 = arith.mulf %add3A_139, %mul3A_141 : vector<256x32xf32>
    %jit3A_143 = arith.constant -1.000000e+09 : f32
    %broadcast_in_dim3A_144 = vector.broadcast %jit3A_143 : f32 to vector<256x32xf32>
    %select_n3A_145 = arith.select %lt3A_52, %mul3A_142, %broadcast_in_dim3A_144 : vector<256x32xi1>, vector<256x32xf32>
    %reduce_max3A_146 = arith.constant dense<0xFF800000> : vector<256xf32>
    %reduce_max3A_147 = vector.multi_reduction <maximumf>, %select_n3A_145, %reduce_max3A_146 [1] : vector<256x32xf32> to vector<256xf32>
    %broadcast_in_dim3A_148 = vector.shape_cast %reduce_max3A_147 : vector<256xf32> to vector<256x1xf32>
    %sub3A_149 = vector.broadcast %broadcast_in_dim3A_148 : vector<256x1xf32> to vector<256x32xf32>
    %sub3A_150 = arith.subf %select_n3A_145, %sub3A_149 : vector<256x32xf32>
    %exp3A_151 = math.exp %sub3A_150 : vector<256x32xf32>
    %reduce_sum3A_152 = arith.constant dense<0.000000e+00> : vector<256xf32>
    %reduce_sum3A_153 = vector.multi_reduction <add>, %exp3A_151, %reduce_sum3A_152 [1] : vector<256x32xf32> to vector<256xf32>
    %broadcast_in_dim3A_154 = vector.shape_cast %reduce_sum3A_153 : vector<256xf32> to vector<256x1xf32>
    %div3A_155 = vector.broadcast %broadcast_in_dim3A_154 : vector<256x1xf32> to vector<256x32xf32>
    %div3A_156 = arith.divf %exp3A_151, %div3A_155 : vector<256x32xf32>
    %slice3A_157 = vector.extract_strided_slice %reshape3A_50 {offsets = [0, 0, 64], sizes = [256, 32, 32], strides = [1, 1, 1]} : vector<256x32x128xf32> to vector<256x32x32xf32>
    %broadcast_in_dim3A_158 = vector.shape_cast %div3A_156 : vector<256x32xf32> to vector<256x32x1xf32>
    %mul3A_159 = vector.broadcast %broadcast_in_dim3A_158 : vector<256x32x1xf32> to vector<256x32x32xf32>
    %mul3A_160 = arith.mulf %slice3A_157, %mul3A_159 : vector<256x32x32xf32>
    %reduce_sum3A_161 = arith.constant dense<0.000000e+00> : vector<256x32xf32>
    %reduce_sum3A_162 = vector.multi_reduction <add>, %mul3A_160, %reduce_sum3A_161 [1] : vector<256x32x32xf32> to vector<256x32xf32>
    %slice3A_163 = vector.extract_strided_slice %get3A_37 {offsets = [0, 64], sizes = [1, 32], strides = [1, 1]} : vector<1x128xf32> to vector<1x32xf32>
    %add3A_164 = vector.broadcast %slice3A_163 : vector<1x32xf32> to vector<256x32xf32>
    %add3A_165 = arith.addf %reduce_sum3A_162, %add3A_164 : vector<256x32xf32>
    %slice3A_166 = vector.extract_strided_slice %add3A_39 {offsets = [0, 96], sizes = [256, 32], strides = [1, 1]} : vector<256x128xf32> to vector<256x32xf32>
    %slice3A_167 = vector.extract_strided_slice %get3A_28 {offsets = [0, 96], sizes = [1, 32], strides = [1, 1]} : vector<1x128xf32> to vector<1x32xf32>
    %mul3A_168 = vector.broadcast %slice3A_167 : vector<1x32xf32> to vector<256x32xf32>
    %mul3A_169 = arith.mulf %slice3A_166, %mul3A_168 : vector<256x32xf32>
    %reduce_sum3A_170 = arith.constant dense<0.000000e+00> : vector<256xf32>
    %reduce_sum3A_171 = vector.multi_reduction <add>, %mul3A_169, %reduce_sum3A_170 [1] : vector<256x32xf32> to vector<256xf32>
    %broadcast_in_dim3A_172 = vector.shape_cast %reduce_sum3A_171 : vector<256xf32> to vector<256x1xf32>
    %slice3A_173 = vector.extract_strided_slice %reshape3A {offsets = [0, 0, 96], sizes = [256, 32, 32], strides = [1, 1, 1]} : vector<256x32x128xf32> to vector<256x32x32xf32>
    %broadcast_in_dim3A_174 = vector.shape_cast %slice3A_166 : vector<256x32xf32> to vector<256x1x32xf32>
    %mul3A_175 = vector.broadcast %broadcast_in_dim3A_174 : vector<256x1x32xf32> to vector<256x32x32xf32>
    %mul3A_176 = arith.mulf %slice3A_173, %mul3A_175 : vector<256x32x32xf32>
    %reduce_sum3A_177 = arith.constant dense<0.000000e+00> : vector<256x32xf32>
    %reduce_sum3A_178 = vector.multi_reduction <add>, %mul3A_176, %reduce_sum3A_177 [2] : vector<256x32x32xf32> to vector<256x32xf32>
    %add3A_179 = vector.broadcast %broadcast_in_dim3A_172 : vector<256x1xf32> to vector<256x32xf32>
    %add3A_180 = arith.addf %reduce_sum3A_178, %add3A_179 : vector<256x32xf32>
    %mul3A_181 = arith.constant 0.176776692 : f32
    %mul3A_182 = vector.broadcast %mul3A_181 : f32 to vector<256x32xf32>
    %mul3A_183 = arith.mulf %add3A_180, %mul3A_182 : vector<256x32xf32>
    %jit3A_184 = arith.constant -1.000000e+09 : f32
    %broadcast_in_dim3A_185 = vector.broadcast %jit3A_184 : f32 to vector<256x32xf32>
    %select_n3A_186 = arith.select %lt3A_52, %mul3A_183, %broadcast_in_dim3A_185 : vector<256x32xi1>, vector<256x32xf32>
    %reduce_max3A_187 = arith.constant dense<0xFF800000> : vector<256xf32>
    %reduce_max3A_188 = vector.multi_reduction <maximumf>, %select_n3A_186, %reduce_max3A_187 [1] : vector<256x32xf32> to vector<256xf32>
    %broadcast_in_dim3A_189 = vector.shape_cast %reduce_max3A_188 : vector<256xf32> to vector<256x1xf32>
    %sub3A_190 = vector.broadcast %broadcast_in_dim3A_189 : vector<256x1xf32> to vector<256x32xf32>
    %sub3A_191 = arith.subf %select_n3A_186, %sub3A_190 : vector<256x32xf32>
    %exp3A_192 = math.exp %sub3A_191 : vector<256x32xf32>
    %reduce_sum3A_193 = arith.constant dense<0.000000e+00> : vector<256xf32>
    %reduce_sum3A_194 = vector.multi_reduction <add>, %exp3A_192, %reduce_sum3A_193 [1] : vector<256x32xf32> to vector<256xf32>
    %broadcast_in_dim3A_195 = vector.shape_cast %reduce_sum3A_194 : vector<256xf32> to vector<256x1xf32>
    %div3A_196 = vector.broadcast %broadcast_in_dim3A_195 : vector<256x1xf32> to vector<256x32xf32>
    %div3A_197 = arith.divf %exp3A_192, %div3A_196 : vector<256x32xf32>
    %slice3A_198 = vector.extract_strided_slice %reshape3A_50 {offsets = [0, 0, 96], sizes = [256, 32, 32], strides = [1, 1, 1]} : vector<256x32x128xf32> to vector<256x32x32xf32>
    %broadcast_in_dim3A_199 = vector.shape_cast %div3A_197 : vector<256x32xf32> to vector<256x32x1xf32>
    %mul3A_200 = vector.broadcast %broadcast_in_dim3A_199 : vector<256x32x1xf32> to vector<256x32x32xf32>
    %mul3A_201 = arith.mulf %slice3A_198, %mul3A_200 : vector<256x32x32xf32>
    %reduce_sum3A_202 = arith.constant dense<0.000000e+00> : vector<256x32xf32>
    %reduce_sum3A_203 = vector.multi_reduction <add>, %mul3A_201, %reduce_sum3A_202 [1] : vector<256x32x32xf32> to vector<256x32xf32>
    %slice3A_204 = vector.extract_strided_slice %get3A_37 {offsets = [0, 96], sizes = [1, 32], strides = [1, 1]} : vector<1x128xf32> to vector<1x32xf32>
    %add3A_205 = vector.broadcast %slice3A_204 : vector<1x32xf32> to vector<256x32xf32>
    %add3A_206 = arith.addf %reduce_sum3A_203, %add3A_205 : vector<256x32xf32>
    %concatenate3A = tpu.concatenate %add3A_83, %add3A_124, %add3A_165, %add3A_206 in 1 : vector<256x32xf32>, vector<256x32xf32>, vector<256x32xf32>, vector<256x32xf32> -> vector<256x128xf32>
    %get3A_207 = arith.constant 0 : index
    %get3A_208 = arith.constant 0 : index
    %get3A_209 = vector.load %arg13[%get3A_207, %get3A_208] : memref<128x128xf32, #tpu.memory_space<vmem>>, vector<128x128xf32>
    %dot_general3A_210 = arith.constant dense<0.000000e+00> : vector<256x128xf32>
    %dot_general3A_211 = tpu.matmul %concatenate3A, %get3A_209, %dot_general3A_210 {dimension_numbers = #tpu.dot_dimension_numbers<[1], [0], [0], [1], [0, 0, 1, 1], [], []>, transpose_lhs_hint = false} : vector<256x128xf32>, vector<128x128xf32>, vector<256x128xf32> -> vector<256x128xf32>
    %add3A_212 = arith.addf %get3A_3, %dot_general3A_211 : vector<256x128xf32>
    %get3A_213 = arith.constant 0 : index
    %get3A_214 = arith.constant 0 : index
    %get3A_215 = vector.load %arg14[%get3A_213, %get3A_214] : memref<1x128xf32, #tpu.memory_space<vmem>>, vector<1x128xf32>
    %add3A_216 = vector.broadcast %get3A_215 : vector<1x128xf32> to vector<256x128xf32>
    %add3A_217 = arith.addf %add3A_212, %add3A_216 : vector<256x128xf32>
    %get3A_218 = arith.constant 0 : index
    %get3A_219 = arith.constant 0 : index
    %get3A_220 = vector.load %arg15[%get3A_218, %get3A_219] : memref<1x128xf32, #tpu.memory_space<vmem>>, vector<1x128xf32>
    %get3A_221 = arith.constant 0 : index
    %get3A_222 = arith.constant 0 : index
    %get3A_223 = vector.load %arg16[%get3A_221, %get3A_222] : memref<1x128xf32, #tpu.memory_space<vmem>>, vector<1x128xf32>
    %reduce_sum3A_224 = arith.constant dense<0.000000e+00> : vector<256xf32>
    %reduce_sum3A_225 = vector.multi_reduction <add>, %add3A_217, %reduce_sum3A_224 [1] : vector<256x128xf32> to vector<256xf32>
    %broadcast_in_dim3A_226 = vector.shape_cast %reduce_sum3A_225 : vector<256xf32> to vector<256x1xf32>
    %div3A_227 = arith.constant 1.280000e+02 : f32
    %div3A_228 = vector.broadcast %div3A_227 : f32 to vector<256x1xf32>
    %div3A_229 = arith.divf %broadcast_in_dim3A_226, %div3A_228 : vector<256x1xf32>
    %sub3A_230 = vector.broadcast %div3A_229 : vector<256x1xf32> to vector<256x128xf32>
    %sub3A_231 = arith.subf %add3A_217, %sub3A_230 : vector<256x128xf32>
    %integer_pow3A = arith.mulf %sub3A_231, %sub3A_231 : vector<256x128xf32>
    %reduce_sum3A_232 = arith.constant dense<0.000000e+00> : vector<256xf32>
    %reduce_sum3A_233 = vector.multi_reduction <add>, %integer_pow3A, %reduce_sum3A_232 [1] : vector<256x128xf32> to vector<256xf32>
    %broadcast_in_dim3A_234 = vector.shape_cast %reduce_sum3A_233 : vector<256xf32> to vector<256x1xf32>
    %div3A_235 = arith.constant 1.280000e+02 : f32
    %div3A_236 = vector.broadcast %div3A_235 : f32 to vector<256x1xf32>
    %div3A_237 = arith.divf %broadcast_in_dim3A_234, %div3A_236 : vector<256x1xf32>
    %sub3A_238 = vector.broadcast %div3A_229 : vector<256x1xf32> to vector<256x128xf32>
    %sub3A_239 = arith.subf %add3A_217, %sub3A_238 : vector<256x128xf32>
    %add3A_240 = arith.constant 9.99999974E-6 : f32
    %add3A_241 = vector.broadcast %add3A_240 : f32 to vector<256x1xf32>
    %add3A_242 = arith.addf %div3A_237, %add3A_241 : vector<256x1xf32>
    %sqrt3A = math.sqrt %add3A_242 : vector<256x1xf32>
    %div3A_243 = vector.broadcast %sqrt3A : vector<256x1xf32> to vector<256x128xf32>
    %div3A_244 = arith.divf %sub3A_239, %div3A_243 : vector<256x128xf32>
    %mul3A_245 = vector.broadcast %get3A_220 : vector<1x128xf32> to vector<256x128xf32>
    %mul3A_246 = arith.mulf %div3A_244, %mul3A_245 : vector<256x128xf32>
    %add3A_247 = vector.broadcast %get3A_223 : vector<1x128xf32> to vector<256x128xf32>
    %add3A_248 = arith.addf %mul3A_246, %add3A_247 : vector<256x128xf32>
    %get3A_249 = arith.constant 0 : index
    %get3A_250 = arith.constant 0 : index
    %get3A_251 = vector.load %arg19[%get3A_249, %get3A_250] : memref<128x512xf32, #tpu.memory_space<vmem>>, vector<128x512xf32>
    %dot_general3A_252 = arith.constant dense<0.000000e+00> : vector<256x512xf32>
    %dot_general3A_253 = tpu.matmul %add3A_248, %get3A_251, %dot_general3A_252 {dimension_numbers = #tpu.dot_dimension_numbers<[1], [0], [0], [1], [0, 0, 1, 1], [], []>, transpose_lhs_hint = false} : vector<256x128xf32>, vector<128x512xf32>, vector<256x512xf32> -> vector<256x512xf32>
    %get3A_254 = arith.constant 0 : index
    %get3A_255 = arith.constant 0 : index
    %get3A_256 = vector.load %arg20[%get3A_254, %get3A_255] : memref<1x512xf32, #tpu.memory_space<vmem>>, vector<1x512xf32>
    %add3A_257 = vector.broadcast %get3A_256 : vector<1x512xf32> to vector<256x512xf32>
    %add3A_258 = arith.addf %dot_general3A_253, %add3A_257 : vector<256x512xf32>
    %max3A = arith.constant 0.000000e+00 : f32
    %max3A_259 = vector.broadcast %max3A : f32 to vector<256x512xf32>
    %max3A_260 = arith.maximumf %add3A_258, %max3A_259 : vector<256x512xf32>
    %get3A_261 = arith.constant 0 : index
    %get3A_262 = arith.constant 0 : index
    %get3A_263 = vector.load %arg21[%get3A_261, %get3A_262] : memref<512x128xf32, #tpu.memory_space<vmem>>, vector<512x128xf32>
    %dot_general3A_264 = arith.constant dense<0.000000e+00> : vector<256x128xf32>
    %dot_general3A_265 = tpu.matmul %max3A_260, %get3A_263, %dot_general3A_264 {dimension_numbers = #tpu.dot_dimension_numbers<[1], [0], [0], [1], [0, 0, 1, 1], [], []>, transpose_lhs_hint = false} : vector<256x512xf32>, vector<512x128xf32>, vector<256x128xf32> -> vector<256x128xf32>
    %get3A_266 = arith.constant 0 : index
    %get3A_267 = arith.constant 0 : index
    %get3A_268 = vector.load %arg22[%get3A_266, %get3A_267] : memref<1x128xf32, #tpu.memory_space<vmem>>, vector<1x128xf32>
    %add3A_269 = vector.broadcast %get3A_268 : vector<1x128xf32> to vector<256x128xf32>
    %add3A_270 = arith.addf %dot_general3A_265, %add3A_269 : vector<256x128xf32>
    %add3A_271 = arith.addf %add3A_248, %add3A_270 : vector<256x128xf32>
    %get3A_272 = arith.constant 0 : index
    %get3A_273 = arith.constant 0 : index
    %get3A_274 = vector.load %arg17[%get3A_272, %get3A_273] : memref<1x128xf32, #tpu.memory_space<vmem>>, vector<1x128xf32>
    %get3A_275 = arith.constant 0 : index
    %get3A_276 = arith.constant 0 : index
    %get3A_277 = vector.load %arg18[%get3A_275, %get3A_276] : memref<1x128xf32, #tpu.memory_space<vmem>>, vector<1x128xf32>
    %reduce_sum3A_278 = arith.constant dense<0.000000e+00> : vector<256xf32>
    %reduce_sum3A_279 = vector.multi_reduction <add>, %add3A_271, %reduce_sum3A_278 [1] : vector<256x128xf32> to vector<256xf32>
    %broadcast_in_dim3A_280 = vector.shape_cast %reduce_sum3A_279 : vector<256xf32> to vector<256x1xf32>
    %div3A_281 = arith.constant 1.280000e+02 : f32
    %div3A_282 = vector.broadcast %div3A_281 : f32 to vector<256x1xf32>
    %div3A_283 = arith.divf %broadcast_in_dim3A_280, %div3A_282 : vector<256x1xf32>
    %sub3A_284 = vector.broadcast %div3A_283 : vector<256x1xf32> to vector<256x128xf32>
    %sub3A_285 = arith.subf %add3A_271, %sub3A_284 : vector<256x128xf32>
    %integer_pow3A_286 = arith.mulf %sub3A_285, %sub3A_285 : vector<256x128xf32>
    %reduce_sum3A_287 = arith.constant dense<0.000000e+00> : vector<256xf32>
    %reduce_sum3A_288 = vector.multi_reduction <add>, %integer_pow3A_286, %reduce_sum3A_287 [1] : vector<256x128xf32> to vector<256xf32>
    %broadcast_in_dim3A_289 = vector.shape_cast %reduce_sum3A_288 : vector<256xf32> to vector<256x1xf32>
    %div3A_290 = arith.constant 1.280000e+02 : f32
    %div3A_291 = vector.broadcast %div3A_290 : f32 to vector<256x1xf32>
    %div3A_292 = arith.divf %broadcast_in_dim3A_289, %div3A_291 : vector<256x1xf32>
    %sub3A_293 = vector.broadcast %div3A_283 : vector<256x1xf32> to vector<256x128xf32>
    %sub3A_294 = arith.subf %add3A_271, %sub3A_293 : vector<256x128xf32>
    %add3A_295 = arith.constant 9.99999974E-6 : f32
    %add3A_296 = vector.broadcast %add3A_295 : f32 to vector<256x1xf32>
    %add3A_297 = arith.addf %div3A_292, %add3A_296 : vector<256x1xf32>
    %sqrt3A_298 = math.sqrt %add3A_297 : vector<256x1xf32>
    %div3A_299 = vector.broadcast %sqrt3A_298 : vector<256x1xf32> to vector<256x128xf32>
    %div3A_300 = arith.divf %sub3A_294, %div3A_299 : vector<256x128xf32>
    %mul3A_301 = vector.broadcast %get3A_274 : vector<1x128xf32> to vector<256x128xf32>
    %mul3A_302 = arith.mulf %div3A_300, %mul3A_301 : vector<256x128xf32>
    %add3A_303 = vector.broadcast %get3A_277 : vector<1x128xf32> to vector<256x128xf32>
    %add3A_304 = arith.addf %mul3A_302, %add3A_303 : vector<256x128xf32>
    %swap3A = arith.constant 0 : index
    %swap3A_305 = arith.constant 0 : index
    %swap3A_306 = arith.constant 0 : index
    %swap3A_307 = vector.load %arg23[%swap3A, %swap3A_305, %swap3A_306] : memref<1x256x128xf32, #tpu.memory_space<vmem>>, vector<1x256x128xf32>
    %swap3A_308 = vector.shape_cast %swap3A_307 : vector<1x256x128xf32> to vector<256x128xf32>
    %swap3A_309 = vector.shape_cast %add3A_304 : vector<256x128xf32> to vector<1x256x128xf32>
    tpu.vector_store %arg23[%swap3A, %swap3A_305, %swap3A_306], %swap3A_309 {strides = array<i32>} : memref<1x256x128xf32, #tpu.memory_space<vmem>>, vector<1x256x128xf32>,
    return
  }
  func.func @transform_0(%arg0: i32, %arg1: i32) -> (i32, i32, i32) {
    %c0_i32 = arith.constant 0 : i32
    %c0_i32_0 = arith.constant 0 : i32
    return %arg0, %arg1, %c0_i32 : i32, i32, i32
  }
  func.func @transform_1(%arg0: i32, %arg1: i32) -> (i32, i32, i32) {
    %c0_i32 = arith.constant 0 : i32
    %c0_i32_0 = arith.constant 0 : i32
    return %arg0, %arg1, %c0_i32 : i32, i32, i32
  }
  func.func @transform_2(%arg0: i32, %arg1: i32) -> (i32, i32, i32) {
    %c0_i32 = arith.constant 0 : i32
    %c0_i32_0 = arith.constant 0 : i32
    return %arg0, %arg1, %c0_i32 : i32, i32, i32
  }
  func.func @transform_3(%arg0: i32, %arg1: i32) -> (i32, i32) {
    %c0_i32 = arith.constant 0 : i32
    %c0_i32_0 = arith.constant 0 : i32
    %c0_i32_1 = arith.constant 0 : i32
    return %c0_i32, %c0_i32_0 : i32, i32
  }
  func.func @transform_4(%arg0: i32, %arg1: i32) -> (i32, i32) {
    %c0_i32 = arith.constant 0 : i32
    %c0_i32_0 = arith.constant 0 : i32
    %c0_i32_1 = arith.constant 0 : i32
    return %c0_i32, %c0_i32_0 : i32, i32
  }
  func.func @transform_5(%arg0: i32, %arg1: i32) -> (i32, i32) {
    %c0_i32 = arith.constant 0 : i32
    %c0_i32_0 = arith.constant 0 : i32
    %c0_i32_1 = arith.constant 0 : i32
    return %c0_i32, %c0_i32_0 : i32, i32
  }
  func.func @transform_6(%arg0: i32, %arg1: i32) -> (i32, i32) {
    %c0_i32 = arith.constant 0 : i32
    %c0_i32_0 = arith.constant 0 : i32
    %c0_i32_1 = arith.constant 0 : i32
    return %c0_i32, %c0_i32_0 : i32, i32
  }
  func.func @transform_7(%arg0: i32, %arg1: i32) -> (i32, i32) {
    %c0_i32 = arith.constant 0 : i32
    %c0_i32_0 = arith.constant 0 : i32
    %c0_i32_1 = arith.constant 0 : i32
    return %c0_i32, %c0_i32_0 : i32, i32
  }
  func.func @transform_8(%arg0: i32, %arg1: i32) -> (i32, i32) {
    %c0_i32 = arith.constant 0 : i32
    %c0_i32_0 = arith.constant 0 : i32
    %c0_i32_1 = arith.constant 0 : i32
    return %c0_i32, %c0_i32_0 : i32, i32
  }
  func.func @transform_9(%arg0: i32, %arg1: i32) -> (i32, i32) {
    %c0_i32 = arith.constant 0 : i32
    %c0_i32_0 = arith.constant 0 : i32
    %c0_i32_1 = arith.constant 0 : i32
    return %c0_i32, %c0_i32_0 : i32, i32
  }
  func.func @transform_10(%arg0: i32, %arg1: i32) -> (i32, i32) {
    %c0_i32 = arith.constant 0 : i32
    %c0_i32_0 = arith.constant 0 : i32
    %c0_i32_1 = arith.constant 0 : i32
    return %c0_i32, %c0_i32_0 : i32, i32
  }
  func.func @transform_11(%arg0: i32, %arg1: i32) -> (i32, i32) {
    %c0_i32 = arith.constant 0 : i32
    %c0_i32_0 = arith.constant 0 : i32
    %c0_i32_1 = arith.constant 0 : i32
    return %c0_i32, %c0_i32_0 : i32, i32
  }
  func.func @transform_12(%arg0: i32, %arg1: i32) -> (i32, i32) {
    %c0_i32 = arith.constant 0 : i32
    %c0_i32_0 = arith.constant 0 : i32
    %c0_i32_1 = arith.constant 0 : i32
    return %c0_i32, %c0_i32_0 : i32, i32
  }
  func.func @transform_13(%arg0: i32, %arg1: i32) -> (i32, i32) {
    %c0_i32 = arith.constant 0 : i32
    %c0_i32_0 = arith.constant 0 : i32
    %c0_i32_1 = arith.constant 0 : i32
    return %c0_i32, %c0_i32_0 : i32, i32
  }
  func.func @transform_14(%arg0: i32, %arg1: i32) -> (i32, i32) {
    %c0_i32 = arith.constant 0 : i32
    %c0_i32_0 = arith.constant 0 : i32
    %c0_i32_1 = arith.constant 0 : i32
    return %c0_i32, %c0_i32_0 : i32, i32
  }
  func.func @transform_15(%arg0: i32, %arg1: i32) -> (i32, i32) {
    %c0_i32 = arith.constant 0 : i32
    %c0_i32_0 = arith.constant 0 : i32
    %c0_i32_1 = arith.constant 0 : i32
    return %c0_i32, %c0_i32_0 : i32, i32
  }
  func.func @transform_16(%arg0: i32, %arg1: i32) -> (i32, i32) {
    %c0_i32 = arith.constant 0 : i32
    %c0_i32_0 = arith.constant 0 : i32
    %c0_i32_1 = arith.constant 0 : i32
    return %c0_i32, %c0_i32_0 : i32, i32
  }
  func.func @transform_17(%arg0: i32, %arg1: i32) -> (i32, i32) {
    %c0_i32 = arith.constant 0 : i32
    %c0_i32_0 = arith.constant 0 : i32
    %c0_i32_1 = arith.constant 0 : i32
    return %c0_i32, %c0_i32_0 : i32, i32
  }
  func.func @transform_18(%arg0: i32, %arg1: i32) -> (i32, i32) {
    %c0_i32 = arith.constant 0 : i32
    %c0_i32_0 = arith.constant 0 : i32
    %c0_i32_1 = arith.constant 0 : i32
    return %c0_i32, %c0_i32_0 : i32, i32
  }
  func.func @transform_19(%arg0: i32, %arg1: i32) -> (i32, i32) {
    %c0_i32 = arith.constant 0 : i32
    %c0_i32_0 = arith.constant 0 : i32
    %c0_i32_1 = arith.constant 0 : i32
    return %c0_i32, %c0_i32_0 : i32, i32
  }
  func.func @transform_20(%arg0: i32, %arg1: i32) -> (i32, i32) {
    %c0_i32 = arith.constant 0 : i32
    %c0_i32_0 = arith.constant 0 : i32
    %c0_i32_1 = arith.constant 0 : i32
    return %c0_i32, %c0_i32_0 : i32, i32
  }
  func.func @transform_21(%arg0: i32, %arg1: i32) -> (i32, i32, i32) {
    %c0_i32 = arith.constant 0 : i32
    %c0_i32_0 = arith.constant 0 : i32
    return %arg0, %arg1, %c0_i32 : i32, i32, i32
  }
}

module attributes {stable_mosaic.version = 14 : i64} {
  func.func @_layer_body(%arg0: i32, %arg1: i32, %arg2: memref<1x256x128xf32, #tpu.memory_space<vmem>>, %arg3: memref<1x8192x128xf32, #tpu.memory_space<vmem>>, %arg4: memref<1x8192x128xf32, #tpu.memory_space<vmem>>, %arg5: memref<128x128xf32, #tpu.memory_space<vmem>>, %arg6: memref<1x128xf32, #tpu.memory_space<vmem>>, %arg7: memref<128x128xf32, #tpu.memory_space<vmem>>, %arg8: memref<128x128xf32, #tpu.memory_space<vmem>>, %arg9: memref<1x128xf32, #tpu.memory_space<vmem>>, %arg10: memref<128x128xf32, #tpu.memory_space<vmem>>, %arg11: memref<128x128xf32, #tpu.memory_space<vmem>>, %arg12: memref<1x128xf32, #tpu.memory_space<vmem>>, %arg13: memref<128x128xf32, #tpu.memory_space<vmem>>, %arg14: memref<1x128xf32, #tpu.memory_space<vmem>>, %arg15: memref<1x128xf32, #tpu.memory_space<vmem>>, %arg16: memref<1x128xf32, #tpu.memory_space<vmem>>, %arg17: memref<1x128xf32, #tpu.memory_space<vmem>>, %arg18: memref<1x128xf32, #tpu.memory_space<vmem>>, %arg19: memref<128x512xf32, #tpu.memory_space<vmem>>, %arg20: memref<1x512xf32, #tpu.memory_space<vmem>>, %arg21: memref<512x128xf32, #tpu.memory_space<vmem>>, %arg22: memref<1x128xf32, #tpu.memory_space<vmem>>, %arg23: memref<1x256x128xf32, #tpu.memory_space<vmem>>) attributes {dimension_semantics = [#tpu.dimension_semantics<arbitrary>, #tpu.dimension_semantics<arbitrary>], iteration_bounds = array<i64: 4, 4>, scalar_prefetch = 0 : i64, scratch_operands = 0 : i64, tpu.core_type = #tpu.core_type<tc>, window_params = [{transform_indices = @transform_0, window_bounds = array<i64: 1, 256, 128>}, {transform_indices = @transform_1, window_bounds = array<i64: 1, 8192, 128>}, {transform_indices = @transform_2, window_bounds = array<i64: 1, 8192, 128>}, {pipeline_mode = #tpu.pipeline_mode<synchronous>, transform_indices = @transform_3, window_bounds = array<i64: 128, 128>}, {pipeline_mode = #tpu.pipeline_mode<synchronous>, transform_indices = @transform_4, window_bounds = array<i64: 1, 128>}, {pipeline_mode = #tpu.pipeline_mode<synchronous>, transform_indices = @transform_5, window_bounds = array<i64: 128, 128>}, {pipeline_mode = #tpu.pipeline_mode<synchronous>, transform_indices = @transform_6, window_bounds = array<i64: 128, 128>}, {pipeline_mode = #tpu.pipeline_mode<synchronous>, transform_indices = @transform_7, window_bounds = array<i64: 1, 128>}, {pipeline_mode = #tpu.pipeline_mode<synchronous>, transform_indices = @transform_8, window_bounds = array<i64: 128, 128>}, {pipeline_mode = #tpu.pipeline_mode<synchronous>, transform_indices = @transform_9, window_bounds = array<i64: 128, 128>}, {pipeline_mode = #tpu.pipeline_mode<synchronous>, transform_indices = @transform_10, window_bounds = array<i64: 1, 128>}, {pipeline_mode = #tpu.pipeline_mode<synchronous>, transform_indices = @transform_11, window_bounds = array<i64: 128, 128>}, {pipeline_mode = #tpu.pipeline_mode<synchronous>, transform_indices = @transform_12, window_bounds = array<i64: 1, 128>}, {pipeline_mode = #tpu.pipeline_mode<synchronous>, transform_indices = @transform_13, window_bounds = array<i64: 1, 128>}, {pipeline_mode = #tpu.pipeline_mode<synchronous>, transform_indices = @transform_14, window_bounds = array<i64: 1, 128>}, {pipeline_mode = #tpu.pipeline_mode<synchronous>, transform_indices = @transform_15, window_bounds = array<i64: 1, 128>}, {pipeline_mode = #tpu.pipeline_mode<synchronous>, transform_indices = @transform_16, window_bounds = array<i64: 1, 128>}, {pipeline_mode = #tpu.pipeline_mode<synchronous>, transform_indices = @transform_17, window_bounds = array<i64: 128, 512>}, {pipeline_mode = #tpu.pipeline_mode<synchronous>, transform_indices = @transform_18, window_bounds = array<i64: 1, 512>}, {pipeline_mode = #tpu.pipeline_mode<synchronous>, transform_indices = @transform_19, window_bounds = array<i64: 512, 128>}, {pipeline_mode = #tpu.pipeline_mode<synchronous>, transform_indices = @transform_20, window_bounds = array<i64: 1, 128>}, {transform_indices = @transform_21, window_bounds = array<i64: 1, 256, 128>}]} {
    %get3A = arith.constant 0 : index
    %get3A_0 = arith.constant 0 : index
    %get3A_1 = arith.constant 0 : index
    %get3A_2 = vector.load %arg2[%get3A, %get3A_0, %get3A_1] : memref<1x256x128xf32, #tpu.memory_space<vmem>>, vector<1x256x128xf32>
    %get3A_3 = vector.shape_cast %get3A_2 : vector<1x256x128xf32> to vector<256x128xf32>
    %get3A_4 = arith.constant 0 : index
    %get3A_5 = arith.constant 0 : index
    %get3A_6 = arith.constant 0 : index
    %get3A_7 = vector.load %arg3[%get3A_4, %get3A_5, %get3A_6] : memref<1x8192x128xf32, #tpu.memory_space<vmem>>, vector<1x8192x128xf32>
    %get3A_8 = vector.shape_cast %get3A_7 : vector<1x8192x128xf32> to vector<8192x128xf32>
    %get3A_9 = arith.constant 0 : index
    %get3A_10 = arith.constant 0 : index
    %get3A_11 = arith.constant 0 : index
    %get3A_12 = vector.load %arg4[%get3A_9, %get3A_10, %get3A_11] : memref<1x8192x128xf32, #tpu.memory_space<vmem>>, vector<1x8192x128xf32>
    %get3A_13 = vector.shape_cast %get3A_12 : vector<1x8192x128xf32> to vector<8192x128xf32>
    %get3A_14 = arith.constant 0 : index
    %get3A_15 = arith.constant 0 : index
    %get3A_16 = vector.load %arg5[%get3A_14, %get3A_15] : memref<128x128xf32, #tpu.memory_space<vmem>>, vector<128x128xf32>
    %get3A_17 = arith.constant 0 : index
    %get3A_18 = arith.constant 0 : index
    %get3A_19 = vector.load %arg6[%get3A_17, %get3A_18] : memref<1x128xf32, #tpu.memory_space<vmem>>, vector<1x128xf32>
    %get3A_20 = arith.constant 0 : index
    %get3A_21 = arith.constant 0 : index
    %get3A_22 = vector.load %arg7[%get3A_20, %get3A_21] : memref<128x128xf32, #tpu.memory_space<vmem>>, vector<128x128xf32>
    %get3A_23 = arith.constant 0 : index
    %get3A_24 = arith.constant 0 : index
    %get3A_25 = vector.load %arg8[%get3A_23, %get3A_24] : memref<128x128xf32, #tpu.memory_space<vmem>>, vector<128x128xf32>
    %get3A_26 = arith.constant 0 : index
    %get3A_27 = arith.constant 0 : index
    %get3A_28 = vector.load %arg9[%get3A_26, %get3A_27] : memref<1x128xf32, #tpu.memory_space<vmem>>, vector<1x128xf32>
    %get3A_29 = arith.constant 0 : index
    %get3A_30 = arith.constant 0 : index
    %get3A_31 = vector.load %arg10[%get3A_29, %get3A_30] : memref<128x128xf32, #tpu.memory_space<vmem>>, vector<128x128xf32>
    %get3A_32 = arith.constant 0 : index
    %get3A_33 = arith.constant 0 : index
    %get3A_34 = vector.load %arg11[%get3A_32, %get3A_33] : memref<128x128xf32, #tpu.memory_space<vmem>>, vector<128x128xf32>
    %get3A_35 = arith.constant 0 : index
    %get3A_36 = arith.constant 0 : index
    %get3A_37 = vector.load %arg12[%get3A_35, %get3A_36] : memref<1x128xf32, #tpu.memory_space<vmem>>, vector<1x128xf32>
    %dot_general3A = arith.constant dense<0.000000e+00> : vector<256x128xf32>
    %dot_general3A_38 = tpu.matmul %get3A_3, %get3A_16, %dot_general3A {dimension_numbers = #tpu.dot_dimension_numbers<[1], [0], [0], [1], [0, 0, 1, 1], [], []>, transpose_lhs_hint = false} : vector<256x128xf32>, vector<128x128xf32>, vector<256x128xf32> -> vector<256x128xf32>
    %add3A = vector.broadcast %get3A_19 : vector<1x128xf32> to vector<256x128xf32>
    %add3A_39 = arith.addf %dot_general3A_38, %add3A : vector<256x128xf32>
    %dot_general3A_40 = arith.constant dense<0.000000e+00> : vector<8192x128xf32>
    %dot_general3A_41 = tpu.matmul %get3A_13, %get3A_22, %dot_general3A_40 {dimension_numbers = #tpu.dot_dimension_numbers<[1], [0], [0], [1], [0, 0, 1, 1], [], []>, transpose_lhs_hint = false} : vector<8192x128xf32>, vector<128x128xf32>, vector<8192x128xf32> -> vector<8192x128xf32>
    %dot_general3A_42 = arith.constant dense<0.000000e+00> : vector<8192x128xf32>
    %dot_general3A_43 = tpu.matmul %get3A_8, %get3A_25, %dot_general3A_42 {dimension_numbers = #tpu.dot_dimension_numbers<[1], [0], [0], [1], [0, 0, 1, 1], [], []>, transpose_lhs_hint = false} : vector<8192x128xf32>, vector<128x128xf32>, vector<8192x128xf32> -> vector<8192x128xf32>
    %add3A_44 = arith.addf %dot_general3A_41, %dot_general3A_43 : vector<8192x128xf32>
    %reshape3A = vector.shape_cast %add3A_44 : vector<8192x128xf32> to vector<256x32x128xf32>
    %dot_general3A_45 = arith.constant dense<0.000000e+00> : vector<8192x128xf32>
    %dot_general3A_46 = tpu.matmul %get3A_13, %get3A_31, %dot_general3A_45 {dimension_numbers = #tpu.dot_dimension_numbers<[1], [0], [0], [1], [0, 0, 1, 1], [], []>, transpose_lhs_hint = false} : vector<8192x128xf32>, vector<128x128xf32>, vector<8192x128xf32> -> vector<8192x128xf32>
    %dot_general3A_47 = arith.constant dense<0.000000e+00> : vector<8192x128xf32>
    %dot_general3A_48 = tpu.matmul %get3A_8, %get3A_34, %dot_general3A_47 {dimension_numbers = #tpu.dot_dimension_numbers<[1], [0], [0], [1], [0, 0, 1, 1], [], []>, transpose_lhs_hint = false} : vector<8192x128xf32>, vector<128x128xf32>, vector<8192x128xf32> -> vector<8192x128xf32>
    %add3A_49 = arith.addf %dot_general3A_46, %dot_general3A_48 : vector<8192x128xf32>
    %reshape3A_50 = vector.shape_cast %add3A_49 : vector<8192x128xf32> to vector<256x32x128xf32>
    %iota3A = tpu.iota {dimensions = array<i32: 1>} : vector<256x32xi32>
    %lt3A = arith.constant 30 : i32
    %lt3A_51 = vector.broadcast %lt3A : i32 to vector<256x32xi32>
    %lt3A_52 = arith.cmpi slt, %iota3A, %lt3A_51 : vector<256x32xi32>
    %slice3A = vector.extract_strided_slice %add3A_39 {offsets = [0, 0], sizes = [256, 32], strides = [1, 1]} : vector<256x128xf32> to vector<256x32xf32>
    %slice3A_53 = vector.extract_strided_slice %get3A_28 {offsets = [0, 0], sizes = [1, 32], strides = [1, 1]} : vector<1x128xf32> to vector<1x32xf32>
    %mul3A = vector.broadcast %slice3A_53 : vector<1x32xf32> to vector<256x32xf32>
    %mul3A_54 = arith.mulf %slice3A, %mul3A : vector<256x32xf32>
    %reduce_sum3A = arith.constant dense<0.000000e+00> : vector<256xf32>
    %reduce_sum3A_55 = vector.multi_reduction <add>, %mul3A_54, %reduce_sum3A [1] : vector<256x32xf32> to vector<256xf32>
    %broadcast_in_dim3A = vector.shape_cast %reduce_sum3A_55 : vector<256xf32> to vector<256x1xf32>
    %slice3A_56 = vector.extract_strided_slice %reshape3A {offsets = [0, 0, 0], sizes = [256, 32, 32], strides = [1, 1, 1]} : vector<256x32x128xf32> to vector<256x32x32xf32>
    %broadcast_in_dim3A_57 = vector.shape_cast %slice3A : vector<256x32xf32> to vector<256x1x32xf32>
    %mul3A_58 = vector.broadcast %broadcast_in_dim3A_57 : vector<256x1x32xf32> to vector<256x32x32xf32>
    %mul3A_59 = arith.mulf %slice3A_56, %mul3A_58 : vector<256x32x32xf32>
    %reduce_sum3A_60 = arith.constant dense<0.000000e+00> : vector<256x32xf32>
    %reduce_sum3A_61 = vector.multi_reduction <add>, %mul3A_59, %reduce_sum3A_60 [2] : vector<256x32x32xf32> to vector<256x32xf32>
    %add3A_62 = vector.broadcast %broadcast_in_dim3A : vector<256x1xf32> to vector<256x32xf32>
    %add3A_63 = arith.addf %reduce_sum3A_61, %add3A_62 : vector<256x32xf32>
    %mul3A_64 = arith.constant 0.176776692 : f32
    %mul3A_65 = vector.broadcast %mul3A_64 : f32 to vector<256x32xf32>
    %mul3A_66 = arith.mulf %add3A_63, %mul3A_65 : vector<256x32xf32>
    %jit3A = arith.constant -1.000000e+09 : f32
    %broadcast_in_dim3A_67 = vector.broadcast %jit3A : f32 to vector<256x32xf32>
    %select_n3A = arith.select %lt3A_52, %mul3A_66, %broadcast_in_dim3A_67 : vector<256x32xi1>, vector<256x32xf32>
    %reduce_max3A = arith.constant dense<0xFF800000> : vector<256xf32>
    %reduce_max3A_68 = vector.multi_reduction <maximumf>, %select_n3A, %reduce_max3A [1] : vector<256x32xf32> to vector<256xf32>
    %broadcast_in_dim3A_69 = vector.shape_cast %reduce_max3A_68 : vector<256xf32> to vector<256x1xf32>
    %sub3A = vector.broadcast %broadcast_in_dim3A_69 : vector<256x1xf32> to vector<256x32xf32>
    %sub3A_70 = arith.subf %select_n3A, %sub3A : vector<256x32xf32>
    %exp3A = math.exp %sub3A_70 : vector<256x32xf32>
    %reduce_sum3A_71 = arith.constant dense<0.000000e+00> : vector<256xf32>
    %reduce_sum3A_72 = vector.multi_reduction <add>, %exp3A, %reduce_sum3A_71 [1] : vector<256x32xf32> to vector<256xf32>
    %broadcast_in_dim3A_73 = vector.shape_cast %reduce_sum3A_72 : vector<256xf32> to vector<256x1xf32>
    %div3A = vector.broadcast %broadcast_in_dim3A_73 : vector<256x1xf32> to vector<256x32xf32>
    %div3A_74 = arith.divf %exp3A, %div3A : vector<256x32xf32>
    %slice3A_75 = vector.extract_strided_slice %reshape3A_50 {offsets = [0, 0, 0], sizes = [256, 32, 32], strides = [1, 1, 1]} : vector<256x32x128xf32> to vector<256x32x32xf32>
    %broadcast_in_dim3A_76 = vector.shape_cast %div3A_74 : vector<256x32xf32> to vector<256x32x1xf32>
    %mul3A_77 = vector.broadcast %broadcast_in_dim3A_76 : vector<256x32x1xf32> to vector<256x32x32xf32>
    %mul3A_78 = arith.mulf %slice3A_75, %mul3A_77 : vector<256x32x32xf32>
    %reduce_sum3A_79 = arith.constant dense<0.000000e+00> : vector<256x32xf32>
    %reduce_sum3A_80 = vector.multi_reduction <add>, %mul3A_78, %reduce_sum3A_79 [1] : vector<256x32x32xf32> to vector<256x32xf32>
    %slice3A_81 = vector.extract_strided_slice %get3A_37 {offsets = [0, 0], sizes = [1, 32], strides = [1, 1]} : vector<1x128xf32> to vector<1x32xf32>
    %add3A_82 = vector.broadcast %slice3A_81 : vector<1x32xf32> to vector<256x32xf32>
    %add3A_83 = arith.addf %reduce_sum3A_80, %add3A_82 : vector<256x32xf32>
    %slice3A_84 = vector.extract_strided_slice %add3A_39 {offsets = [0, 32], sizes = [256, 32], strides = [1, 1]} : vector<256x128xf32> to vector<256x32xf32>
    %slice3A_85 = vector.extract_strided_slice %get3A_28 {offsets = [0, 32], sizes = [1, 32], strides = [1, 1]} : vector<1x128xf32> to vector<1x32xf32>
    %mul3A_86 = vector.broadcast %slice3A_85 : vector<1x32xf32> to vector<256x32xf32>
    %mul3A_87 = arith.mulf %slice3A_84, %mul3A_86 : vector<256x32xf32>
    %reduce_sum3A_88 = arith.constant dense<0.000000e+00> : vector<256xf32>
    %reduce_sum3A_89 = vector.multi_reduction <add>, %mul3A_87, %reduce_sum3A_88 [1] : vector<256x32xf32> to vector<256xf32>
    %broadcast_in_dim3A_90 = vector.shape_cast %reduce_sum3A_89 : vector<256xf32> to vector<256x1xf32>
    %slice3A_91 = vector.extract_strided_slice %reshape3A {offsets = [0, 0, 32], sizes = [256, 32, 32], strides = [1, 1, 1]} : vector<256x32x128xf32> to vector<256x32x32xf32>
    %broadcast_in_dim3A_92 = vector.shape_cast %slice3A_84 : vector<256x32xf32> to vector<256x1x32xf32>
    %mul3A_93 = vector.broadcast %broadcast_in_dim3A_92 : vector<256x1x32xf32> to vector<256x32x32xf32>
    %mul3A_94 = arith.mulf %slice3A_91, %mul3A_93 : vector<256x32x32xf32>
    %reduce_sum3A_95 = arith.constant dense<0.000000e+00> : vector<256x32xf32>
    %reduce_sum3A_96 = vector.multi_reduction <add>, %mul3A_94, %reduce_sum3A_95 [2] : vector<256x32x32xf32> to vector<256x32xf32>
    %add3A_97 = vector.broadcast %broadcast_in_dim3A_90 : vector<256x1xf32> to vector<256x32xf32>
    %add3A_98 = arith.addf %reduce_sum3A_96, %add3A_97 : vector<256x32xf32>
    %mul3A_99 = arith.constant 0.176776692 : f32
    %mul3A_100 = vector.broadcast %mul3A_99 : f32 to vector<256x32xf32>
    %mul3A_101 = arith.mulf %add3A_98, %mul3A_100 : vector<256x32xf32>
    %jit3A_102 = arith.constant -1.000000e+09 : f32
    %broadcast_in_dim3A_103 = vector.broadcast %jit3A_102 : f32 to vector<256x32xf32>
    %select_n3A_104 = arith.select %lt3A_52, %mul3A_101, %broadcast_in_dim3A_103 : vector<256x32xi1>, vector<256x32xf32>
    %reduce_max3A_105 = arith.constant dense<0xFF800000> : vector<256xf32>
    %reduce_max3A_106 = vector.multi_reduction <maximumf>, %select_n3A_104, %reduce_max3A_105 [1] : vector<256x32xf32> to vector<256xf32>
    %broadcast_in_dim3A_107 = vector.shape_cast %reduce_max3A_106 : vector<256xf32> to vector<256x1xf32>
    %sub3A_108 = vector.broadcast %broadcast_in_dim3A_107 : vector<256x1xf32> to vector<256x32xf32>
    %sub3A_109 = arith.subf %select_n3A_104, %sub3A_108 : vector<256x32xf32>
    %exp3A_110 = math.exp %sub3A_109 : vector<256x32xf32>
    %reduce_sum3A_111 = arith.constant dense<0.000000e+00> : vector<256xf32>
    %reduce_sum3A_112 = vector.multi_reduction <add>, %exp3A_110, %reduce_sum3A_111 [1] : vector<256x32xf32> to vector<256xf32>
    %broadcast_in_dim3A_113 = vector.shape_cast %reduce_sum3A_112 : vector<256xf32> to vector<256x1xf32>
    %div3A_114 = vector.broadcast %broadcast_in_dim3A_113 : vector<256x1xf32> to vector<256x32xf32>
    %div3A_115 = arith.divf %exp3A_110, %div3A_114 : vector<256x32xf32>
    %slice3A_116 = vector.extract_strided_slice %reshape3A_50 {offsets = [0, 0, 32], sizes = [256, 32, 32], strides = [1, 1, 1]} : vector<256x32x128xf32> to vector<256x32x32xf32>
    %broadcast_in_dim3A_117 = vector.shape_cast %div3A_115 : vector<256x32xf32> to vector<256x32x1xf32>
    %mul3A_118 = vector.broadcast %broadcast_in_dim3A_117 : vector<256x32x1xf32> to vector<256x32x32xf32>
    %mul3A_119 = arith.mulf %slice3A_116, %mul3A_118 : vector<256x32x32xf32>
    %reduce_sum3A_120 = arith.constant dense<0.000000e+00> : vector<256x32xf32>
    %reduce_sum3A_121 = vector.multi_reduction <add>, %mul3A_119, %reduce_sum3A_120 [1] : vector<256x32x32xf32> to vector<256x32xf32>
    %slice3A_122 = vector.extract_strided_slice %get3A_37 {offsets = [0, 32], sizes = [1, 32], strides = [1, 1]} : vector<1x128xf32> to vector<1x32xf32>
    %add3A_123 = vector.broadcast %slice3A_122 : vector<1x32xf32> to vector<256x32xf32>
    %add3A_124 = arith.addf %reduce_sum3A_121, %add3A_123 : vector<256x32xf32>
    %slice3A_125 = vector.extract_strided_slice %add3A_39 {offsets = [0, 64], sizes = [256, 32], strides = [1, 1]} : vector<256x128xf32> to vector<256x32xf32>
    %slice3A_126 = vector.extract_strided_slice %get3A_28 {offsets = [0, 64], sizes = [1, 32], strides = [1, 1]} : vector<1x128xf32> to vector<1x32xf32>
    %mul3A_127 = vector.broadcast %slice3A_126 : vector<1x32xf32> to vector<256x32xf32>
    %mul3A_128 = arith.mulf %slice3A_125, %mul3A_127 : vector<256x32xf32>
    %reduce_sum3A_129 = arith.constant dense<0.000000e+00> : vector<256xf32>
    %reduce_sum3A_130 = vector.multi_reduction <add>, %mul3A_128, %reduce_sum3A_129 [1] : vector<256x32xf32> to vector<256xf32>
    %broadcast_in_dim3A_131 = vector.shape_cast %reduce_sum3A_130 : vector<256xf32> to vector<256x1xf32>
    %slice3A_132 = vector.extract_strided_slice %reshape3A {offsets = [0, 0, 64], sizes = [256, 32, 32], strides = [1, 1, 1]} : vector<256x32x128xf32> to vector<256x32x32xf32>
    %broadcast_in_dim3A_133 = vector.shape_cast %slice3A_125 : vector<256x32xf32> to vector<256x1x32xf32>
    %mul3A_134 = vector.broadcast %broadcast_in_dim3A_133 : vector<256x1x32xf32> to vector<256x32x32xf32>
    %mul3A_135 = arith.mulf %slice3A_132, %mul3A_134 : vector<256x32x32xf32>
    %reduce_sum3A_136 = arith.constant dense<0.000000e+00> : vector<256x32xf32>
    %reduce_sum3A_137 = vector.multi_reduction <add>, %mul3A_135, %reduce_sum3A_136 [2] : vector<256x32x32xf32> to vector<256x32xf32>
    %add3A_138 = vector.broadcast %broadcast_in_dim3A_131 : vector<256x1xf32> to vector<256x32xf32>
    %add3A_139 = arith.addf %reduce_sum3A_137, %add3A_138 : vector<256x32xf32>
    %mul3A_140 = arith.constant 0.176776692 : f32
    %mul3A_141 = vector.broadcast %mul3A_140 : f32 to vector<256x32xf32>
    %mul3A_142 = arith.mulf %add3A_139, %mul3A_141 : vector<256x32xf32>
    %jit3A_143 = arith.constant -1.000000e+09 : f32
    %broadcast_in_dim3A_144 = vector.broadcast %jit3A_143 : f32 to vector<256x32xf32>
    %select_n3A_145 = arith.select %lt3A_52, %mul3A_142, %broadcast_in_dim3A_144 : vector<256x32xi1>, vector<256x32xf32>
    %reduce_max3A_146 = arith.constant dense<0xFF800000> : vector<256xf32>
    %reduce_max3A_147 = vector.multi_reduction <maximumf>, %select_n3A_145, %reduce_max3A_146 [1] : vector<256x32xf32> to vector<256xf32>
    %broadcast_in_dim3A_148 = vector.shape_cast %reduce_max3A_147 : vector<256xf32> to vector<256x1xf32>
    %sub3A_149 = vector.broadcast %broadcast_in_dim3A_148 : vector<256x1xf32> to vector<256x32xf32>
    %sub3A_150 = arith.subf %select_n3A_145, %sub3A_149 : vector<256x32xf32>
    %exp3A_151 = math.exp %sub3A_150 : vector<256x32xf32>
    %reduce_sum3A_152 = arith.constant dense<0.000000e+00> : vector<256xf32>
    %reduce_sum3A_153 = vector.multi_reduction <add>, %exp3A_151, %reduce_sum3A_152 [1] : vector<256x32xf32> to vector<256xf32>
    %broadcast_in_dim3A_154 = vector.shape_cast %reduce_sum3A_153 : vector<256xf32> to vector<256x1xf32>
    %div3A_155 = vector.broadcast %broadcast_in_dim3A_154 : vector<256x1xf32> to vector<256x32xf32>
    %div3A_156 = arith.divf %exp3A_151, %div3A_155 : vector<256x32xf32>
    %slice3A_157 = vector.extract_strided_slice %reshape3A_50 {offsets = [0, 0, 64], sizes = [256, 32, 32], strides = [1, 1, 1]} : vector<256x32x128xf32> to vector<256x32x32xf32>
    %broadcast_in_dim3A_158 = vector.shape_cast %div3A_156 : vector<256x32xf32> to vector<256x32x1xf32>
    %mul3A_159 = vector.broadcast %broadcast_in_dim3A_158 : vector<256x32x1xf32> to vector<256x32x32xf32>
    %mul3A_160 = arith.mulf %slice3A_157, %mul3A_159 : vector<256x32x32xf32>
    %reduce_sum3A_161 = arith.constant dense<0.000000e+00> : vector<256x32xf32>
    %reduce_sum3A_162 = vector.multi_reduction <add>, %mul3A_160, %reduce_sum3A_161 [1] : vector<256x32x32xf32> to vector<256x32xf32>
    %slice3A_163 = vector.extract_strided_slice %get3A_37 {offsets = [0, 64], sizes = [1, 32], strides = [1, 1]} : vector<1x128xf32> to vector<1x32xf32>
    %add3A_164 = vector.broadcast %slice3A_163 : vector<1x32xf32> to vector<256x32xf32>
    %add3A_165 = arith.addf %reduce_sum3A_162, %add3A_164 : vector<256x32xf32>
    %slice3A_166 = vector.extract_strided_slice %add3A_39 {offsets = [0, 96], sizes = [256, 32], strides = [1, 1]} : vector<256x128xf32> to vector<256x32xf32>
    %slice3A_167 = vector.extract_strided_slice %get3A_28 {offsets = [0, 96], sizes = [1, 32], strides = [1, 1]} : vector<1x128xf32> to vector<1x32xf32>
    %mul3A_168 = vector.broadcast %slice3A_167 : vector<1x32xf32> to vector<256x32xf32>
    %mul3A_169 = arith.mulf %slice3A_166, %mul3A_168 : vector<256x32xf32>
    %reduce_sum3A_170 = arith.constant dense<0.000000e+00> : vector<256xf32>
    %reduce_sum3A_171 = vector.multi_reduction <add>, %mul3A_169, %reduce_sum3A_170 [1] : vector<256x32xf32> to vector<256xf32>
    %broadcast_in_dim3A_172 = vector.shape_cast %reduce_sum3A_171 : vector<256xf32> to vector<256x1xf32>
    %slice3A_173 = vector.extract_strided_slice %reshape3A {offsets = [0, 0, 96], sizes = [256, 32, 32], strides = [1, 1, 1]} : vector<256x32x128xf32> to vector<256x32x32xf32>
    %broadcast_in_dim3A_174 = vector.shape_cast %slice3A_166 : vector<256x32xf32> to vector<256x1x32xf32>
    %mul3A_175 = vector.broadcast %broadcast_in_dim3A_174 : vector<256x1x32xf32> to vector<256x32x32xf32>
    %mul3A_176 = arith.mulf %slice3A_173, %mul3A_175 : vector<256x32x32xf32>
    %reduce_sum3A_177 = arith.constant dense<0.000000e+00> : vector<256x32xf32>
    %reduce_sum3A_178 = vector.multi_reduction <add>, %mul3A_176, %reduce_sum3A_177 [2] : vector<256x32x32xf32> to vector<256x32xf32>
    %add3A_179 = vector.broadcast %broadcast_in_dim3A_172 : vector<256x1xf32> to vector<256x32xf32>
    %add3A_180 = arith.addf %reduce_sum3A_178, %add3A_179 : vector<256x32xf32>
    %mul3A_181 = arith.constant 0.176776692 : f32
    %mul3A_182 = vector.broadcast %mul3A_181 : f32 to vector<256x32xf32>
    %mul3A_183 = arith.mulf %add3A_180, %mul3A_182 : vector<256x32xf32>
    %jit3A_184 = arith.constant -1.000000e+09 : f32
    %broadcast_in_dim3A_185 = vector.broadcast %jit3A_184 : f32 to vector<256x32xf32>
    %select_n3A_186 = arith.select %lt3A_52, %mul3A_183, %broadcast_in_dim3A_185 : vector<256x32xi1>, vector<256x32xf32>
    %reduce_max3A_187 = arith.constant dense<0xFF800000> : vector<256xf32>
    %reduce_max3A_188 = vector.multi_reduction <maximumf>, %select_n3A_186, %reduce_max3A_187 [1] : vector<256x32xf32> to vector<256xf32>
    %broadcast_in_dim3A_189 = vector.shape_cast %reduce_max3A_188 : vector<256xf32> to vector<256x1xf32>
    %sub3A_190 = vector.broadcast %broadcast_in_dim3A_189 : vector<256x1xf32> to vector<256x32xf32>
    %sub3A_191 = arith.subf %select_n3A_186, %sub3A_190 : vector<256x32xf32>
    %exp3A_192 = math.exp %sub3A_191 : vector<256x32xf32>
    %reduce_sum3A_193 = arith.constant dense<0.000000e+00> : vector<256xf32>
    %reduce_sum3A_194 = vector.multi_reduction <add>, %exp3A_192, %reduce_sum3A_193 [1] : vector<256x32xf32> to vector<256xf32>
    %broadcast_in_dim3A_195 = vector.shape_cast %reduce_sum3A_194 : vector<256xf32> to vector<256x1xf32>
    %div3A_196 = vector.broadcast %broadcast_in_dim3A_195 : vector<256x1xf32> to vector<256x32xf32>
    %div3A_197 = arith.divf %exp3A_192, %div3A_196 : vector<256x32xf32>
    %slice3A_198 = vector.extract_strided_slice %reshape3A_50 {offsets = [0, 0, 96], sizes = [256, 32, 32], strides = [1, 1, 1]} : vector<256x32x128xf32> to vector<256x32x32xf32>
    %broadcast_in_dim3A_199 = vector.shape_cast %div3A_197 : vector<256x32xf32> to vector<256x32x1xf32>
    %mul3A_200 = vector.broadcast %broadcast_in_dim3A_199 : vector<256x32x1xf32> to vector<256x32x32xf32>
    %mul3A_201 = arith.mulf %slice3A_198, %mul3A_200 : vector<256x32x32xf32>
    %reduce_sum3A_202 = arith.constant dense<0.000000e+00> : vector<256x32xf32>
    %reduce_sum3A_203 = vector.multi_reduction <add>, %mul3A_201, %reduce_sum3A_202 [1] : vector<256x32x32xf32> to vector<256x32xf32>
    %slice3A_204 = vector.extract_strided_slice %get3A_37 {offsets = [0, 96], sizes = [1, 32], strides = [1, 1]} : vector<1x128xf32> to vector<1x32xf32>
    %add3A_205 = vector.broadcast %slice3A_204 : vector<1x32xf32> to vector<256x32xf32>
    %add3A_206 = arith.addf %reduce_sum3A_203, %add3A_205 : vector<256x32xf32>
    %concatenate3A = tpu.concatenate %add3A_83, %add3A_124, %add3A_165, %add3A_206 in 1 : vector<256x32xf32>, vector<256x32xf32>, vector<256x32xf32>, vector<256x32xf32> -> vector<256x128xf32>
    %get3A_207 = arith.constant 0 : index
    %get3A_208 = arith.constant 0 : index
    %get3A_209 = vector.load %arg13[%get3A_207, %get3A_208] : memref<128x128xf32, #tpu.memory_space<vmem>>, vector<128x128xf32>
    %dot_general3A_210 = arith.constant dense<0.000000e+00> : vector<256x128xf32>
    %dot_general3A_211 = tpu.matmul %concatenate3A, %get3A_209, %dot_general3A_210 {dimension_numbers = #tpu.dot_dimension_numbers<[1], [0], [0], [1], [0, 0, 1, 1], [], []>, transpose_lhs_hint = false} : vector<256x128xf32>, vector<128x128xf32>, vector<256x128xf32> -> vector<256x128xf32>
    %add3A_212 = arith.addf %get3A_3, %dot_general3A_211 : vector<256x128xf32>
    %get3A_213 = arith.constant 0 : index
    %get3A_214 = arith.constant 0 : index
    %get3A_215 = vector.load %arg14[%get3A_213, %get3A_214] : memref<1x128xf32, #tpu.memory_space<vmem>>, vector<1x128xf32>
    %add3A_216 = vector.broadcast %get3A_215 : vector<1x128xf32> to vector<256x128xf32>
    %add3A_217 = arith.addf %add3A_212, %add3A_216 : vector<256x128xf32>
    %get3A_218 = arith.constant 0 : index
    %get3A_219 = arith.constant 0 : index
    %get3A_220 = vector.load %arg15[%get3A_218, %get3A_219] : memref<1x128xf32, #tpu.memory_space<vmem>>, vector<1x128xf32>
    %get3A_221 = arith.constant 0 : index
    %get3A_222 = arith.constant 0 : index
    %get3A_223 = vector.load %arg16[%get3A_221, %get3A_222] : memref<1x128xf32, #tpu.memory_space<vmem>>, vector<1x128xf32>
    %reduce_sum3A_224 = arith.constant dense<0.000000e+00> : vector<256xf32>
    %reduce_sum3A_225 = vector.multi_reduction <add>, %add3A_217, %reduce_sum3A_224 [1] : vector<256x128xf32> to vector<256xf32>
    %broadcast_in_dim3A_226 = vector.shape_cast %reduce_sum3A_225 : vector<256xf32> to vector<256x1xf32>
    %div3A_227 = arith.constant 1.280000e+02 : f32
    %div3A_228 = vector.broadcast %div3A_227 : f32 to vector<256x1xf32>
    %div3A_229 = arith.divf %broadcast_in_dim3A_226, %div3A_228 : vector<256x1xf32>
    %sub3A_230 = vector.broadcast %div3A_229 : vector<256x1xf32> to vector<256x128xf32>
    %sub3A_231 = arith.subf %add3A_217, %sub3A_230 : vector<256x128xf32>
    %integer_pow3A = arith.mulf %sub3A_231, %sub3A_231 : vector<256x128xf32>
    %reduce_sum3A_232 = arith.constant dense<0.000000e+00> : vector<256xf32>
    %reduce_sum3A_233 = vector.multi_reduction <add>, %integer_pow3A, %reduce_sum3A_232 [1] : vector<256x128xf32> to vector<256xf32>
    %broadcast_in_dim3A_234 = vector.shape_cast %reduce_sum3A_233 : vector<256xf32> to vector<256x1xf32>
    %div3A_235 = arith.constant 1.280000e+02 : f32
    %div3A_236 = vector.broadcast %div3A_235 : f32 to vector<256x1xf32>
    %div3A_237 = arith.divf %broadcast_in_dim3A_234, %div3A_236 : vector<256x1xf32>
    %sub3A_238 = vector.broadcast %div3A_229 : vector<256x1xf32> to vector<256x128xf32>
    %sub3A_239 = arith.subf %add3A_217, %sub3A_238 : vector<256x128xf32>
    %add3A_240 = arith.constant 9.99999974E-6 : f32
    %add3A_241 = vector.broadcast %add3A_240 : f32 to vector<256x1xf32>
    %add3A_242 = arith.addf %div3A_237, %add3A_241 : vector<256x1xf32>
    %sqrt3A = math.sqrt %add3A_242 : vector<256x1xf32>
    %div3A_243 = vector.broadcast %sqrt3A : vector<256x1xf32> to vector<256x128xf32>
    %div3A_244 = arith.divf %sub3A_239, %div3A_243 : vector<256x128xf32>
    %mul3A_245 = vector.broadcast %get3A_220 : vector<1x128xf32> to vector<256x128xf32>
    %mul3A_246 = arith.mulf %div3A_244, %mul3A_245 : vector<256x128xf32>
    %add3A_247 = vector.broadcast %get3A_223 : vector<1x128xf32> to vector<256x128xf32>
    %add3A_248 = arith.addf %mul3A_246, %add3A_247 : vector<256x128xf32>
    %get3A_249 = arith.constant 0 : index
    %get3A_250 = arith.constant 0 : index
    %get3A_251 = vector.load %arg19[%get3A_249, %get3A_250] : memref<128x512xf32, #tpu.memory_space<vmem>>, vector<128x512xf32>
    %dot_general3A_252 = arith.constant dense<0.000000e+00> : vector<256x512xf32>
    %dot_general3A_253 = tpu.matmul %add3A_248, %get3A_251, %dot_general3A_252 {dimension_numbers = #tpu.dot_dimension_numbers<[1], [0], [0], [1], [0, 0, 1, 1], [], []>, transpose_lhs_hint = false} : vector<256x128xf32>, vector<128x512xf32>, vector<256x512xf32> -> vector<256x512xf32>
    %get3A_254 = arith.constant 0 : index
    %get3A_255 = arith.constant 0 : index
    %get3A_256 = vector.load %arg20[%get3A_254, %get3A_255] : memref<1x512xf32, #tpu.memory_space<vmem>>, vector<1x512xf32>
    %add3A_257 = vector.broadcast %get3A_256 : vector<1x512xf32> to vector<256x512xf32>
    %add3A_258 = arith.addf %dot_general3A_253, %add3A_257 : vector<256x512xf32>
    %max3A = arith.constant 0.000000e+00 : f32
    %max3A_259 = vector.broadcast %max3A : f32 to vector<256x512xf32>
    %max3A_260 = arith.maximumf %add3A_258, %max3A_259 : vector<256x512xf32>
    %get3A_261 = arith.constant 0 : index
    %get3A_262 = arith.constant 0 : index
    %get3A_263 = vector.load %arg21[%get3A_261, %get3A_262] : memref<512x128xf32, #tpu.memory_space<vmem>>, vector<512x128xf32>
    %dot_general3A_264 = arith.constant dense<0.000000e+00> : vector<256x128xf32>
    %dot_general3A_265 = tpu.matmul %max3A_260, %get3A_263, %dot_general3A_264 {dimension_numbers = #tpu.dot_dimension_numbers<[1], [0], [0], [1], [0, 0, 1, 1], [], []>, transpose_lhs_hint = false} : vector<256x512xf32>, vector<512x128xf32>, vector<256x128xf32> -> vector<256x128xf32>
    %get3A_266 = arith.constant 0 : index
    %get3A_267 = arith.constant 0 : index
    %get3A_268 = vector.load %arg22[%get3A_266, %get3A_267] : memref<1x128xf32, #tpu.memory_space<vmem>>, vector<1x128xf32>
    %add3A_269 = vector.broadcast %get3A_268 : vector<1x128xf32> to vector<256x128xf32>
    %add3A_270 = arith.addf %dot_general3A_265, %add3A_269 : vector<256x128xf32>
    %add3A_271 = arith.addf %add3A_248, %add3A_270 : vector<256x128xf32>
    %get3A_272 = arith.constant 0 : index
    %get3A_273 = arith.constant 0 : index
    %get3A_274 = vector.load %arg17[%get3A_272, %get3A_273] : memref<1x128xf32, #tpu.memory_space<vmem>>, vector<1x128xf32>
    %get3A_275 = arith.constant 0 : index
    %get3A_276 = arith.constant 0 : index
    %get3A_277 = vector.load %arg18[%get3A_275, %get3A_276] : memref<1x128xf32, #tpu.memory_space<vmem>>, vector<1x128xf32>
    %reduce_sum3A_278 = arith.constant dense<0.000000e+00> : vector<256xf32>
    %reduce_sum3A_279 = vector.multi_reduction <add>, %add3A_271, %reduce_sum3A_278 [1] : vector<256x128xf32> to vector<256xf32>
    %broadcast_in_dim3A_280 = vector.shape_cast %reduce_sum3A_279 : vector<256xf32> to vector<256x1xf32>
    %div3A_281 = arith.constant 1.280000e+02 : f32
    %div3A_282 = vector.broadcast %div3A_281 : f32 to vector<256x1xf32>
    %div3A_283 = arith.divf %broadcast_in_dim3A_280, %div3A_282 : vector<256x1xf32>
    %sub3A_284 = vector.broadcast %div3A_283 : vector<256x1xf32> to vector<256x128xf32>
    %sub3A_285 = arith.subf %add3A_271, %sub3A_284 : vector<256x128xf32>
    %integer_pow3A_286 = arith.mulf %sub3A_285, %sub3A_285 : vector<256x128xf32>
    %reduce_sum3A_287 = arith.constant dense<0.000000e+00> : vector<256xf32>
    %reduce_sum3A_288 = vector.multi_reduction <add>, %integer_pow3A_286, %reduce_sum3A_287 [1] : vector<256x128xf32> to vector<256xf32>
    %broadcast_in_dim3A_289 = vector.shape_cast %reduce_sum3A_288 : vector<256xf32> to vector<256x1xf32>
    %div3A_290 = arith.constant 1.280000e+02 : f32
    %div3A_291 = vector.broadcast %div3A_290 : f32 to vector<256x1xf32>
    %div3A_292 = arith.divf %broadcast_in_dim3A_289, %div3A_291 : vector<256x1xf32>
    %sub3A_293 = vector.broadcast %div3A_283 : vector<256x1xf32> to vector<256x128xf32>
    %sub3A_294 = arith.subf %add3A_271, %sub3A_293 : vector<256x128xf32>
    %add3A_295 = arith.constant 9.99999974E-6 : f32
    %add3A_296 = vector.broadcast %add3A_295 : f32 to vector<256x1xf32>
    %add3A_297 = arith.addf %div3A_292, %add3A_296 : vector<256x1xf32>
    %sqrt3A_298 = math.sqrt %add3A_297 : vector<256x1xf32>
    %div3A_299 = vector.broadcast %sqrt3A_298 : vector<256x1xf32> to vector<256x128xf32>
    %div3A_300 = arith.divf %sub3A_294, %div3A_299 : vector<256x128xf32>
    %mul3A_301 = vector.broadcast %get3A_274 : vector<1x128xf32> to vector<256x128xf32>
    %mul3A_302 = arith.mulf %div3A_300, %mul3A_301 : vector<256x128xf32>
    %add3A_303 = vector.broadcast %get3A_277 : vector<1x128xf32> to vector<256x128xf32>
    %add3A_304 = arith.addf %mul3A_302, %add3A_303 : vector<256x128xf32>
    %swap3A = arith.constant 0 : index
    %swap3A_305 = arith.constant 0 : index
    %swap3A_306 = arith.constant 0 : index
    %swap3A_307 = vector.load %arg23[%swap3A, %swap3A_305, %swap3A_306] : memref<1x256x128xf32, #tpu.memory_space<vmem>>, vector<1x256x128xf32>
    %swap3A_308 = vector.shape_cast %swap3A_307 : vector<1x256x128xf32> to vector<256x128xf32>
    %swap3A_309 = vector.shape_cast %add3A_304 : vector<256x128xf32> to vector<1x256x128xf32>
    tpu.vector_store %arg23[%swap3A, %swap3A_305, %swap3A_306], %swap3A_309 {strides = array<i32>} : memref<1x256x128xf32, #tpu.memory_space<vmem>>, vector<1x256x128xf32>,
    return
  }
  func.func @transform_0(%arg0: i32, %arg1: i32) -> (i32, i32, i32) {
    %c0_i32 = arith.constant 0 : i32
    %c0_i32_0 = arith.constant 0 : i32
    return %arg0, %arg1, %c0_i32 : i32, i32, i32
  }
  func.func @transform_1(%arg0: i32, %arg1: i32) -> (i32, i32, i32) {
    %c0_i32 = arith.constant 0 : i32
    %c0_i32_0 = arith.constant 0 : i32
    return %arg0, %arg1, %c0_i32 : i32, i32, i32
  }
  func.func @transform_2(%arg0: i32, %arg1: i32) -> (i32, i32, i32) {
    %c0_i32 = arith.constant 0 : i32
    %c0_i32_0 = arith.constant 0 : i32
    return %arg0, %arg1, %c0_i32 : i32, i32, i32
  }
  func.func @transform_3(%arg0: i32, %arg1: i32) -> (i32, i32) {
    %c0_i32 = arith.constant 0 : i32
    %c0_i32_0 = arith.constant 0 : i32
    %c0_i32_1 = arith.constant 0 : i32
    return %c0_i32, %c0_i32_0 : i32, i32
  }
  func.func @transform_4(%arg0: i32, %arg1: i32) -> (i32, i32) {
    %c0_i32 = arith.constant 0 : i32
    %c0_i32_0 = arith.constant 0 : i32
    %c0_i32_1 = arith.constant 0 : i32
    return %c0_i32, %c0_i32_0 : i32, i32
  }
  func.func @transform_5(%arg0: i32, %arg1: i32) -> (i32, i32) {
    %c0_i32 = arith.constant 0 : i32
    %c0_i32_0 = arith.constant 0 : i32
    %c0_i32_1 = arith.constant 0 : i32
    return %c0_i32, %c0_i32_0 : i32, i32
  }
  func.func @transform_6(%arg0: i32, %arg1: i32) -> (i32, i32) {
    %c0_i32 = arith.constant 0 : i32
    %c0_i32_0 = arith.constant 0 : i32
    %c0_i32_1 = arith.constant 0 : i32
    return %c0_i32, %c0_i32_0 : i32, i32
  }
  func.func @transform_7(%arg0: i32, %arg1: i32) -> (i32, i32) {
    %c0_i32 = arith.constant 0 : i32
    %c0_i32_0 = arith.constant 0 : i32
    %c0_i32_1 = arith.constant 0 : i32
    return %c0_i32, %c0_i32_0 : i32, i32
  }
  func.func @transform_8(%arg0: i32, %arg1: i32) -> (i32, i32) {
    %c0_i32 = arith.constant 0 : i32
    %c0_i32_0 = arith.constant 0 : i32
    %c0_i32_1 = arith.constant 0 : i32
    return %c0_i32, %c0_i32_0 : i32, i32
  }
  func.func @transform_9(%arg0: i32, %arg1: i32) -> (i32, i32) {
    %c0_i32 = arith.constant 0 : i32
    %c0_i32_0 = arith.constant 0 : i32
    %c0_i32_1 = arith.constant 0 : i32
    return %c0_i32, %c0_i32_0 : i32, i32
  }
  func.func @transform_10(%arg0: i32, %arg1: i32) -> (i32, i32) {
    %c0_i32 = arith.constant 0 : i32
    %c0_i32_0 = arith.constant 0 : i32
    %c0_i32_1 = arith.constant 0 : i32
    return %c0_i32, %c0_i32_0 : i32, i32
  }
  func.func @transform_11(%arg0: i32, %arg1: i32) -> (i32, i32) {
    %c0_i32 = arith.constant 0 : i32
    %c0_i32_0 = arith.constant 0 : i32
    %c0_i32_1 = arith.constant 0 : i32
    return %c0_i32, %c0_i32_0 : i32, i32
  }
  func.func @transform_12(%arg0: i32, %arg1: i32) -> (i32, i32) {
    %c0_i32 = arith.constant 0 : i32
    %c0_i32_0 = arith.constant 0 : i32
    %c0_i32_1 = arith.constant 0 : i32
    return %c0_i32, %c0_i32_0 : i32, i32
  }
  func.func @transform_13(%arg0: i32, %arg1: i32) -> (i32, i32) {
    %c0_i32 = arith.constant 0 : i32
    %c0_i32_0 = arith.constant 0 : i32
    %c0_i32_1 = arith.constant 0 : i32
    return %c0_i32, %c0_i32_0 : i32, i32
  }
  func.func @transform_14(%arg0: i32, %arg1: i32) -> (i32, i32) {
    %c0_i32 = arith.constant 0 : i32
    %c0_i32_0 = arith.constant 0 : i32
    %c0_i32_1 = arith.constant 0 : i32
    return %c0_i32, %c0_i32_0 : i32, i32
  }
  func.func @transform_15(%arg0: i32, %arg1: i32) -> (i32, i32) {
    %c0_i32 = arith.constant 0 : i32
    %c0_i32_0 = arith.constant 0 : i32
    %c0_i32_1 = arith.constant 0 : i32
    return %c0_i32, %c0_i32_0 : i32, i32
  }
  func.func @transform_16(%arg0: i32, %arg1: i32) -> (i32, i32) {
    %c0_i32 = arith.constant 0 : i32
    %c0_i32_0 = arith.constant 0 : i32
    %c0_i32_1 = arith.constant 0 : i32
    return %c0_i32, %c0_i32_0 : i32, i32
  }
  func.func @transform_17(%arg0: i32, %arg1: i32) -> (i32, i32) {
    %c0_i32 = arith.constant 0 : i32
    %c0_i32_0 = arith.constant 0 : i32
    %c0_i32_1 = arith.constant 0 : i32
    return %c0_i32, %c0_i32_0 : i32, i32
  }
  func.func @transform_18(%arg0: i32, %arg1: i32) -> (i32, i32) {
    %c0_i32 = arith.constant 0 : i32
    %c0_i32_0 = arith.constant 0 : i32
    %c0_i32_1 = arith.constant 0 : i32
    return %c0_i32, %c0_i32_0 : i32, i32
  }
  func.func @transform_19(%arg0: i32, %arg1: i32) -> (i32, i32) {
    %c0_i32 = arith.constant 0 : i32
    %c0_i32_0 = arith.constant 0 : i32
    %c0_i32_1 = arith.constant 0 : i32
    return %c0_i32, %c0_i32_0 : i32, i32
  }
  func.func @transform_20(%arg0: i32, %arg1: i32) -> (i32, i32) {
    %c0_i32 = arith.constant 0 : i32
    %c0_i32_0 = arith.constant 0 : i32
    %c0_i32_1 = arith.constant 0 : i32
    return %c0_i32, %c0_i32_0 : i32, i32
  }
  func.func @transform_21(%arg0: i32, %arg1: i32) -> (i32, i32, i32) {
    %c0_i32 = arith.constant 0 : i32
    %c0_i32_0 = arith.constant 0 : i32
    return %arg0, %arg1, %c0_i32 : i32, i32, i32
  }
}

</mosaic_0001>

<sc_bundles>
// kernel: kernel.11.cloned.1.call-start
scs
__scs_entry_jumppad:
0x0: {  	(pc) =	sbr.rel $0x88, $3  }
0x1: {  	(tag) =	ssettag $0x0;
	lr =	simm.s32 $0x1  }
0x2: {  	[smem:$0x3F82] =	sst lr;
	_ =	strace $0xD0000000  }
0x3: {  	_ = 	snop  }
0x4: {  	_ = 	snop  }
0x5: {  	_ = 	snop  }
0x6: {  	_ = 	snop  }
0x7: {  	_ = 	snop  }
__scs_overlays_trampoline_lowered:
0x8: {  	[smem:$0x3F91] =	sst s0  }
0x9: {  	[smem:$0x3F92] =	sst s1  }
0xa: {  	[smem:$0x3F93] =	sst s2  }
0xb: {  	[smem:$0x3F94] =	sst s3  }
0xc: {  	[smem:$0x3F95] =	sst s4  }
0xd: {  	[smem:$0x3F96] =	sst s5  }
0xe: {  	[smem:$0x3F97] =	sst s6  }
0xf: {  	[smem:$0x3F98] =	sst s7  }
0x10: {  	[smem:$0x3F99] =	sst s8  }
0x11: {  	[smem:$0x3F9A] =	sst s9;
	s0 =	simm.s32 @!p0 $0x0  }
0x12: {  	s1 =	sld [smem:$0x3F80];
	s0 =	simm.s32 @p0 $0x1  }
0x13: {  	[smem:$0x3F9B] =	sst s0;
	s0 =	simm.s32 @!p1 $0x0  }
0x14: {  	s2 =	sld [smem:$0x3F7F];
	s0 =	simm.s32 @p1 $0x1  }
0x15: {  	[smem:$0x3F9C] =	sst s0;
	s0 =	simm.s32 @!p2 $0x0  }
0x16: {  	s3 =	sld [smem:$0x3FDB];
	s0 =	simm.s32 @p2 $0x1  }
0x17: {  	s4 =	simm.s32 $0x1BF5;
	[smem:$0x3F9E] =	sst s0  }
0x18: {  	s0 =	sld [smem:$0x3F81];
	_ =	swait.ge [sflag:s4], $0x0  }
0x19: {  	s7 =	sld [smem:$0x3F82]  }
0x1a: {  	s8 =	sadd.s32 $0xFFFFE003, lr  }
0x1b: {  	s9 =	sadd.s32 $0xFFFFFEF7, lr;
	s5 =	simm.s32 $0xFFFFFFFF;
	p2 =	slt.u32 s8, $0xFFFFF086  }
0x1c: {  	p1 =	slt.u32 s9, $0xF7A;
	s5 =	simm.s32 @!p2 $0x0  }
0x1d: {  	s5 =	simm.s32 @p1 $0x1;
	p0 =	seq.s32 s7, s2  }
0x1e: {  	s7 =	smul.u32 @!p0 $0xF7A, s2;
	p2 =	seq.s32 @!p0 s5, $0x0  }
0x1f: {  	s9 =	smul.u32 $0xF7A, s1;
	s8 =	simm.s32 @!p0 $0x1BF5;
	p2 =	por !p2, p0  }
0x20: {  	[sflag:s8] =	ssyncset.s32 @!p0 $0xFFFFF086;
	s6 =	sadd.s32 @!p0 s3, s7;
	s7 =	simm.s32 @!p0 $0x108  }
0x21: {  	s3 =	sadd.s32 s3, s9;
	s6 =	sadd.s32 @!p0 $0x88, s6;
	s7 =	simm.s32 @p2 $0x1082  }
0x22: {  	[simem:s7], [sflag:s8] =	dma.local @!p0 [hbm:s6], $0xF7A  }
0x23: {  	s9 =	sor.u32 $0xD0000000, s2;
	s6 =	simm.s32 $0x108;
	_ =	swait.ge @!p0 [sflag:s8], $0x0  }
0x24: {  	s3 =	sadd.s32 $0x88, s3;
	s6 =	simm.s32 @!p1 $0x1082;
	[sflag:s4] =	ssyncset.s32 $0xFFFFF086  }
0x25: {  	[simem:s6], [sflag:s4] =	dma.local [hbm:s3], $0xF7A  }
0x26: {  	[smem:$0x3F82] =	sst s1;
	(tag) =	ssettag s2;
	_ =	strace s9  }
0x27: {  	s1 =	sld [smem:$0x3F92]  }
0x28: {  	s2 =	sld [smem:$0x3F93]  }
0x29: {  	s4 =	sld [smem:$0x3F95]  }
0x2a: {  	p0 =	seq.s32 s5, $0x0;
	s5 =	sld [smem:$0x3F96]  }
0x2b: {  	s6 =	sld [smem:$0x3F97]  }
0x2c: {  	s7 =	sld [smem:$0x3F98]  }
0x2d: {  	s3 =	simm.s32 $0x108;
	s8 =	sld [smem:$0x3F99]  }
0x2e: {  	s3 =	simm.s32 @!p0 $0x1082;
	s9 =	sld [smem:$0x3F9A]  }
0x2f: {  	lr =	sadd.s32 s0, s3;
	s0 =	sld [smem:$0x3F91]  }
0x30: {  	s3 =	sld [smem:$0x3F94]  }
0x31: {  	[smem:$0x3F9D] =	sst s10  }
0x32: {  	s10 =	sld [smem:$0x3F9B];
	_ =	sdelay $0x3  }
0x33: {  	p0 =	seq.s32 s10, $0x1;
	s10 =	sld [smem:$0x3F9D];
	_ =	sdelay $0x3  }
0x34: {  	[smem:$0x3F9D] =	sst s10  }
0x35: {  	s10 =	sld [smem:$0x3F9C];
	_ =	sdelay $0x3  }
0x36: {  	p1 =	seq.s32 s10, $0x1;
	s10 =	sld [smem:$0x3F9D];
	_ =	sdelay $0x3  }
0x37: {  	[smem:$0x3F9D] =	sst s10  }
0x38: {  	s10 =	sld [smem:$0x3F9E]  }
0x39: {  	_ = 	snop;
	(pc) =	sbr.ind lr, $3  }
0x3a: {  	_ = 	snop  }
0x3b: {  	_ = 	snop  }
0x3c: {  	p2 =	seq.s32 s10, $0x1;
	s10 =	sld [smem:$0x3F9D]  }
0x3d: {  	_ =	shalt  }
0x3e: {  	_ =	shalt  }
0x3f: {  	_ =	shalt  }
0x40: {  	_ =	shalt  }
0x41: {  	_ =	shalt  }
0x42: {  	_ =	shalt  }
0x43: {  	_ =	shalt  }
0x44: {  	_ =	shalt  }
0x45: {  	_ =	shalt  }
0x46: {  	_ =	shalt  }
0x47: {  	_ =	shalt  }
0x48: {  	_ =	shalt  }
0x49: {  	_ =	shalt  }
0x4a: {  	_ =	shalt  }
0x4b: {  	_ =	shalt  }
0x4c: {  	_ =	shalt  }
0x4d: {  	_ =	shalt  }
0x4e: {  	_ =	shalt  }
0x4f: {  	_ =	shalt  }
0x50: {  	_ =	shalt  }
0x51: {  	_ =	shalt  }
0x52: {  	_ =	shalt  }
0x53: {  	_ =	shalt  }
0x54: {  	_ =	shalt  }
0x55: {  	_ =	shalt  }
0x56: {  	_ =	shalt  }
0x57: {  	_ =	shalt  }
0x58: {  	_ =	shalt  }
0x59: {  	_ =	shalt  }
0x5a: {  	_ =	shalt  }
0x5b: {  	_ =	shalt  }
0x5c: {  	_ =	shalt  }
0x5d: {  	_ =	shalt  }
0x5e: {  	_ =	shalt  }
0x5f: {  	_ =	shalt  }
0x60: {  	_ =	shalt  }
0x61: {  	_ =	shalt  }
0x62: {  	_ =	shalt  }
0x63: {  	_ =	shalt  }
0x64: {  	_ =	shalt  }
0x65: {  	_ =	shalt  }
0x66: {  	_ =	shalt  }
0x67: {  	_ =	shalt  }
0x68: {  	_ =	shalt  }
0x69: {  	_ =	shalt  }
0x6a: {  	_ =	shalt  }
0x6b: {  	_ =	shalt  }
0x6c: {  	_ =	shalt  }
0x6d: {  	_ =	shalt  }
0x6e: {  	_ =	shalt  }
0x6f: {  	_ =	shalt  }
0x70: {  	_ =	shalt  }
0x71: {  	_ =	shalt  }
0x72: {  	_ =	shalt  }
0x73: {  	_ =	shalt  }
0x74: {  	_ =	shalt  }
0x75: {  	_ =	shalt  }
0x76: {  	_ =	shalt  }
0x77: {  	_ =	shalt  }
0x78: {  	_ =	shalt  }
0x79: {  	_ =	shalt  }
0x7a: {  	_ =	shalt  }
0x7b: {  	_ =	shalt  }
0x7c: {  	_ =	shalt  }
0x7d: {  	_ =	shalt  }
0x7e: {  	_ =	shalt  }
0x7f: {  	_ =	shalt  }
0x80: {  	_ =	shalt  }
0x81: {  	_ =	shalt  }
0x82: {  	_ =	shalt  }
0x83: {  	_ =	shalt  }
0x84: {  	_ =	shalt  }
0x85: {  	_ =	shalt  }
0x86: {  	_ =	shalt  }
0x87: {  	_ =	shalt  }
.Lfunc_end0:
.L_simem_size_0:
called_computation_lowered:
.L_overlay_start_0:
0x88: {  	s2 =	sld [smem:$0x3FD9]  }
0x89: {  	s3 =	sld [smem:$0x3FFE];
	_ =	sdelay $0x1  }
0x8a: {  	s1 =	srdreg.scid  }
0x8b: {  	s0 =	sand.u32 $0x1, s1  }
0x8c: {  	s14 =	sshll.u32 s0, $0xA;
	s2 =	sadd.s32 s3, s2  }
0x8d: {  	s2 =	sadd.s32 s2, s14  }
0x8e: {  	[smem:$0x3FA9] =	sst s2  }
0x8f: {  	_ = 	snop  }
0x90: {  	s2 =	sld [smem:$0x3FD0];
	_ =	sdelay $0x2  }
0x91: {  	s15 =	simm.s32 $0xA;
	s4 =	simm.s32 $0x10  }
0x92: {  	[smem:s4], [sflag:s15] =	dma.local [hbm:s2], $0x1  }
0x93: {  	_ =	swait.eq [sflag:s15], $0x1  }
0x94: {  	[sflag:s15] =	ssyncset.done $0x0  }
0x95: {  	s16 =	sld [smem:$0x10];
	[sflag:s15] =	ssyncadd.s32 $0xFFFFFFFF  }
0x96: {  	s17 =	sld [smem:$0x11];
	(tm) =	ssettm $0x1  }
0x97: {  	s18 =	sld [smem:$0x3FFB];
	_ =	sdelay $0x3  }
0x98: {  	_ =	strace s18  }
0x99: {  	s4 =	sld [smem:$0x3FFC];
	_ =	sdelay $0x3  }
0x9a: {  	_ =	strace s4  }
0x9b: {  	s4 =	sld [smem:$0x3FFD];
	_ =	sdelay $0x3  }
0x9c: {  	_ =	strace s4  }
0x9d: {  	_ =	strace $0x8FFFFFFF  }
0x9e: {  	s19 =	sld [smem:$0x3FDB];
	_ =	sdelay $0x1  }
0x9f: {  	s5 =	simm.s32 $_scs_section_size  }
0xa0: {  	s6 =	simm.s32 $_size__tile_overlayer_lowered;
	s7 =	simm.s32 $_tile_overlayer_lowered  }
0xa1: {  	s22 =	simm.s32 $0x1BFF;
	s21 =	sshll.u32 s7, $0x1;
	s4 =	sadd.s32 s5, s19  }
0xa2: {  	s8 =	simm.s32 $0x0;
	s20 =	sshll.u32 s6, $0x1;
	s6 =	sadd.s32 s21, s4  }
0xa3: {  	[timem:s8], [sflag:s22] =	dma.local [hbm:s6], s20  }
0xa4: {  	_ =	swait.ge [sflag:s22], s20  }
0xa5: {  	s5 =	ssub.s32 $0x0, s20;
	[sflag:s22] =	ssyncset.done $0x0  }
0xa6: {  	[sflag:s22] =	ssyncadd.s32 s5;
	_ =	sdelay $0x1  }
0xa7: {  	s23 =	simm.s32 $0x1B8B  }
0xa8: {  	_ =	swait.ge [sflag:s23], $0x1  }
0xa9: {  	[sflag:s23] =	ssyncset.done $0x0  }
0xaa: {  	s25 =	simm.s32 $0x1B8E;
	s24 =	sld [smem:$0x3FFE];
	[sflag:s23] =	ssyncadd.s32 $0xFFFFFFFF  }
0xab: {  	s26 =	simm.s32 $execute0_lowered;
	[smem:$0x3FD2] =	sst s25  }
0xac: {  	s6 =	sshll.u32 s26, $0x1;
	_ =	strace $0x80000046;
	[dreg:$0x1] =	wrdreg $0xFFFFFFFF  }
0xad: {  	s28 =	simm.s32 $_size_execute0_lowered;
	s4 =	sadd.s32 s4, s6;
	[dreg:$0x0] =	wrdreg $0x0  }
0xae: {  	s6 =	sshll.u32 s28, $0x1;
	[dreg:$0x2] =	wrdreg s4  }
0xaf: {  	[dreg:$0x3] =	wrdreg s6  }
0xb0: {  	[dreg:$0x4] =	wrdreg $0xC0  }
0xb1: {  	_ =	task [dreg:s8], $0x5FFFF  }
0xb2: {  	[dreg:$0x1] =	wrdreg $0xFFFFFFFF  }
0xb3: {  	[dreg:$0x0] =	wrdreg $0x60  }
0xb4: {  	[dreg:$0x2] =	wrdreg s16  }
0xb5: {  	[dreg:$0x3] =	wrdreg s17  }
0xb6: {  	[dreg:$0x4] =	wrdreg s24  }
0xb7: {  	[dreg:$0x5] =	wrdreg $0x9  }
0xb8: {  	_ =	task.clear_ibuf [dreg:s8], $0x6FFFF;
	_ =	strace $0x90000046  }
0xb9: {  	s29 =	simm.s32 $0x9;
	_ =	strace $0x80000048  }
0xba: {  	_ =	swait.ge [sflag:s29], $0x1  }
0xbb: {  	[sflag:s29] =	ssyncadd.s32 $0xFFFFFFFF  }
0xbc: {  	_ =	strace $0x90000048  }
0xbd: {  	_ =	sfence  }
0xbe: {  	s30 =	sld [smem:$0x0];
	_ =	sdelay $0x2  }
0xbf: {  	s31 =	sshll.u32 s1, $0xD;
	s1 =	sshrl.u32 s1, $0x2  }
0xc0: {  	s3 =	sand.u32 $0x4000, s31;
	s1 =	sadd.s32 s1, s30  }
0xc1: {  	s0 =	sor.u32 s3, s0;
	s1 =	sshll.u32 s1, $0x11  }
0xc2: {  	s0 =	sor.u32 s1, s0  }
0xc3: {  	s0 =	sadd.s32 $0x8F2B, s0  }
0xc4: {  	[sflag:s0] =	ssyncadd.remote.s32 $0x1  }
0xc5: {  	_ =	sfence.sel $0xFFFF  }
0xc6: {  	[dreg:$0x0] =	wrdreg $0xFFFFFFFF;
	(pc) =	sbr.abs _section_cstart, $3  }
0xc7: {  	[dreg:$0x1] =	wrdreg $0xFFFFFFFF  }
0xc8: {  	_ =	task.clear_ibuf [dreg:s8], $0x2FFFF;
	_ =	strace $0x9FFFFFFF  }
0xc9: {  	(tm) =	ssettm $0x7FFFFFFF  }
tec
execute0_lowered:
.L_overlay_start_1:
0x0: {  	(tag) =	ssettag $0x1  }
0x1: {  	s1 =	rddreg [dreg:$0x0]  }
0x2: {  	s4 =	rddreg [dreg:$0x1]  }
0x3: {  	s5 =	rddreg [dreg:$0x2]  }
0x4: {  	s0 =	rddreg [dreg:$0x3];
	s3 =	simm.s32 $0x0;
	s6 =	srdreg.scid  }
0x5: {  	s2 =	stileid.u32;
	s11 =	simm.s32 $0x80;
	s12 =	simm.s32 $0x5000  }
0x6: {  	s13 =	simm.s32 $0x1;
	s14 =	simm.s32 $0x2;
	s15 =	simm.s32 $0xF80  }
0x7: {  	s16 =	simm.s32 $0x0;
	[smem:$0x7FF] =	sst s3;
	s8 =	sand.u32 $0x1, s6  }
0x8: {  	s26 =	sshll.u32 s2, $0xD;
	s9 =	sadd.s32 $0x9800, s5;
	s31 =	sshll.u32 s2, $0x11  }
0x9: {  	_ =	strace $0x80000047;
	s7 =	sshll.u32 s8, $0xC;
	s28 =	ssub.s32 $0x2, s8  }
0xa: {  	s8 =	sshll.u32 s8, $0x10;
	s6 =	sor.u32 s7, s26;
	s29 =	sshrl.u32 s28, $0x1  }
0xb: {  	s10 =	sshrl.u32 s6, $0x3;
	s6 =	sshll.u32 s6, $0x4;
	s5 =	ssub.s32 s28, s29  }
0xc: {  	s4 =	sadd.s32 s4, s10;
	s30 =	sadd.s32 s9, s6;
	s5 =	smax.u32 s5, $0x1  }
0xd: {  	s9 =	sadd.s32 s31, s9;
	s10 =	simm.s32 $0x1000;
	s6 =	sadd.s32 $0xF000, s30  }
0xe: {  	s7 =	sadd.s32 $0xF800, s30;
	s8 =	sadd.s32 s8, s9;
	s9 =	simm.s32 $0x3  }
.LBB2_1:
0xf: {  	[tilespmem:s3], [sflag:$0x3] =	stream.linear.gather [hbm4b:s4+s3], $0x1000, $0x38;
	[tilespmem:$0x9000] =	vst v63  }
0x10: {  	_ =	swait.ge [sflag:s9], $0x1000  }
0x11: {  	[sflag:s9] =	ssyncset.done $0x0  }
0x12: {  	[sflag:s9] =	ssyncadd.s32 $0xFFFFF000  }
0x13: {  	[tilespmem:s10], [sflag:$0x1] =	stream.indirect.gather [hbm4b:s1+s11], $0x80, s3, s11, $0xb8;
	[tilespmem:$0x9000] =	vst v63  }
0x14: {  	_ = 	snop  }
0x15: {  	[tilespmem:s12], [sflag:$0x2] =	stream.indirect.gather [hbm4b:s1+s11], $0x80, s11, s11, $0xb8;
	[tilespmem:$0x9000] =	vst v63  }
0x16: {  	_ =	swait.ge [sflag:s13], $0x4000  }
0x17: {  	[sflag:s13] =	ssyncset.done $0x0  }
0x18: {  	s17 =	sadd.s32 $0x0, s8;
	[sflag:s13] =	ssyncadd.s32 $0xFFFFC000  }
0x19: {  	[hbm4b:s17+s3] =	stream.linear.scatter [tilespmem:s10], [sflag:$0x3], $0x4000, $0x38;
	[tilespmem:$0x9000] =	vst v63  }
0x1a: {  	_ =	swait.ge [sflag:s9], $0x4000  }
0x1b: {  	[sflag:s9] =	ssyncset.done $0x0  }
0x1c: {  	s18 =	simm.s32 $0x100;
	[sflag:s9] =	ssyncadd.s32 $0xFFFFC000  }
0x1d: {  	[tilespmem:s10], [sflag:$0x1] =	stream.indirect.gather [hbm4b:s1+s11], $0x80, s18, s11, $0xb8;
	[tilespmem:$0x9000] =	vst v63  }
0x1e: {  	_ =	swait.ge [sflag:s14], $0x4000  }
0x1f: {  	[sflag:s14] =	ssyncset.done $0x0  }
0x20: {  	s17 =	sadd.s32 $0x800, s17;
	[sflag:s14] =	ssyncadd.s32 $0xFFFFC000  }
0x21: {  	[hbm4b:s17+s3] =	stream.linear.scatter [tilespmem:s12], [sflag:$0x3], $0x4000, $0x38;
	[tilespmem:$0x9000] =	vst v63  }
0x22: {  	_ =	swait.ge [sflag:s9], $0x4000  }
0x23: {  	s18 =	simm.s32 $0x80;
	s17 =	simm.s32 $0x1000;
	[sflag:s9] =	ssyncset.done $0x0  }
.LBB2_2:
0x24: {  	p0 =	sne.s32 s17, $0xE000;
	[sflag:s9] =	ssyncadd.s32 $0xFFFFC000;
	s18 =	sadd.s32 $0x100, s18  }
0x25: {  	[tilespmem:s12], [sflag:$0x2] =	stream.indirect.gather [hbm4b:s1+s11], $0x80, s18, s11, $0xb8;
	[tilespmem:$0x9000] =	vst v63  }
0x26: {  	s19 =	smov.u32 s17;
	s17 =	sadd.s32 $0x1000, s17;
	_ =	swait.ge [sflag:s13], $0x4000  }
0x27: {  	[sflag:s13] =	ssyncset.done $0x0  }
0x28: {  	s19 =	sadd.s32 s19, s8;
	[sflag:s13] =	ssyncadd.s32 $0xFFFFC000  }
0x29: {  	[hbm4b:s19+s3] =	stream.linear.scatter [tilespmem:s10], [sflag:$0x3], $0x4000, $0x38;
	[tilespmem:$0x9000] =	vst v63  }
0x2a: {  	_ =	swait.ge [sflag:s9], $0x4000  }
0x2b: {  	[sflag:s9] =	ssyncset.done $0x0  }
0x2c: {  	s20 =	sadd.s32 $0x80, s18;
	[sflag:s9] =	ssyncadd.s32 $0xFFFFC000  }
0x2d: {  	[tilespmem:s10], [sflag:$0x1] =	stream.indirect.gather [hbm4b:s1+s11], $0x80, s20, s11, $0xb8;
	[tilespmem:$0x9000] =	vst v63  }
0x2e: {  	_ =	swait.ge [sflag:s14], $0x4000  }
.Ltmp0:
0x2f: {  	[sflag:s14] =	ssyncset.done $0x0;
	(pc) =	sbr.rel @p0 .LBB2_2-.Ltmp0, $4  }
0x30: {  	s19 =	sadd.s32 $0x800, s19;
	[sflag:s14] =	ssyncadd.s32 $0xFFFFC000  }
0x31: {  	[hbm4b:s19+s3] =	stream.linear.scatter [tilespmem:s12], [sflag:$0x3], $0x4000, $0x38;
	[tilespmem:$0x9000] =	vst v63  }
0x32: {  	_ =	swait.ge [sflag:s9], $0x4000  }
0x33: {  	[sflag:s9] =	ssyncset.done $0x0  }
0x34: {  	[sflag:s9] =	ssyncadd.s32 $0xFFFFC000  }
0x35: {  	[tilespmem:s12], [sflag:$0x2] =	stream.indirect.gather [hbm4b:s1+s11], $0x80, s15, s11, $0xb8;
	[tilespmem:$0x9000] =	vst v63  }
0x36: {  	_ =	swait.ge [sflag:s13], $0x4000  }
0x37: {  	[sflag:s13] =	ssyncset.done $0x0  }
0x38: {  	[sflag:s13] =	ssyncadd.s32 $0xFFFFC000  }
0x39: {  	[hbm4b:s6+s3] =	stream.linear.scatter [tilespmem:s10], [sflag:$0x3], $0x4000, $0x38;
	[tilespmem:$0x9000] =	vst v63  }
0x3a: {  	_ =	swait.ge [sflag:s9], $0x4000  }
0x3b: {  	[sflag:s9] =	ssyncset.done $0x0  }
0x3c: {  	[sflag:s9] =	ssyncadd.s32 $0xFFFFC000  }
0x3d: {  	s16 =	sadd.s32 $0x1, s16;
	_ =	swait.ge [sflag:s14], $0x4000  }
0x3e: {  	p0 =	sne.s32 s16, s5;
	[sflag:s14] =	ssyncset.done $0x0  }
.Ltmp1:
0x3f: {  	[sflag:s14] =	ssyncadd.s32 $0xFFFFC000;
	(pc) =	sbr.rel @p0 .LBB2_1-.Ltmp1, $4  }
0x40: {  	[hbm4b:s7+s3] =	stream.linear.scatter [tilespmem:s12], [sflag:$0x3], $0x4000, $0x38;
	[tilespmem:$0x9000] =	vst v63  }
0x41: {  	_ =	swait.ge [sflag:s9], $0x4000  }
0x42: {  	[sflag:s9] =	ssyncset.done $0x0  }
0x43: {  	[sflag:s9] =	ssyncadd.s32 $0xFFFFC000  }
0x44: {  	_ =	sfence.sel $0x180000  }
0x45: {  	[bflag:$0x0] =	sbarrier.arrive $0xFFFF  }
0x46: {  	p0 =	sne.s32 s2, $0x0;
	_ =	strace $0x90000047  }
0x47: {  	s0 =	sadd.s32 @!p0 $0x100000, s0;
	[bflag:$0x2] =	sbarrier.arrive $0xFFFF  }
0x48: {  	[sflag:s0] =	ssyncadd.tile.s32 @!p0 $0x1;
	_ =	shalt  }
.Lfunc_end2:
_tile_overlayer_lowered:
.L_overlay_start_2:
0x49: {  	(tag) =	ssettag $0x2  }
0x4a: {  	s0 =	rddreg [dreg:$0x0];
	s2 =	stileid.u32  }
0x4b: {  	s1 =	rddreg [dreg:$0x1];
	p0 =	sne.s32 s2, $0x0  }
0x4c: {  	s3 =	rddreg [dreg:$0x2];
	[bflag:$0x3] =	sbarrier.arrive $0xFFFF;
	s2 =	simm.s32 @!p0 $0x1C03  }
0x4d: {  	[timem:s3], [sflag:s2] =	dma.local @!p0 [hbm:s0], s1  }
0x4e: {  	s0 =	simm.s32 @!p0 $0x3  }
0x4f: {  	_ =	swait.ge @!p0 [sflag:s0], s1  }
0x50: {  	s1 =	ssub.s32 @!p0 $0x0, s1;
	[sflag:s0] =	ssyncset.done @!p0 $0x0  }
0x51: {  	[sflag:s0] =	ssyncadd.s32 @!p0 s1  }
0x52: {  	[bflag:$0x3] =	sbarrier.arrive $0xFFFF  }
0x53: {  	_ =	shalt  }

// kernel: kernel.14.cloned.1.call-start
scs
__scs_entry_jumppad:
0x0: {  	(pc) =	sbr.rel $0x88, $3  }
0x1: {  	(tag) =	ssettag $0x0;
	lr =	simm.s32 $0x1  }
0x2: {  	[smem:$0x3F82] =	sst lr;
	_ =	strace $0xD0000000  }
0x3: {  	_ = 	snop  }
0x4: {  	_ = 	snop  }
0x5: {  	_ = 	snop  }
0x6: {  	_ = 	snop  }
0x7: {  	_ = 	snop  }
__scs_overlays_trampoline_lowered:
0x8: {  	[smem:$0x3F91] =	sst s0  }
0x9: {  	[smem:$0x3F92] =	sst s1  }
0xa: {  	[smem:$0x3F93] =	sst s2  }
0xb: {  	[smem:$0x3F94] =	sst s3  }
0xc: {  	[smem:$0x3F95] =	sst s4  }
0xd: {  	[smem:$0x3F96] =	sst s5  }
0xe: {  	[smem:$0x3F97] =	sst s6  }
0xf: {  	[smem:$0x3F98] =	sst s7  }
0x10: {  	[smem:$0x3F99] =	sst s8  }
0x11: {  	[smem:$0x3F9A] =	sst s9;
	s0 =	simm.s32 @!p0 $0x0  }
0x12: {  	s1 =	sld [smem:$0x3F80];
	s0 =	simm.s32 @p0 $0x1  }
0x13: {  	[smem:$0x3F9B] =	sst s0;
	s0 =	simm.s32 @!p1 $0x0  }
0x14: {  	s2 =	sld [smem:$0x3F7F];
	s0 =	simm.s32 @p1 $0x1  }
0x15: {  	[smem:$0x3F9C] =	sst s0;
	s0 =	simm.s32 @!p2 $0x0  }
0x16: {  	s3 =	sld [smem:$0x3FDB];
	s0 =	simm.s32 @p2 $0x1  }
0x17: {  	s4 =	simm.s32 $0x1BF5;
	[smem:$0x3F9E] =	sst s0  }
0x18: {  	s0 =	sld [smem:$0x3F81];
	_ =	swait.ge [sflag:s4], $0x0  }
0x19: {  	s7 =	sld [smem:$0x3F82]  }
0x1a: {  	s8 =	sadd.s32 $0xFFFFE003, lr  }
0x1b: {  	s9 =	sadd.s32 $0xFFFFFEF7, lr;
	s5 =	simm.s32 $0xFFFFFFFF;
	p2 =	slt.u32 s8, $0xFFFFF086  }
0x1c: {  	p1 =	slt.u32 s9, $0xF7A;
	s5 =	simm.s32 @!p2 $0x0  }
0x1d: {  	s5 =	simm.s32 @p1 $0x1;
	p0 =	seq.s32 s7, s2  }
0x1e: {  	s7 =	smul.u32 @!p0 $0xF7A, s2;
	p2 =	seq.s32 @!p0 s5, $0x0  }
0x1f: {  	s9 =	smul.u32 $0xF7A, s1;
	s8 =	simm.s32 @!p0 $0x1BF5;
	p2 =	por !p2, p0  }
0x20: {  	[sflag:s8] =	ssyncset.s32 @!p0 $0xFFFFF086;
	s6 =	sadd.s32 @!p0 s3, s7;
	s7 =	simm.s32 @!p0 $0x108  }
0x21: {  	s3 =	sadd.s32 s3, s9;
	s6 =	sadd.s32 @!p0 $0x88, s6;
	s7 =	simm.s32 @p2 $0x1082  }
0x22: {  	[simem:s7], [sflag:s8] =	dma.local @!p0 [hbm:s6], $0xF7A  }
0x23: {  	s9 =	sor.u32 $0xD0000000, s2;
	s6 =	simm.s32 $0x108;
	_ =	swait.ge @!p0 [sflag:s8], $0x0  }
0x24: {  	s3 =	sadd.s32 $0x88, s3;
	s6 =	simm.s32 @!p1 $0x1082;
	[sflag:s4] =	ssyncset.s32 $0xFFFFF086  }
0x25: {  	[simem:s6], [sflag:s4] =	dma.local [hbm:s3], $0xF7A  }
0x26: {  	[smem:$0x3F82] =	sst s1;
	(tag) =	ssettag s2;
	_ =	strace s9  }
0x27: {  	s1 =	sld [smem:$0x3F92]  }
0x28: {  	s2 =	sld [smem:$0x3F93]  }
0x29: {  	s4 =	sld [smem:$0x3F95]  }
0x2a: {  	p0 =	seq.s32 s5, $0x0;
	s5 =	sld [smem:$0x3F96]  }
0x2b: {  	s6 =	sld [smem:$0x3F97]  }
0x2c: {  	s7 =	sld [smem:$0x3F98]  }
0x2d: {  	s3 =	simm.s32 $0x108;
	s8 =	sld [smem:$0x3F99]  }
0x2e: {  	s3 =	simm.s32 @!p0 $0x1082;
	s9 =	sld [smem:$0x3F9A]  }
0x2f: {  	lr =	sadd.s32 s0, s3;
	s0 =	sld [smem:$0x3F91]  }
0x30: {  	s3 =	sld [smem:$0x3F94]  }
0x31: {  	[smem:$0x3F9D] =	sst s10  }
0x32: {  	s10 =	sld [smem:$0x3F9B];
	_ =	sdelay $0x3  }
0x33: {  	p0 =	seq.s32 s10, $0x1;
	s10 =	sld [smem:$0x3F9D];
	_ =	sdelay $0x3  }
0x34: {  	[smem:$0x3F9D] =	sst s10  }
0x35: {  	s10 =	sld [smem:$0x3F9C];
	_ =	sdelay $0x3  }
0x36: {  	p1 =	seq.s32 s10, $0x1;
	s10 =	sld [smem:$0x3F9D];
	_ =	sdelay $0x3  }
0x37: {  	[smem:$0x3F9D] =	sst s10  }
0x38: {  	s10 =	sld [smem:$0x3F9E]  }
0x39: {  	_ = 	snop;
	(pc) =	sbr.ind lr, $3  }
0x3a: {  	_ = 	snop  }
0x3b: {  	_ = 	snop  }
0x3c: {  	p2 =	seq.s32 s10, $0x1;
	s10 =	sld [smem:$0x3F9D]  }
0x3d: {  	_ =	shalt  }
0x3e: {  	_ =	shalt  }
0x3f: {  	_ =	shalt  }
0x40: {  	_ =	shalt  }
0x41: {  	_ =	shalt  }
0x42: {  	_ =	shalt  }
0x43: {  	_ =	shalt  }
0x44: {  	_ =	shalt  }
0x45: {  	_ =	shalt  }
0x46: {  	_ =	shalt  }
0x47: {  	_ =	shalt  }
0x48: {  	_ =	shalt  }
0x49: {  	_ =	shalt  }
0x4a: {  	_ =	shalt  }
0x4b: {  	_ =	shalt  }
0x4c: {  	_ =	shalt  }
0x4d: {  	_ =	shalt  }
0x4e: {  	_ =	shalt  }
0x4f: {  	_ =	shalt  }
0x50: {  	_ =	shalt  }
0x51: {  	_ =	shalt  }
0x52: {  	_ =	shalt  }
0x53: {  	_ =	shalt  }
0x54: {  	_ =	shalt  }
0x55: {  	_ =	shalt  }
0x56: {  	_ =	shalt  }
0x57: {  	_ =	shalt  }
0x58: {  	_ =	shalt  }
0x59: {  	_ =	shalt  }
0x5a: {  	_ =	shalt  }
0x5b: {  	_ =	shalt  }
0x5c: {  	_ =	shalt  }
0x5d: {  	_ =	shalt  }
0x5e: {  	_ =	shalt  }
0x5f: {  	_ =	shalt  }
0x60: {  	_ =	shalt  }
0x61: {  	_ =	shalt  }
0x62: {  	_ =	shalt  }
0x63: {  	_ =	shalt  }
0x64: {  	_ =	shalt  }
0x65: {  	_ =	shalt  }
0x66: {  	_ =	shalt  }
0x67: {  	_ =	shalt  }
0x68: {  	_ =	shalt  }
0x69: {  	_ =	shalt  }
0x6a: {  	_ =	shalt  }
0x6b: {  	_ =	shalt  }
0x6c: {  	_ =	shalt  }
0x6d: {  	_ =	shalt  }
0x6e: {  	_ =	shalt  }
0x6f: {  	_ =	shalt  }
0x70: {  	_ =	shalt  }
0x71: {  	_ =	shalt  }
0x72: {  	_ =	shalt  }
0x73: {  	_ =	shalt  }
0x74: {  	_ =	shalt  }
0x75: {  	_ =	shalt  }
0x76: {  	_ =	shalt  }
0x77: {  	_ =	shalt  }
0x78: {  	_ =	shalt  }
0x79: {  	_ =	shalt  }
0x7a: {  	_ =	shalt  }
0x7b: {  	_ =	shalt  }
0x7c: {  	_ =	shalt  }
0x7d: {  	_ =	shalt  }
0x7e: {  	_ =	shalt  }
0x7f: {  	_ =	shalt  }
0x80: {  	_ =	shalt  }
0x81: {  	_ =	shalt  }
0x82: {  	_ =	shalt  }
0x83: {  	_ =	shalt  }
0x84: {  	_ =	shalt  }
0x85: {  	_ =	shalt  }
0x86: {  	_ =	shalt  }
0x87: {  	_ =	shalt  }
.Lfunc_end0:
.L_simem_size_0:
called_computation.1_lowered:
.L_overlay_start_0:
0x88: {  	s2 =	sld [smem:$0x3FD9]  }
0x89: {  	s3 =	sld [smem:$0x3FFE];
	_ =	sdelay $0x1  }
0x8a: {  	s1 =	srdreg.scid  }
0x8b: {  	s0 =	sand.u32 $0x1, s1  }
0x8c: {  	s14 =	sshll.u32 s0, $0xA;
	s2 =	sadd.s32 s3, s2  }
0x8d: {  	s2 =	sadd.s32 s2, s14  }
0x8e: {  	[smem:$0x3FA9] =	sst s2  }
0x8f: {  	_ = 	snop  }
0x90: {  	s2 =	sld [smem:$0x3FD0];
	_ =	sdelay $0x2  }
0x91: {  	s15 =	simm.s32 $0xA;
	s4 =	simm.s32 $0x10  }
0x92: {  	[smem:s4], [sflag:s15] =	dma.local [hbm:s2], $0x1  }
0x93: {  	_ =	swait.eq [sflag:s15], $0x1  }
0x94: {  	[sflag:s15] =	ssyncset.done $0x0  }
0x95: {  	s16 =	sld [smem:$0x10];
	[sflag:s15] =	ssyncadd.s32 $0xFFFFFFFF  }
0x96: {  	s17 =	sld [smem:$0x11];
	(tm) =	ssettm $0x1  }
0x97: {  	s18 =	sld [smem:$0x3FFB];
	_ =	sdelay $0x3  }
0x98: {  	_ =	strace s18  }
0x99: {  	s4 =	sld [smem:$0x3FFC];
	_ =	sdelay $0x3  }
0x9a: {  	_ =	strace s4  }
0x9b: {  	s4 =	sld [smem:$0x3FFD];
	_ =	sdelay $0x3  }
0x9c: {  	_ =	strace s4  }
0x9d: {  	_ =	strace $0x8FFFFFFF  }
0x9e: {  	s19 =	sld [smem:$0x3FDB];
	_ =	sdelay $0x1  }
0x9f: {  	s5 =	simm.s32 $_scs_section_size  }
0xa0: {  	s6 =	simm.s32 $_size__tile_overlayer_lowered;
	s7 =	simm.s32 $_tile_overlayer_lowered  }
0xa1: {  	s22 =	simm.s32 $0x1BFF;
	s21 =	sshll.u32 s7, $0x1;
	s4 =	sadd.s32 s5, s19  }
0xa2: {  	s8 =	simm.s32 $0x0;
	s20 =	sshll.u32 s6, $0x1;
	s6 =	sadd.s32 s21, s4  }
0xa3: {  	[timem:s8], [sflag:s22] =	dma.local [hbm:s6], s20  }
0xa4: {  	_ =	swait.ge [sflag:s22], s20  }
0xa5: {  	s5 =	ssub.s32 $0x0, s20;
	[sflag:s22] =	ssyncset.done $0x0  }
0xa6: {  	[sflag:s22] =	ssyncadd.s32 s5;
	_ =	sdelay $0x1  }
0xa7: {  	s23 =	simm.s32 $0x1B8B  }
0xa8: {  	_ =	swait.ge [sflag:s23], $0x1  }
0xa9: {  	[sflag:s23] =	ssyncset.done $0x0  }
0xaa: {  	s25 =	simm.s32 $0x1B8E;
	s24 =	sld [smem:$0x3FFE];
	[sflag:s23] =	ssyncadd.s32 $0xFFFFFFFF  }
0xab: {  	s26 =	simm.s32 $execute0_lowered;
	[smem:$0x3FD2] =	sst s25  }
0xac: {  	s6 =	sshll.u32 s26, $0x1;
	_ =	strace $0x80000049;
	[dreg:$0x1] =	wrdreg $0xFFFFFFFF  }
0xad: {  	s28 =	simm.s32 $_size_execute0_lowered;
	s4 =	sadd.s32 s4, s6;
	[dreg:$0x0] =	wrdreg $0x0  }
0xae: {  	s6 =	sshll.u32 s28, $0x1;
	[dreg:$0x2] =	wrdreg s4  }
0xaf: {  	[dreg:$0x3] =	wrdreg s6  }
0xb0: {  	[dreg:$0x4] =	wrdreg $0xC0  }
0xb1: {  	_ =	task [dreg:s8], $0x5FFFF  }
0xb2: {  	[dreg:$0x1] =	wrdreg $0xFFFFFFFF  }
0xb3: {  	[dreg:$0x0] =	wrdreg $0x60  }
0xb4: {  	[dreg:$0x2] =	wrdreg s16  }
0xb5: {  	[dreg:$0x3] =	wrdreg s17  }
0xb6: {  	[dreg:$0x4] =	wrdreg s24  }
0xb7: {  	[dreg:$0x5] =	wrdreg $0x9  }
0xb8: {  	_ =	task.clear_ibuf [dreg:s8], $0x6FFFF;
	_ =	strace $0x90000049  }
0xb9: {  	s29 =	simm.s32 $0x9;
	_ =	strace $0x8000004B  }
0xba: {  	_ =	swait.ge [sflag:s29], $0x1  }
0xbb: {  	[sflag:s29] =	ssyncadd.s32 $0xFFFFFFFF  }
0xbc: {  	_ =	strace $0x9000004B  }
0xbd: {  	_ =	sfence  }
0xbe: {  	s30 =	sld [smem:$0x0];
	_ =	sdelay $0x2  }
0xbf: {  	s31 =	sshll.u32 s1, $0xD;
	s1 =	sshrl.u32 s1, $0x2  }
0xc0: {  	s3 =	sand.u32 $0x4000, s31;
	s1 =	sadd.s32 s1, s30  }
0xc1: {  	s0 =	sor.u32 s3, s0;
	s1 =	sshll.u32 s1, $0x11  }
0xc2: {  	s0 =	sor.u32 s1, s0  }
0xc3: {  	s0 =	sadd.s32 $0x8F2B, s0  }
0xc4: {  	[sflag:s0] =	ssyncadd.remote.s32 $0x1  }
0xc5: {  	_ =	sfence.sel $0xFFFF  }
0xc6: {  	[dreg:$0x0] =	wrdreg $0xFFFFFFFF;
	(pc) =	sbr.abs _section_cstart, $3  }
0xc7: {  	[dreg:$0x1] =	wrdreg $0xFFFFFFFF  }
0xc8: {  	_ =	task.clear_ibuf [dreg:s8], $0x2FFFF;
	_ =	strace $0x9FFFFFFF  }
0xc9: {  	(tm) =	ssettm $0x7FFFFFFF  }
tec
execute0_lowered:
.L_overlay_start_1:
0x0: {  	(tag) =	ssettag $0x1  }
0x1: {  	s1 =	rddreg [dreg:$0x0]  }
0x2: {  	s4 =	rddreg [dreg:$0x1]  }
0x3: {  	s5 =	rddreg [dreg:$0x2]  }
0x4: {  	s0 =	rddreg [dreg:$0x3];
	s3 =	simm.s32 $0x0;
	s6 =	srdreg.scid  }
0x5: {  	s2 =	stileid.u32;
	s11 =	simm.s32 $0x80;
	s12 =	simm.s32 $0x5000  }
0x6: {  	s13 =	simm.s32 $0x1;
	s14 =	simm.s32 $0x2;
	s15 =	simm.s32 $0xF80  }
0x7: {  	s16 =	simm.s32 $0x0;
	[smem:$0x7FF] =	sst s3;
	s8 =	sand.u32 $0x1, s6  }
0x8: {  	s26 =	sshll.u32 s2, $0xD;
	s9 =	sadd.s32 $0x9800, s5;
	s31 =	sshll.u32 s2, $0x11  }
0x9: {  	_ =	strace $0x8000004A;
	s7 =	sshll.u32 s8, $0xC;
	s28 =	ssub.s32 $0x2, s8  }
0xa: {  	s8 =	sshll.u32 s8, $0x10;
	s6 =	sor.u32 s7, s26;
	s29 =	sshrl.u32 s28, $0x1  }
0xb: {  	s10 =	sshrl.u32 s6, $0x3;
	s6 =	sshll.u32 s6, $0x4;
	s5 =	ssub.s32 s28, s29  }
0xc: {  	s4 =	sadd.s32 s4, s10;
	s30 =	sadd.s32 s9, s6;
	s5 =	smax.u32 s5, $0x1  }
0xd: {  	s9 =	sadd.s32 s31, s9;
	s10 =	simm.s32 $0x1000;
	s6 =	sadd.s32 $0xF000, s30  }
0xe: {  	s7 =	sadd.s32 $0xF800, s30;
	s8 =	sadd.s32 s8, s9;
	s9 =	simm.s32 $0x3  }
.LBB2_1:
0xf: {  	[tilespmem:s3], [sflag:$0x3] =	stream.linear.gather [hbm4b:s4+s3], $0x1000, $0x38;
	[tilespmem:$0x9000] =	vst v63  }
0x10: {  	_ =	swait.ge [sflag:s9], $0x1000  }
0x11: {  	[sflag:s9] =	ssyncset.done $0x0  }
0x12: {  	[sflag:s9] =	ssyncadd.s32 $0xFFFFF000  }
0x13: {  	[tilespmem:s10], [sflag:$0x1] =	stream.indirect.gather [hbm4b:s1+s11], $0x80, s3, s11, $0xb8;
	[tilespmem:$0x9000] =	vst v63  }
0x14: {  	_ = 	snop  }
0x15: {  	[tilespmem:s12], [sflag:$0x2] =	stream.indirect.gather [hbm4b:s1+s11], $0x80, s11, s11, $0xb8;
	[tilespmem:$0x9000] =	vst v63  }
0x16: {  	_ =	swait.ge [sflag:s13], $0x4000  }
0x17: {  	[sflag:s13] =	ssyncset.done $0x0  }
0x18: {  	s17 =	sadd.s32 $0x0, s8;
	[sflag:s13] =	ssyncadd.s32 $0xFFFFC000  }
0x19: {  	[hbm4b:s17+s3] =	stream.linear.scatter [tilespmem:s10], [sflag:$0x3], $0x4000, $0x38;
	[tilespmem:$0x9000] =	vst v63  }
0x1a: {  	_ =	swait.ge [sflag:s9], $0x4000  }
0x1b: {  	[sflag:s9] =	ssyncset.done $0x0  }
0x1c: {  	s18 =	simm.s32 $0x100;
	[sflag:s9] =	ssyncadd.s32 $0xFFFFC000  }
0x1d: {  	[tilespmem:s10], [sflag:$0x1] =	stream.indirect.gather [hbm4b:s1+s11], $0x80, s18, s11, $0xb8;
	[tilespmem:$0x9000] =	vst v63  }
0x1e: {  	_ =	swait.ge [sflag:s14], $0x4000  }
0x1f: {  	[sflag:s14] =	ssyncset.done $0x0  }
0x20: {  	s17 =	sadd.s32 $0x800, s17;
	[sflag:s14] =	ssyncadd.s32 $0xFFFFC000  }
0x21: {  	[hbm4b:s17+s3] =	stream.linear.scatter [tilespmem:s12], [sflag:$0x3], $0x4000, $0x38;
	[tilespmem:$0x9000] =	vst v63  }
0x22: {  	_ =	swait.ge [sflag:s9], $0x4000  }
0x23: {  	s18 =	simm.s32 $0x80;
	s17 =	simm.s32 $0x1000;
	[sflag:s9] =	ssyncset.done $0x0  }
.LBB2_2:
0x24: {  	p0 =	sne.s32 s17, $0xE000;
	[sflag:s9] =	ssyncadd.s32 $0xFFFFC000;
	s18 =	sadd.s32 $0x100, s18  }
0x25: {  	[tilespmem:s12], [sflag:$0x2] =	stream.indirect.gather [hbm4b:s1+s11], $0x80, s18, s11, $0xb8;
	[tilespmem:$0x9000] =	vst v63  }
0x26: {  	s19 =	smov.u32 s17;
	s17 =	sadd.s32 $0x1000, s17;
	_ =	swait.ge [sflag:s13], $0x4000  }
0x27: {  	[sflag:s13] =	ssyncset.done $0x0  }
0x28: {  	s19 =	sadd.s32 s19, s8;
	[sflag:s13] =	ssyncadd.s32 $0xFFFFC000  }
0x29: {  	[hbm4b:s19+s3] =	stream.linear.scatter [tilespmem:s10], [sflag:$0x3], $0x4000, $0x38;
	[tilespmem:$0x9000] =	vst v63  }
0x2a: {  	_ =	swait.ge [sflag:s9], $0x4000  }
0x2b: {  	[sflag:s9] =	ssyncset.done $0x0  }
0x2c: {  	s20 =	sadd.s32 $0x80, s18;
	[sflag:s9] =	ssyncadd.s32 $0xFFFFC000  }
0x2d: {  	[tilespmem:s10], [sflag:$0x1] =	stream.indirect.gather [hbm4b:s1+s11], $0x80, s20, s11, $0xb8;
	[tilespmem:$0x9000] =	vst v63  }
0x2e: {  	_ =	swait.ge [sflag:s14], $0x4000  }
.Ltmp0:
0x2f: {  	[sflag:s14] =	ssyncset.done $0x0;
	(pc) =	sbr.rel @p0 .LBB2_2-.Ltmp0, $4  }
0x30: {  	s19 =	sadd.s32 $0x800, s19;
	[sflag:s14] =	ssyncadd.s32 $0xFFFFC000  }
0x31: {  	[hbm4b:s19+s3] =	stream.linear.scatter [tilespmem:s12], [sflag:$0x3], $0x4000, $0x38;
	[tilespmem:$0x9000] =	vst v63  }
0x32: {  	_ =	swait.ge [sflag:s9], $0x4000  }
0x33: {  	[sflag:s9] =	ssyncset.done $0x0  }
0x34: {  	[sflag:s9] =	ssyncadd.s32 $0xFFFFC000  }
0x35: {  	[tilespmem:s12], [sflag:$0x2] =	stream.indirect.gather [hbm4b:s1+s11], $0x80, s15, s11, $0xb8;
	[tilespmem:$0x9000] =	vst v63  }
0x36: {  	_ =	swait.ge [sflag:s13], $0x4000  }
0x37: {  	[sflag:s13] =	ssyncset.done $0x0  }
0x38: {  	[sflag:s13] =	ssyncadd.s32 $0xFFFFC000  }
0x39: {  	[hbm4b:s6+s3] =	stream.linear.scatter [tilespmem:s10], [sflag:$0x3], $0x4000, $0x38;
	[tilespmem:$0x9000] =	vst v63  }
0x3a: {  	_ =	swait.ge [sflag:s9], $0x4000  }
0x3b: {  	[sflag:s9] =	ssyncset.done $0x0  }
0x3c: {  	[sflag:s9] =	ssyncadd.s32 $0xFFFFC000  }
0x3d: {  	s16 =	sadd.s32 $0x1, s16;
	_ =	swait.ge [sflag:s14], $0x4000  }
0x3e: {  	p0 =	sne.s32 s16, s5;
	[sflag:s14] =	ssyncset.done $0x0  }
.Ltmp1:
0x3f: {  	[sflag:s14] =	ssyncadd.s32 $0xFFFFC000;
	(pc) =	sbr.rel @p0 .LBB2_1-.Ltmp1, $4  }
0x40: {  	[hbm4b:s7+s3] =	stream.linear.scatter [tilespmem:s12], [sflag:$0x3], $0x4000, $0x38;
	[tilespmem:$0x9000] =	vst v63  }
0x41: {  	_ =	swait.ge [sflag:s9], $0x4000  }
0x42: {  	[sflag:s9] =	ssyncset.done $0x0  }
0x43: {  	[sflag:s9] =	ssyncadd.s32 $0xFFFFC000  }
0x44: {  	_ =	sfence.sel $0x180000  }
0x45: {  	[bflag:$0x0] =	sbarrier.arrive $0xFFFF  }
0x46: {  	p0 =	sne.s32 s2, $0x0;
	_ =	strace $0x9000004A  }
0x47: {  	s0 =	sadd.s32 @!p0 $0x100000, s0;
	[bflag:$0x2] =	sbarrier.arrive $0xFFFF  }
0x48: {  	[sflag:s0] =	ssyncadd.tile.s32 @!p0 $0x1;
	_ =	shalt  }
.Lfunc_end2:
_tile_overlayer_lowered:
.L_overlay_start_2:
0x49: {  	(tag) =	ssettag $0x2  }
0x4a: {  	s0 =	rddreg [dreg:$0x0];
	s2 =	stileid.u32  }
0x4b: {  	s1 =	rddreg [dreg:$0x1];
	p0 =	sne.s32 s2, $0x0  }
0x4c: {  	s3 =	rddreg [dreg:$0x2];
	[bflag:$0x3] =	sbarrier.arrive $0xFFFF;
	s2 =	simm.s32 @!p0 $0x1C03  }
0x4d: {  	[timem:s3], [sflag:s2] =	dma.local @!p0 [hbm:s0], s1  }
0x4e: {  	s0 =	simm.s32 @!p0 $0x3  }
0x4f: {  	_ =	swait.ge @!p0 [sflag:s0], s1  }
0x50: {  	s1 =	ssub.s32 @!p0 $0x0, s1;
	[sflag:s0] =	ssyncset.done @!p0 $0x0  }
0x51: {  	[sflag:s0] =	ssyncadd.s32 @!p0 s1  }
0x52: {  	[bflag:$0x3] =	sbarrier.arrive $0xFFFF  }
0x53: {  	_ =	shalt  }

// kernel: kernel.17.cloned.1.call-start
scs
__scs_entry_jumppad:
0x0: {  	(pc) =	sbr.rel $0x88, $3  }
0x1: {  	(tag) =	ssettag $0x0;
	lr =	simm.s32 $0x1  }
0x2: {  	[smem:$0x3F82] =	sst lr;
	_ =	strace $0xD0000000  }
0x3: {  	_ = 	snop  }
0x4: {  	_ = 	snop  }
0x5: {  	_ = 	snop  }
0x6: {  	_ = 	snop  }
0x7: {  	_ = 	snop  }
__scs_overlays_trampoline_lowered:
0x8: {  	[smem:$0x3F91] =	sst s0  }
0x9: {  	[smem:$0x3F92] =	sst s1  }
0xa: {  	[smem:$0x3F93] =	sst s2  }
0xb: {  	[smem:$0x3F94] =	sst s3  }
0xc: {  	[smem:$0x3F95] =	sst s4  }
0xd: {  	[smem:$0x3F96] =	sst s5  }
0xe: {  	[smem:$0x3F97] =	sst s6  }
0xf: {  	[smem:$0x3F98] =	sst s7  }
0x10: {  	[smem:$0x3F99] =	sst s8  }
0x11: {  	[smem:$0x3F9A] =	sst s9;
	s0 =	simm.s32 @!p0 $0x0  }
0x12: {  	s1 =	sld [smem:$0x3F80];
	s0 =	simm.s32 @p0 $0x1  }
0x13: {  	[smem:$0x3F9B] =	sst s0;
	s0 =	simm.s32 @!p1 $0x0  }
0x14: {  	s2 =	sld [smem:$0x3F7F];
	s0 =	simm.s32 @p1 $0x1  }
0x15: {  	[smem:$0x3F9C] =	sst s0;
	s0 =	simm.s32 @!p2 $0x0  }
0x16: {  	s3 =	sld [smem:$0x3FDB];
	s0 =	simm.s32 @p2 $0x1  }
0x17: {  	s4 =	simm.s32 $0x1BF5;
	[smem:$0x3F9E] =	sst s0  }
0x18: {  	s0 =	sld [smem:$0x3F81];
	_ =	swait.ge [sflag:s4], $0x0  }
0x19: {  	s7 =	sld [smem:$0x3F82]  }
0x1a: {  	s8 =	sadd.s32 $0xFFFFE003, lr  }
0x1b: {  	s9 =	sadd.s32 $0xFFFFFEF7, lr;
	s5 =	simm.s32 $0xFFFFFFFF;
	p2 =	slt.u32 s8, $0xFFFFF086  }
0x1c: {  	p1 =	slt.u32 s9, $0xF7A;
	s5 =	simm.s32 @!p2 $0x0  }
0x1d: {  	s5 =	simm.s32 @p1 $0x1;
	p0 =	seq.s32 s7, s2  }
0x1e: {  	s7 =	smul.u32 @!p0 $0xF7A, s2;
	p2 =	seq.s32 @!p0 s5, $0x0  }
0x1f: {  	s9 =	smul.u32 $0xF7A, s1;
	s8 =	simm.s32 @!p0 $0x1BF5;
	p2 =	por !p2, p0  }
0x20: {  	[sflag:s8] =	ssyncset.s32 @!p0 $0xFFFFF086;
	s6 =	sadd.s32 @!p0 s3, s7;
	s7 =	simm.s32 @!p0 $0x108  }
0x21: {  	s3 =	sadd.s32 s3, s9;
	s6 =	sadd.s32 @!p0 $0x88, s6;
	s7 =	simm.s32 @p2 $0x1082  }
0x22: {  	[simem:s7], [sflag:s8] =	dma.local @!p0 [hbm:s6], $0xF7A  }
0x23: {  	s9 =	sor.u32 $0xD0000000, s2;
	s6 =	simm.s32 $0x108;
	_ =	swait.ge @!p0 [sflag:s8], $0x0  }
0x24: {  	s3 =	sadd.s32 $0x88, s3;
	s6 =	simm.s32 @!p1 $0x1082;
	[sflag:s4] =	ssyncset.s32 $0xFFFFF086  }
0x25: {  	[simem:s6], [sflag:s4] =	dma.local [hbm:s3], $0xF7A  }
0x26: {  	[smem:$0x3F82] =	sst s1;
	(tag) =	ssettag s2;
	_ =	strace s9  }
0x27: {  	s1 =	sld [smem:$0x3F92]  }
0x28: {  	s2 =	sld [smem:$0x3F93]  }
0x29: {  	s4 =	sld [smem:$0x3F95]  }
0x2a: {  	p0 =	seq.s32 s5, $0x0;
	s5 =	sld [smem:$0x3F96]  }
0x2b: {  	s6 =	sld [smem:$0x3F97]  }
0x2c: {  	s7 =	sld [smem:$0x3F98]  }
0x2d: {  	s3 =	simm.s32 $0x108;
	s8 =	sld [smem:$0x3F99]  }
0x2e: {  	s3 =	simm.s32 @!p0 $0x1082;
	s9 =	sld [smem:$0x3F9A]  }
0x2f: {  	lr =	sadd.s32 s0, s3;
	s0 =	sld [smem:$0x3F91]  }
0x30: {  	s3 =	sld [smem:$0x3F94]  }
0x31: {  	[smem:$0x3F9D] =	sst s10  }
0x32: {  	s10 =	sld [smem:$0x3F9B];
	_ =	sdelay $0x3  }
0x33: {  	p0 =	seq.s32 s10, $0x1;
	s10 =	sld [smem:$0x3F9D];
	_ =	sdelay $0x3  }
0x34: {  	[smem:$0x3F9D] =	sst s10  }
0x35: {  	s10 =	sld [smem:$0x3F9C];
	_ =	sdelay $0x3  }
0x36: {  	p1 =	seq.s32 s10, $0x1;
	s10 =	sld [smem:$0x3F9D];
	_ =	sdelay $0x3  }
0x37: {  	[smem:$0x3F9D] =	sst s10  }
0x38: {  	s10 =	sld [smem:$0x3F9E]  }
0x39: {  	_ = 	snop;
	(pc) =	sbr.ind lr, $3  }
0x3a: {  	_ = 	snop  }
0x3b: {  	_ = 	snop  }
0x3c: {  	p2 =	seq.s32 s10, $0x1;
	s10 =	sld [smem:$0x3F9D]  }
0x3d: {  	_ =	shalt  }
0x3e: {  	_ =	shalt  }
0x3f: {  	_ =	shalt  }
0x40: {  	_ =	shalt  }
0x41: {  	_ =	shalt  }
0x42: {  	_ =	shalt  }
0x43: {  	_ =	shalt  }
0x44: {  	_ =	shalt  }
0x45: {  	_ =	shalt  }
0x46: {  	_ =	shalt  }
0x47: {  	_ =	shalt  }
0x48: {  	_ =	shalt  }
0x49: {  	_ =	shalt  }
0x4a: {  	_ =	shalt  }
0x4b: {  	_ =	shalt  }
0x4c: {  	_ =	shalt  }
0x4d: {  	_ =	shalt  }
0x4e: {  	_ =	shalt  }
0x4f: {  	_ =	shalt  }
0x50: {  	_ =	shalt  }
0x51: {  	_ =	shalt  }
0x52: {  	_ =	shalt  }
0x53: {  	_ =	shalt  }
0x54: {  	_ =	shalt  }
0x55: {  	_ =	shalt  }
0x56: {  	_ =	shalt  }
0x57: {  	_ =	shalt  }
0x58: {  	_ =	shalt  }
0x59: {  	_ =	shalt  }
0x5a: {  	_ =	shalt  }
0x5b: {  	_ =	shalt  }
0x5c: {  	_ =	shalt  }
0x5d: {  	_ =	shalt  }
0x5e: {  	_ =	shalt  }
0x5f: {  	_ =	shalt  }
0x60: {  	_ =	shalt  }
0x61: {  	_ =	shalt  }
0x62: {  	_ =	shalt  }
0x63: {  	_ =	shalt  }
0x64: {  	_ =	shalt  }
0x65: {  	_ =	shalt  }
0x66: {  	_ =	shalt  }
0x67: {  	_ =	shalt  }
0x68: {  	_ =	shalt  }
0x69: {  	_ =	shalt  }
0x6a: {  	_ =	shalt  }
0x6b: {  	_ =	shalt  }
0x6c: {  	_ =	shalt  }
0x6d: {  	_ =	shalt  }
0x6e: {  	_ =	shalt  }
0x6f: {  	_ =	shalt  }
0x70: {  	_ =	shalt  }
0x71: {  	_ =	shalt  }
0x72: {  	_ =	shalt  }
0x73: {  	_ =	shalt  }
0x74: {  	_ =	shalt  }
0x75: {  	_ =	shalt  }
0x76: {  	_ =	shalt  }
0x77: {  	_ =	shalt  }
0x78: {  	_ =	shalt  }
0x79: {  	_ =	shalt  }
0x7a: {  	_ =	shalt  }
0x7b: {  	_ =	shalt  }
0x7c: {  	_ =	shalt  }
0x7d: {  	_ =	shalt  }
0x7e: {  	_ =	shalt  }
0x7f: {  	_ =	shalt  }
0x80: {  	_ =	shalt  }
0x81: {  	_ =	shalt  }
0x82: {  	_ =	shalt  }
0x83: {  	_ =	shalt  }
0x84: {  	_ =	shalt  }
0x85: {  	_ =	shalt  }
0x86: {  	_ =	shalt  }
0x87: {  	_ =	shalt  }
.Lfunc_end0:
.L_simem_size_0:
called_computation.2_lowered:
.L_overlay_start_0:
0x88: {  	s2 =	sld [smem:$0x3FD9]  }
0x89: {  	s3 =	sld [smem:$0x3FFE];
	_ =	sdelay $0x1  }
0x8a: {  	s1 =	srdreg.scid  }
0x8b: {  	s0 =	sand.u32 $0x1, s1  }
0x8c: {  	s14 =	sshll.u32 s0, $0xA;
	s2 =	sadd.s32 s3, s2  }
0x8d: {  	s2 =	sadd.s32 s2, s14  }
0x8e: {  	[smem:$0x3FA9] =	sst s2  }
0x8f: {  	_ = 	snop  }
0x90: {  	s2 =	sld [smem:$0x3FD0];
	_ =	sdelay $0x2  }
0x91: {  	s15 =	simm.s32 $0xA;
	s4 =	simm.s32 $0x10  }
0x92: {  	[smem:s4], [sflag:s15] =	dma.local [hbm:s2], $0x1  }
0x93: {  	_ =	swait.eq [sflag:s15], $0x1  }
0x94: {  	[sflag:s15] =	ssyncset.done $0x0  }
0x95: {  	s16 =	sld [smem:$0x10];
	[sflag:s15] =	ssyncadd.s32 $0xFFFFFFFF  }
0x96: {  	s17 =	sld [smem:$0x11];
	(tm) =	ssettm $0x1  }
0x97: {  	s18 =	sld [smem:$0x3FFB];
	_ =	sdelay $0x3  }
0x98: {  	_ =	strace s18  }
0x99: {  	s4 =	sld [smem:$0x3FFC];
	_ =	sdelay $0x3  }
0x9a: {  	_ =	strace s4  }
0x9b: {  	s4 =	sld [smem:$0x3FFD];
	_ =	sdelay $0x3  }
0x9c: {  	_ =	strace s4  }
0x9d: {  	_ =	strace $0x8FFFFFFF  }
0x9e: {  	s19 =	sld [smem:$0x3FDB];
	_ =	sdelay $0x1  }
0x9f: {  	s5 =	simm.s32 $_scs_section_size  }
0xa0: {  	s6 =	simm.s32 $_size__tile_overlayer_lowered;
	s7 =	simm.s32 $_tile_overlayer_lowered  }
0xa1: {  	s22 =	simm.s32 $0x1BFF;
	s21 =	sshll.u32 s7, $0x1;
	s4 =	sadd.s32 s5, s19  }
0xa2: {  	s8 =	simm.s32 $0x0;
	s20 =	sshll.u32 s6, $0x1;
	s6 =	sadd.s32 s21, s4  }
0xa3: {  	[timem:s8], [sflag:s22] =	dma.local [hbm:s6], s20  }
0xa4: {  	_ =	swait.ge [sflag:s22], s20  }
0xa5: {  	s5 =	ssub.s32 $0x0, s20;
	[sflag:s22] =	ssyncset.done $0x0  }
0xa6: {  	[sflag:s22] =	ssyncadd.s32 s5;
	_ =	sdelay $0x1  }
0xa7: {  	s23 =	simm.s32 $0x1B8B  }
0xa8: {  	_ =	swait.ge [sflag:s23], $0x1  }
0xa9: {  	[sflag:s23] =	ssyncset.done $0x0  }
0xaa: {  	s25 =	simm.s32 $0x1B8E;
	s24 =	sld [smem:$0x3FFE];
	[sflag:s23] =	ssyncadd.s32 $0xFFFFFFFF  }
0xab: {  	s26 =	simm.s32 $execute0_lowered;
	[smem:$0x3FD2] =	sst s25  }
0xac: {  	s6 =	sshll.u32 s26, $0x1;
	_ =	strace $0x8000004C;
	[dreg:$0x1] =	wrdreg $0xFFFFFFFF  }
0xad: {  	s28 =	simm.s32 $_size_execute0_lowered;
	s4 =	sadd.s32 s4, s6;
	[dreg:$0x0] =	wrdreg $0x0  }
0xae: {  	s6 =	sshll.u32 s28, $0x1;
	[dreg:$0x2] =	wrdreg s4  }
0xaf: {  	[dreg:$0x3] =	wrdreg s6  }
0xb0: {  	[dreg:$0x4] =	wrdreg $0xC0  }
0xb1: {  	_ =	task [dreg:s8], $0x5FFFF  }
0xb2: {  	[dreg:$0x1] =	wrdreg $0xFFFFFFFF  }
0xb3: {  	[dreg:$0x0] =	wrdreg $0x60  }
0xb4: {  	[dreg:$0x2] =	wrdreg s16  }
0xb5: {  	[dreg:$0x3] =	wrdreg s17  }
0xb6: {  	[dreg:$0x4] =	wrdreg s24  }
0xb7: {  	[dreg:$0x5] =	wrdreg $0x9  }
0xb8: {  	_ =	task.clear_ibuf [dreg:s8], $0x6FFFF;
	_ =	strace $0x9000004C  }
0xb9: {  	s29 =	simm.s32 $0x9;
	_ =	strace $0x8000004E  }
0xba: {  	_ =	swait.ge [sflag:s29], $0x1  }
0xbb: {  	[sflag:s29] =	ssyncadd.s32 $0xFFFFFFFF  }
0xbc: {  	_ =	strace $0x9000004E  }
0xbd: {  	_ =	sfence  }
0xbe: {  	s30 =	sld [smem:$0x0];
	_ =	sdelay $0x2  }
0xbf: {  	s31 =	sshll.u32 s1, $0xD;
	s1 =	sshrl.u32 s1, $0x2  }
0xc0: {  	s3 =	sand.u32 $0x4000, s31;
	s1 =	sadd.s32 s1, s30  }
0xc1: {  	s0 =	sor.u32 s3, s0;
	s1 =	sshll.u32 s1, $0x11  }
0xc2: {  	s0 =	sor.u32 s1, s0  }
0xc3: {  	s0 =	sadd.s32 $0x8F2B, s0  }
0xc4: {  	[sflag:s0] =	ssyncadd.remote.s32 $0x1  }
0xc5: {  	_ =	sfence.sel $0xFFFF  }
0xc6: {  	[dreg:$0x0] =	wrdreg $0xFFFFFFFF;
	(pc) =	sbr.abs _section_cstart, $3  }
0xc7: {  	[dreg:$0x1] =	wrdreg $0xFFFFFFFF  }
0xc8: {  	_ =	task.clear_ibuf [dreg:s8], $0x2FFFF;
	_ =	strace $0x9FFFFFFF  }
0xc9: {  	(tm) =	ssettm $0x7FFFFFFF  }
tec
execute0_lowered:
.L_overlay_start_1:
0x0: {  	(tag) =	ssettag $0x1  }
0x1: {  	s1 =	rddreg [dreg:$0x0]  }
0x2: {  	s4 =	rddreg [dreg:$0x1]  }
0x3: {  	s5 =	rddreg [dreg:$0x2]  }
0x4: {  	s0 =	rddreg [dreg:$0x3];
	s3 =	simm.s32 $0x0;
	s6 =	srdreg.scid  }
0x5: {  	s2 =	stileid.u32;
	s11 =	simm.s32 $0x80;
	s12 =	simm.s32 $0x5000  }
0x6: {  	s13 =	simm.s32 $0x1;
	s14 =	simm.s32 $0x2;
	s15 =	simm.s32 $0xF80  }
0x7: {  	s16 =	simm.s32 $0x0;
	[smem:$0x7FF] =	sst s3;
	s8 =	sand.u32 $0x1, s6  }
0x8: {  	s26 =	sshll.u32 s2, $0xD;
	s9 =	sadd.s32 $0x9800, s5;
	s31 =	sshll.u32 s2, $0x11  }
0x9: {  	_ =	strace $0x8000004D;
	s7 =	sshll.u32 s8, $0xC;
	s28 =	ssub.s32 $0x2, s8  }
0xa: {  	s8 =	sshll.u32 s8, $0x10;
	s6 =	sor.u32 s7, s26;
	s29 =	sshrl.u32 s28, $0x1  }
0xb: {  	s10 =	sshrl.u32 s6, $0x3;
	s6 =	sshll.u32 s6, $0x4;
	s5 =	ssub.s32 s28, s29  }
0xc: {  	s4 =	sadd.s32 s4, s10;
	s30 =	sadd.s32 s9, s6;
	s5 =	smax.u32 s5, $0x1  }
0xd: {  	s9 =	sadd.s32 s31, s9;
	s10 =	simm.s32 $0x1000;
	s6 =	sadd.s32 $0xF000, s30  }
0xe: {  	s7 =	sadd.s32 $0xF800, s30;
	s8 =	sadd.s32 s8, s9;
	s9 =	simm.s32 $0x3  }
.LBB2_1:
0xf: {  	[tilespmem:s3], [sflag:$0x3] =	stream.linear.gather [hbm4b:s4+s3], $0x1000, $0x38;
	[tilespmem:$0x9000] =	vst v63  }
0x10: {  	_ =	swait.ge [sflag:s9], $0x1000  }
0x11: {  	[sflag:s9] =	ssyncset.done $0x0  }
0x12: {  	[sflag:s9] =	ssyncadd.s32 $0xFFFFF000  }
0x13: {  	[tilespmem:s10], [sflag:$0x1] =	stream.indirect.gather [hbm4b:s1+s11], $0x80, s3, s11, $0xb8;
	[tilespmem:$0x9000] =	vst v63  }
0x14: {  	_ = 	snop  }
0x15: {  	[tilespmem:s12], [sflag:$0x2] =	stream.indirect.gather [hbm4b:s1+s11], $0x80, s11, s11, $0xb8;
	[tilespmem:$0x9000] =	vst v63  }
0x16: {  	_ =	swait.ge [sflag:s13], $0x4000  }
0x17: {  	[sflag:s13] =	ssyncset.done $0x0  }
0x18: {  	s17 =	sadd.s32 $0x0, s8;
	[sflag:s13] =	ssyncadd.s32 $0xFFFFC000  }
0x19: {  	[hbm4b:s17+s3] =	stream.linear.scatter [tilespmem:s10], [sflag:$0x3], $0x4000, $0x38;
	[tilespmem:$0x9000] =	vst v63  }
0x1a: {  	_ =	swait.ge [sflag:s9], $0x4000  }
0x1b: {  	[sflag:s9] =	ssyncset.done $0x0  }
0x1c: {  	s18 =	simm.s32 $0x100;
	[sflag:s9] =	ssyncadd.s32 $0xFFFFC000  }
0x1d: {  	[tilespmem:s10], [sflag:$0x1] =	stream.indirect.gather [hbm4b:s1+s11], $0x80, s18, s11, $0xb8;
	[tilespmem:$0x9000] =	vst v63  }
0x1e: {  	_ =	swait.ge [sflag:s14], $0x4000  }
0x1f: {  	[sflag:s14] =	ssyncset.done $0x0  }
0x20: {  	s17 =	sadd.s32 $0x800, s17;
	[sflag:s14] =	ssyncadd.s32 $0xFFFFC000  }
0x21: {  	[hbm4b:s17+s3] =	stream.linear.scatter [tilespmem:s12], [sflag:$0x3], $0x4000, $0x38;
	[tilespmem:$0x9000] =	vst v63  }
0x22: {  	_ =	swait.ge [sflag:s9], $0x4000  }
0x23: {  	s18 =	simm.s32 $0x80;
	s17 =	simm.s32 $0x1000;
	[sflag:s9] =	ssyncset.done $0x0  }
.LBB2_2:
0x24: {  	p0 =	sne.s32 s17, $0xE000;
	[sflag:s9] =	ssyncadd.s32 $0xFFFFC000;
	s18 =	sadd.s32 $0x100, s18  }
0x25: {  	[tilespmem:s12], [sflag:$0x2] =	stream.indirect.gather [hbm4b:s1+s11], $0x80, s18, s11, $0xb8;
	[tilespmem:$0x9000] =	vst v63  }
0x26: {  	s19 =	smov.u32 s17;
	s17 =	sadd.s32 $0x1000, s17;
	_ =	swait.ge [sflag:s13], $0x4000  }
0x27: {  	[sflag:s13] =	ssyncset.done $0x0  }
0x28: {  	s19 =	sadd.s32 s19, s8;
	[sflag:s13] =	ssyncadd.s32 $0xFFFFC000  }
0x29: {  	[hbm4b:s19+s3] =	stream.linear.scatter [tilespmem:s10], [sflag:$0x3], $0x4000, $0x38;
	[tilespmem:$0x9000] =	vst v63  }
0x2a: {  	_ =	swait.ge [sflag:s9], $0x4000  }
0x2b: {  	[sflag:s9] =	ssyncset.done $0x0  }
0x2c: {  	s20 =	sadd.s32 $0x80, s18;
	[sflag:s9] =	ssyncadd.s32 $0xFFFFC000  }
0x2d: {  	[tilespmem:s10], [sflag:$0x1] =	stream.indirect.gather [hbm4b:s1+s11], $0x80, s20, s11, $0xb8;
	[tilespmem:$0x9000] =	vst v63  }
0x2e: {  	_ =	swait.ge [sflag:s14], $0x4000  }
.Ltmp0:
0x2f: {  	[sflag:s14] =	ssyncset.done $0x0;
	(pc) =	sbr.rel @p0 .LBB2_2-.Ltmp0, $4  }
0x30: {  	s19 =	sadd.s32 $0x800, s19;
	[sflag:s14] =	ssyncadd.s32 $0xFFFFC000  }
0x31: {  	[hbm4b:s19+s3] =	stream.linear.scatter [tilespmem:s12], [sflag:$0x3], $0x4000, $0x38;
	[tilespmem:$0x9000] =	vst v63  }
0x32: {  	_ =	swait.ge [sflag:s9], $0x4000  }
0x33: {  	[sflag:s9] =	ssyncset.done $0x0  }
0x34: {  	[sflag:s9] =	ssyncadd.s32 $0xFFFFC000  }
0x35: {  	[tilespmem:s12], [sflag:$0x2] =	stream.indirect.gather [hbm4b:s1+s11], $0x80, s15, s11, $0xb8;
	[tilespmem:$0x9000] =	vst v63  }
0x36: {  	_ =	swait.ge [sflag:s13], $0x4000  }
0x37: {  	[sflag:s13] =	ssyncset.done $0x0  }
0x38: {  	[sflag:s13] =	ssyncadd.s32 $0xFFFFC000  }
0x39: {  	[hbm4b:s6+s3] =	stream.linear.scatter [tilespmem:s10], [sflag:$0x3], $0x4000, $0x38;
	[tilespmem:$0x9000] =	vst v63  }
0x3a: {  	_ =	swait.ge [sflag:s9], $0x4000  }
0x3b: {  	[sflag:s9] =	ssyncset.done $0x0  }
0x3c: {  	[sflag:s9] =	ssyncadd.s32 $0xFFFFC000  }
0x3d: {  	s16 =	sadd.s32 $0x1, s16;
	_ =	swait.ge [sflag:s14], $0x4000  }
0x3e: {  	p0 =	sne.s32 s16, s5;
	[sflag:s14] =	ssyncset.done $0x0  }
.Ltmp1:
0x3f: {  	[sflag:s14] =	ssyncadd.s32 $0xFFFFC000;
	(pc) =	sbr.rel @p0 .LBB2_1-.Ltmp1, $4  }
0x40: {  	[hbm4b:s7+s3] =	stream.linear.scatter [tilespmem:s12], [sflag:$0x3], $0x4000, $0x38;
	[tilespmem:$0x9000] =	vst v63  }
0x41: {  	_ =	swait.ge [sflag:s9], $0x4000  }
0x42: {  	[sflag:s9] =	ssyncset.done $0x0  }
0x43: {  	[sflag:s9] =	ssyncadd.s32 $0xFFFFC000  }
0x44: {  	_ =	sfence.sel $0x180000  }
0x45: {  	[bflag:$0x0] =	sbarrier.arrive $0xFFFF  }
0x46: {  	p0 =	sne.s32 s2, $0x0;
	_ =	strace $0x9000004D  }
0x47: {  	s0 =	sadd.s32 @!p0 $0x100000, s0;
	[bflag:$0x2] =	sbarrier.arrive $0xFFFF  }
0x48: {  	[sflag:s0] =	ssyncadd.tile.s32 @!p0 $0x1;
	_ =	shalt  }
.Lfunc_end2:
_tile_overlayer_lowered:
.L_overlay_start_2:
0x49: {  	(tag) =	ssettag $0x2  }
0x4a: {  	s0 =	rddreg [dreg:$0x0];
	s2 =	stileid.u32  }
0x4b: {  	s1 =	rddreg [dreg:$0x1];
	p0 =	sne.s32 s2, $0x0  }
0x4c: {  	s3 =	rddreg [dreg:$0x2];
	[bflag:$0x3] =	sbarrier.arrive $0xFFFF;
	s2 =	simm.s32 @!p0 $0x1C03  }
0x4d: {  	[timem:s3], [sflag:s2] =	dma.local @!p0 [hbm:s0], s1  }
0x4e: {  	s0 =	simm.s32 @!p0 $0x3  }
0x4f: {  	_ =	swait.ge @!p0 [sflag:s0], s1  }
0x50: {  	s1 =	ssub.s32 @!p0 $0x0, s1;
	[sflag:s0] =	ssyncset.done @!p0 $0x0  }
0x51: {  	[sflag:s0] =	ssyncadd.s32 @!p0 s1  }
0x52: {  	[bflag:$0x3] =	sbarrier.arrive $0xFFFF  }
0x53: {  	_ =	shalt  }

</sc_bundles>
